<compile_context>
chip_gen: v7x
topology: tpu7x:2x2x1
jax: 0.10.2.dev20260603
libtpu: 0.0.44.dev20260713+nightly
codegen_flags: <defaults>
</compile_context>

<pallas_src>
import functools

import jax
import jax.numpy as jnp
from jax import lax
from jax.experimental import pallas as pl
from jax.experimental.pallas import tpu as pltpu
from jax.experimental.pallas import tpu_sc as plsc

D = 128
H = 50
L = 16
NC = 2
NS = 16
NW = NC * NS
NCH = D // L
HP = 64


def _sc_gather_attend(items, users, history_users, emb_item, emb_user):
    B = items.shape[0]
    b_per_w = B // NW
    mesh = plsc.VectorSubcoreMesh(
        core_axis_name="c", subcore_axis_name="s",
        num_cores=NC, num_subcores=NS)

    @functools.partial(
        pl.kernel,
        mesh=mesh,
        compiler_params=pltpu.CompilerParams(needs_layout_passes=False),
        out_type=(
            jax.ShapeDtypeStruct((B, D), jnp.float32),
            jax.ShapeDtypeStruct((B, D), jnp.float32),
            jax.ShapeDtypeStruct((B, D), jnp.float32),
        ),
        scratch_types=[
            pltpu.VMEM((b_per_w,), jnp.int32),
            pltpu.VMEM((b_per_w,), jnp.int32),
            pltpu.VMEM((b_per_w, H), jnp.int32),
            pltpu.VMEM((b_per_w, D), jnp.float32),
            pltpu.VMEM((b_per_w, D), jnp.float32),
            pltpu.VMEM((H, D), jnp.float32),
            pltpu.VMEM((H, D), jnp.float32),
            pltpu.VMEM((H, D), jnp.float32),
            pltpu.VMEM((H, D), jnp.float32),
            pltpu.VMEM((b_per_w, D), jnp.float32),
            pltpu.VMEM((HP * (L + 1),), jnp.float32),
            pltpu.VMEM((HP + L,), jnp.float32),
            pltpu.SemaphoreType.DMA,
            pltpu.SemaphoreType.DMA,
            pltpu.SemaphoreType.DMA,
            pltpu.SemaphoreType.DMA,
            pltpu.SemaphoreType.DMA,
            pltpu.SemaphoreType.DMA,
        ],
    )
    def sc_kernel(items_hbm, users_hbm, hist_hbm, emb_item_hbm, emb_user_hbm,
                  it_out, ue_out, uh_out,
                  iidx, uidx, hidx, irows, urows, h0, h1, h2, h3, uh,
                  dbuf, sbuf,
                  sem_i, sem_u, sem_h0, sem_h1, sem_h2, sem_h3):
        wid = lax.axis_index("s") * NC + lax.axis_index("c")
        base = wid * b_per_w

        pltpu.sync_copy(items_hbm.at[pl.ds(base, b_per_w)], iidx)
        pltpu.sync_copy(users_hbm.at[pl.ds(base, b_per_w)], uidx)
        pltpu.sync_copy(hist_hbm.at[pl.ds(base, b_per_w)], hidx)

        item_cp = pltpu.make_async_copy(emb_item_hbm.at[iidx], irows, sem_i)
        item_cp.start()
        user_cp = pltpu.make_async_copy(emb_user_hbm.at[uidx], urows, sem_u)
        user_cp.start()
        user_cp.wait()

        hbufs = (h0, h1, h2, h3)
        hsems = (sem_h0, sem_h1, sem_h2, sem_h3)
        nbuf = len(hbufs)

        def hist_cp(b, k):
            return pltpu.make_async_copy(
                emb_user_hbm.at[hidx.at[b]], hbufs[k], hsems[k])

        for k in range(nbuf):
            hist_cp(k, k).start()

        iotav = lax.iota(jnp.int32, L) * (L + 1)
        zv = jnp.zeros((L,), jnp.float32)

        for r in range(H, HP):
            dbuf[pl.ds(r * (L + 1), L)] = zv

        def attend(b, hbuf):
            uch = [urows[b, pl.ds(c * L, L)] for c in range(NCH)]

            @plsc.parallel_loop(0, H, unroll=5)
            def _(h):
                hch = [hbuf[h, pl.ds(c * L, L)] for c in range(NCH)]
                m = [hch[c] * uch[c] for c in range(NCH)]
                while len(m) > 1:
                    m = [m[i] + m[i + 1] for i in range(0, len(m), 2)]
                dbuf[pl.ds(h * (L + 1), L)] = m[0]

            @plsc.parallel_loop(0, HP // L)
            def _(g):
                gbase = g * (L * (L + 1))
                m = [plsc.load_gather(dbuf, [iotav + (gbase + c)])
                     for c in range(L)]
                while len(m) > 1:
                    m = [m[i] + m[i + 1] for i in range(0, len(m), 2)]
                sbuf[pl.ds(g * L, L)] = m[0]

            def p2(h, acc):
                sh = sbuf[pl.ds(h, L)][0]
                hch = [hbuf[h, pl.ds(c * L, L)] for c in range(NCH)]
                return tuple(acc[c] + sh * hch[c] for c in range(NCH))

            acc = plsc.parallel_loop(
                0, H, unroll=5, carry=tuple(zv for _ in range(NCH)))(p2)
            for c in range(NCH):
                uh[b, pl.ds(c * L, L)] = acc[c]

        def body(i, carry):
            for k in range(nbuf):
                b = nbuf * i + k
                hist_cp(b, k).wait()

                @pl.when(b + nbuf < b_per_w)
                def _():
                    hist_cp(b + nbuf, k).start()

                attend(b, hbufs[k])
            return carry

        lax.fori_loop(0, b_per_w // nbuf, body, 0)
        item_cp.wait()

        pltpu.sync_copy(irows, it_out.at[pl.ds(base, b_per_w)])
        pltpu.sync_copy(urows, ue_out.at[pl.ds(base, b_per_w)])
        pltpu.sync_copy(uh, uh_out.at[pl.ds(base, b_per_w)])

    return sc_kernel(items, users, history_users, emb_item, emb_user)


def _bn_dice(x, gamma, beta, alpha, n_feat):
    x = x * (gamma / jnp.sqrt(1.0 + 1e-5)) + beta
    avg = jnp.sum(x, axis=1, keepdims=True) * (1.0 / n_feat)
    cen = x - avg
    var = jnp.sum(cen * cen, axis=1, keepdims=True) + n_feat * 1e-3
    ps = jax.nn.sigmoid(cen / jnp.sqrt(var))
    return (ps + (1.0 - ps) * alpha) * x


def _tc_mlp(it, uh, ue, W1, b1, g1, be1, a1, W2, b2, g2, be2, a2, w3, b3):
    B = it.shape[0]
    F1 = W1.shape[0]
    F2 = W2.shape[0]
    dn = (((1,), (1,)), ((), ()))
    BT = 1024 if B % 1024 == 0 else B
    grid = B // BT

    def body(it_ref, uh_ref, ue_ref, w1_ref, b1_ref, g1_ref, be1_ref, a1_ref,
             w2_ref, b2_ref, g2_ref, be2_ref, a2_ref, w3_ref, b3_ref, o_ref):
        h = (lax.dot_general(it_ref[...], w1_ref[:, 0:D], dn,
                             preferred_element_type=jnp.float32)
             + lax.dot_general(uh_ref[...], w1_ref[:, D:2 * D], dn,
                               preferred_element_type=jnp.float32)
             + lax.dot_general(ue_ref[...], w1_ref[:, 2 * D:3 * D], dn,
                               preferred_element_type=jnp.float32)
             + b1_ref[...])
        h = _bn_dice(h, g1_ref[...], be1_ref[...], a1_ref[0, 0], float(F1))
        h = lax.dot_general(h, w2_ref[...], dn,
                            preferred_element_type=jnp.float32) + b2_ref[...]
        h = _bn_dice(h, g2_ref[...], be2_ref[...], a2_ref[0, 0], float(F2))
        o_ref[...] = (jnp.sum(h * w3_ref[...], axis=1, keepdims=True)
                      + b3_ref[0, 0])

    row_spec = pl.BlockSpec((BT, D), lambda i: (i, 0))

    def rep(shape):
        return pl.BlockSpec(shape, lambda i: (0,) * len(shape))

    return pl.pallas_call(
        body,
        grid=(grid,),
        in_specs=[
            row_spec, row_spec, row_spec,
            rep((F1, 3 * D)), rep((1, F1)), rep((1, F1)), rep((1, F1)),
            rep((1, 1)),
            rep((F2, F1)), rep((1, F2)), rep((1, F2)), rep((1, F2)),
            rep((1, 1)),
            rep((1, F2)), rep((1, 1)),
        ],
        out_specs=pl.BlockSpec((BT, 1), lambda i: (i, 0)),
        out_shape=jax.ShapeDtypeStruct((B, 1), jnp.float32),
    )(it, uh, ue, W1, b1.reshape(1, F1), g1.reshape(1, F1),
      be1.reshape(1, F1), a1.reshape(1, 1), W2, b2.reshape(1, F2),
      g2.reshape(1, F2), be2.reshape(1, F2), a2.reshape(1, 1),
      w3, b3.reshape(1, 1))


def kernel(items, users, history_users, emb_item, emb_user,
           W1, b1, g1, be1, a1, W2, b2, g2, be2, a2, W3, b3):
    it, ue, uh = _sc_gather_attend(
        items.astype(jnp.int32), users.astype(jnp.int32),
        history_users.astype(jnp.int32), emb_item, emb_user)
    return _tc_mlp(it, uh, ue, W1, b1, g1, be1, a1,
                   W2, b2, g2, be2, a2, W3, b3)

# --- scband reference (transcript-rebuilt; emitter-appended) ---
"""Pipeline reference for scband-din-21028159881325 (READ-ONLY COPY).

The authoritative reference and input builder live on the scoring server;
editing this copy changes nothing except your own understanding.
"""

import jax, jax.numpy as jnp
import numpy as np

N_ITEM = 100000
M_USER = 100000
D = 128
B = 4096
H = 50
F1 = 512
F2 = 256


def setup_inputs(seed: int = 0) -> dict:
    key = jax.random.key(seed)
    ks = jax.random.split(key, 12)
    items = jax.random.randint(ks[0], (B,), 0, N_ITEM)
    users = jax.random.randint(ks[1], (B,), 0, M_USER)
    history_users = jax.random.randint(ks[2], (B, H), 0, M_USER)
    lim_i = float(np.sqrt(6.0 / (N_ITEM + D)))
    lim_u = float(np.sqrt(6.0 / (M_USER + D)))
    emb_item = jax.random.uniform(ks[3], (N_ITEM, D), minval=-lim_i, maxval=lim_i, dtype=jnp.float32)
    emb_user = jax.random.uniform(ks[4], (M_USER, D), minval=-lim_u, maxval=lim_u, dtype=jnp.float32)
    W1 = jax.random.normal(ks[5], (F1, 3 * D), dtype=jnp.float32) * 0.02
    b1 = jnp.zeros((F1,), dtype=jnp.float32)
    g1 = jnp.ones((F1,), dtype=jnp.float32)
    be1 = jnp.zeros((F1,), dtype=jnp.float32)
    a1 = jax.random.normal(ks[6], (1,), dtype=jnp.float32)
    W2 = jax.random.normal(ks[7], (F2, F1), dtype=jnp.float32) * 0.02
    b2 = jnp.zeros((F2,), dtype=jnp.float32)
    g2 = jnp.ones((F2,), dtype=jnp.float32)
    be2 = jnp.zeros((F2,), dtype=jnp.float32)
    a2 = jax.random.normal(ks[8], (1,), dtype=jnp.float32)
    W3 = jax.random.normal(ks[9], (1, F2), dtype=jnp.float32) * 0.02
    b3 = jnp.zeros((1,), dtype=jnp.float32)
    return {"items": items, "users": users, "history_users": history_users,
            "emb_item": emb_item, "emb_user": emb_user,
            "W1": W1, "b1": b1, "g1": g1, "be1": be1, "a1": a1,
            "W2": W2, "b2": b2, "g2": g2, "be2": be2, "a2": a2,
            "W3": W3, "b3": b3}


def _dice(x, alpha):
    # Dice activation: eps=0.001, var is a SUM (not mean) per the original code
    avg = jnp.mean(x, axis=1, keepdims=True)
    var = jnp.sum((x - avg) ** 2 + 1e-3, axis=1, keepdims=True)
    ps = jax.nn.sigmoid((x - avg) / jnp.sqrt(var))
    return ps * x + (1.0 - ps) * alpha * x


def _bn_eval(x, gamma, beta):
    # BatchNorm1d in eval mode with fresh running stats (mean=0, var=1, eps=1e-5)
    return x / jnp.sqrt(1.0 + 1e-5) * gamma + beta


def _forward(items, users, history_users, emb_item, emb_user,
             W1, b1, g1, be1, a1, W2, b2, g2, be2, a2, W3, b3):
    items_emb = jnp.take(emb_item, items, axis=0)          # [B, D]
    user_emb = jnp.take(emb_user, users, axis=0)           # [B, D]
    hist_emb = jnp.take(emb_user, history_users, axis=0)   # [B, H, D]
    # attention_layer: score = <hist_u, user>, weighted sum of hist embeddings
    hist_score = jnp.einsum('bhd,bd->bh', hist_emb, user_emb)
    user_his_emb = jnp.einsum('bh,bhd->bd', hist_score, hist_emb)
    x = jnp.concatenate([items_emb, user_his_emb, user_emb], axis=1)  # [B, 3D]
    h = x @ W1.T + b1
    h = _dice(_bn_eval(h, g1, be1), a1)
    h = h @ W2.T + b2
    h = _dice(_bn_eval(h, g2, be2), a2)
    return h @ W3.T + b3  # [B, 1]


def reference(items, users, history_users, emb_item, emb_user,
              W1, b1, g1, be1, a1, W2, b2, g2, be2, a2, W3, b3):
    return _forward(items, users, history_users, emb_item, emb_user,
                    W1, b1, g1, be1, a1, W2, b2, g2, be2, a2, W3, b3)

if __name__ == "__main__":
    import jax
    _d = setup_inputs()
    print(jax.jit(kernel)(*tuple(_d.values())))

</pallas_src>

<mosaic_0001>
#map = affine_map<(d0, d1) -> (0)>
#map1 = affine_map<(d0, d1) -> (0, 0)>
module attributes {stable_mosaic.version = 14 : i64} {
  func.func @sc_kernel(%arg0: i32, %arg1: i32, %arg2: memref<4096xi32, #tpu.memory_space<hbm>>, %arg3: memref<4096xi32, #tpu.memory_space<hbm>>, %arg4: memref<4096x50xi32, #tpu.memory_space<hbm>>, %arg5: memref<100000x128xf32, #tpu.memory_space<hbm>>, %arg6: memref<100000x128xf32, #tpu.memory_space<hbm>>, %arg7: memref<4096x128xf32, #tpu.memory_space<hbm>>, %arg8: memref<4096x128xf32, #tpu.memory_space<hbm>>, %arg9: memref<4096x128xf32, #tpu.memory_space<hbm>>, %arg10: memref<128xi32, #tpu.memory_space<vmem>>, %arg11: memref<128xi32, #tpu.memory_space<vmem>>, %arg12: memref<128x50xi32, #tpu.memory_space<vmem>>, %arg13: memref<128x128xf32, #tpu.memory_space<vmem>>, %arg14: memref<128x128xf32, #tpu.memory_space<vmem>>, %arg15: memref<50x128xf32, #tpu.memory_space<vmem>>, %arg16: memref<50x128xf32, #tpu.memory_space<vmem>>, %arg17: memref<50x128xf32, #tpu.memory_space<vmem>>, %arg18: memref<50x128xf32, #tpu.memory_space<vmem>>, %arg19: memref<128x128xf32, #tpu.memory_space<vmem>>, %arg20: memref<1088xf32, #tpu.memory_space<vmem>>, %arg21: memref<80xf32, #tpu.memory_space<vmem>>, %arg22: memref<!tpu.dma_semaphore, #tpu.memory_space<semaphore_mem>>, %arg23: memref<!tpu.dma_semaphore, #tpu.memory_space<semaphore_mem>>, %arg24: memref<!tpu.dma_semaphore, #tpu.memory_space<semaphore_mem>>, %arg25: memref<!tpu.dma_semaphore, #tpu.memory_space<semaphore_mem>>, %arg26: memref<!tpu.dma_semaphore, #tpu.memory_space<semaphore_mem>>, %arg27: memref<!tpu.dma_semaphore, #tpu.memory_space<semaphore_mem>>) attributes {dimension_semantics = [#tpu.dimension_semantics<core_parallel>, #tpu.dimension_semantics<subcore_parallel>], iteration_bounds = array<i64: 2, 16>, scalar_prefetch = 0 : i64, scratch_operands = 18 : i64, tpu.core_type = #tpu.core_type<sc_vector_subcore>, window_params = [{transform_indices = #map}, {transform_indices = #map}, {transform_indices = #map1}, {transform_indices = #map1}, {transform_indices = #map1}, {transform_indices = #map1}, {transform_indices = #map1}, {transform_indices = #map1}]} {
    %mul3A = arith.constant 2 : i32
    %mul3A_0 = arith.muli %arg1, %mul3A : i32
    %add3A = arith.addi %mul3A_0, %arg0 : i32
    %mul3A_1 = arith.constant 128 : i32
    %mul3A_2 = arith.muli %add3A, %mul3A_1 : i32
    "tpu.region"() ({
      %run_scoped3A = tpu.sem_alloc : memref<!tpu.dma_semaphore, #tpu.memory_space<semaphore_mem>>
      %dma_start3A_77 = tpu.memref_slice %arg2[%mul3A_2] : memref<4096xi32, #tpu.memory_space<hbm>> -> memref<128xi32, #tpu.memory_space<hbm>>
      %dma_start3A_78 = tpu.memref_slice %arg2[%mul3A_2] : memref<4096xi32, #tpu.memory_space<hbm>> -> memref<128xi32, #tpu.memory_space<hbm>>
      tpu.enqueue_dma source(%dma_start3A_78 : memref<128xi32, #tpu.memory_space<hbm>>) target(%arg10 : memref<128xi32, #tpu.memory_space<vmem>>) target_semaphore(%run_scoped3A : memref<!tpu.dma_semaphore, #tpu.memory_space<semaphore_mem>>)
      %dma_wait3A_79 = tpu.memref_slice %arg2[%mul3A_2] : memref<4096xi32, #tpu.memory_space<hbm>> -> memref<128xi32, #tpu.memory_space<hbm>>
      %dma_wait3A_80 = tpu.memref_slice %arg2[%mul3A_2] : memref<4096xi32, #tpu.memory_space<hbm>> -> memref<128xi32, #tpu.memory_space<hbm>>
      tpu.wait_dma2 semaphore(%run_scoped3A : memref<!tpu.dma_semaphore, #tpu.memory_space<semaphore_mem>>) src(%dma_wait3A_80 : memref<128xi32, #tpu.memory_space<hbm>>) dst(%arg10 : memref<128xi32, #tpu.memory_space<vmem>>)
      tpu.yield
    }) : () -> ()
    "tpu.region"() ({
      %run_scoped3A = tpu.sem_alloc : memref<!tpu.dma_semaphore, #tpu.memory_space<semaphore_mem>>
      %dma_start3A_77 = tpu.memref_slice %arg3[%mul3A_2] : memref<4096xi32, #tpu.memory_space<hbm>> -> memref<128xi32, #tpu.memory_space<hbm>>
      %dma_start3A_78 = tpu.memref_slice %arg3[%mul3A_2] : memref<4096xi32, #tpu.memory_space<hbm>> -> memref<128xi32, #tpu.memory_space<hbm>>
      tpu.enqueue_dma source(%dma_start3A_78 : memref<128xi32, #tpu.memory_space<hbm>>) target(%arg11 : memref<128xi32, #tpu.memory_space<vmem>>) target_semaphore(%run_scoped3A : memref<!tpu.dma_semaphore, #tpu.memory_space<semaphore_mem>>)
      %dma_wait3A_79 = tpu.memref_slice %arg3[%mul3A_2] : memref<4096xi32, #tpu.memory_space<hbm>> -> memref<128xi32, #tpu.memory_space<hbm>>
      %dma_wait3A_80 = tpu.memref_slice %arg3[%mul3A_2] : memref<4096xi32, #tpu.memory_space<hbm>> -> memref<128xi32, #tpu.memory_space<hbm>>
      tpu.wait_dma2 semaphore(%run_scoped3A : memref<!tpu.dma_semaphore, #tpu.memory_space<semaphore_mem>>) src(%dma_wait3A_80 : memref<128xi32, #tpu.memory_space<hbm>>) dst(%arg11 : memref<128xi32, #tpu.memory_space<vmem>>)
      tpu.yield
    }) : () -> ()
    "tpu.region"() ({
      %run_scoped3A = tpu.sem_alloc : memref<!tpu.dma_semaphore, #tpu.memory_space<semaphore_mem>>
      %dma_start3A_77 = arith.constant 0 : i32
      %dma_start3A_78 = tpu.memref_slice %arg4[%mul3A_2, %dma_start3A_77] : memref<4096x50xi32, #tpu.memory_space<hbm>> -> memref<128x50xi32, #tpu.memory_space<hbm>>
      %dma_start3A_79 = arith.constant 0 : i32
      %dma_start3A_80 = tpu.memref_slice %arg4[%mul3A_2, %dma_start3A_79] : memref<4096x50xi32, #tpu.memory_space<hbm>> -> memref<128x50xi32, #tpu.memory_space<hbm>>
      tpu.enqueue_dma source(%dma_start3A_80 : memref<128x50xi32, #tpu.memory_space<hbm>>) target(%arg12 : memref<128x50xi32, #tpu.memory_space<vmem>>) target_semaphore(%run_scoped3A : memref<!tpu.dma_semaphore, #tpu.memory_space<semaphore_mem>>)
      %dma_wait3A_81 = arith.constant 0 : i32
      %dma_wait3A_82 = tpu.memref_slice %arg4[%mul3A_2, %dma_wait3A_81] : memref<4096x50xi32, #tpu.memory_space<hbm>> -> memref<128x50xi32, #tpu.memory_space<hbm>>
      %dma_wait3A_83 = arith.constant 0 : i32
      %dma_wait3A_84 = tpu.memref_slice %arg4[%mul3A_2, %dma_wait3A_83] : memref<4096x50xi32, #tpu.memory_space<hbm>> -> memref<128x50xi32, #tpu.memory_space<hbm>>
      tpu.wait_dma2 semaphore(%run_scoped3A : memref<!tpu.dma_semaphore, #tpu.memory_space<semaphore_mem>>) src(%dma_wait3A_84 : memref<128x50xi32, #tpu.memory_space<hbm>>) dst(%arg12 : memref<128x50xi32, #tpu.memory_space<vmem>>)
      tpu.yield
    }) : () -> ()
    %dma_start3A = arith.constant 0 : i32
    %dma_start3A_3 = arith.constant 0 : i32
    %dma_start3A_4 = tpu.memref_slice %arg5[%dma_start3A, %dma_start3A_3] : memref<100000x128xf32, #tpu.memory_space<hbm>> -> memref<100000x128xf32, #tpu.memory_space<hbm>>
    tpu.enqueue_indirect_dma source(%dma_start3A_4 : memref<100000x128xf32, #tpu.memory_space<hbm>>) target(%arg13 : memref<128x128xf32, #tpu.memory_space<vmem>>) offsets(%arg10 : memref<128xi32, #tpu.memory_space<vmem>>) semaphore(%arg22 : memref<!tpu.dma_semaphore, #tpu.memory_space<semaphore_mem>>)
    %dma_start3A_5 = arith.constant 0 : i32
    %dma_start3A_6 = arith.constant 0 : i32
    %dma_start3A_7 = tpu.memref_slice %arg6[%dma_start3A_5, %dma_start3A_6] : memref<100000x128xf32, #tpu.memory_space<hbm>> -> memref<100000x128xf32, #tpu.memory_space<hbm>>
    tpu.enqueue_indirect_dma source(%dma_start3A_7 : memref<100000x128xf32, #tpu.memory_space<hbm>>) target(%arg14 : memref<128x128xf32, #tpu.memory_space<vmem>>) offsets(%arg11 : memref<128xi32, #tpu.memory_space<vmem>>) semaphore(%arg23 : memref<!tpu.dma_semaphore, #tpu.memory_space<semaphore_mem>>)
    %dma_wait3A = arith.constant 0 : i32
    %dma_wait3A_8 = arith.constant 0 : i32
    %dma_wait3A_9 = tpu.memref_slice %arg6[%dma_wait3A, %dma_wait3A_8] : memref<100000x128xf32, #tpu.memory_space<hbm>> -> memref<100000x128xf32, #tpu.memory_space<hbm>>
    tpu.wait_indirect_dma semaphore(%arg23 : memref<!tpu.dma_semaphore, #tpu.memory_space<semaphore_mem>>) src(%dma_wait3A_9 : memref<100000x128xf32, #tpu.memory_space<hbm>>) dst(%arg14 : memref<128x128xf32, #tpu.memory_space<vmem>>)
    %dma_start3A_10 = arith.constant 0 : i32
    %dma_start3A_11 = arith.constant 0 : i32
    %dma_start3A_12 = tpu.memref_slice %arg12[%dma_start3A_10, %dma_start3A_11] : memref<128x50xi32, #tpu.memory_space<vmem>> -> memref<1x50xi32, #tpu.memory_space<vmem>>
    %dma_start3A_13 = tpu.memref_squeeze %dma_start3A_12 : memref<1x50xi32, #tpu.memory_space<vmem>> -> memref<50xi32, #tpu.memory_space<vmem>>
    %dma_start3A_14 = arith.constant 0 : i32
    %dma_start3A_15 = arith.constant 0 : i32
    %dma_start3A_16 = tpu.memref_slice %arg6[%dma_start3A_14, %dma_start3A_15] : memref<100000x128xf32, #tpu.memory_space<hbm>> -> memref<100000x128xf32, #tpu.memory_space<hbm>>
    tpu.enqueue_indirect_dma source(%dma_start3A_16 : memref<100000x128xf32, #tpu.memory_space<hbm>>) target(%arg15 : memref<50x128xf32, #tpu.memory_space<vmem>>) offsets(%dma_start3A_13 : memref<50xi32, #tpu.memory_space<vmem>>) semaphore(%arg24 : memref<!tpu.dma_semaphore, #tpu.memory_space<semaphore_mem>>)
    %dma_start3A_17 = arith.constant 1 : i32
    %dma_start3A_18 = arith.constant 0 : i32
    %dma_start3A_19 = tpu.memref_slice %arg12[%dma_start3A_17, %dma_start3A_18] : memref<128x50xi32, #tpu.memory_space<vmem>> -> memref<1x50xi32, #tpu.memory_space<vmem>>
    %dma_start3A_20 = tpu.memref_squeeze %dma_start3A_19 : memref<1x50xi32, #tpu.memory_space<vmem>> -> memref<50xi32, #tpu.memory_space<vmem>>
    %dma_start3A_21 = arith.constant 0 : i32
    %dma_start3A_22 = arith.constant 0 : i32
    %dma_start3A_23 = tpu.memref_slice %arg6[%dma_start3A_21, %dma_start3A_22] : memref<100000x128xf32, #tpu.memory_space<hbm>> -> memref<100000x128xf32, #tpu.memory_space<hbm>>
    tpu.enqueue_indirect_dma source(%dma_start3A_23 : memref<100000x128xf32, #tpu.memory_space<hbm>>) target(%arg16 : memref<50x128xf32, #tpu.memory_space<vmem>>) offsets(%dma_start3A_20 : memref<50xi32, #tpu.memory_space<vmem>>) semaphore(%arg25 : memref<!tpu.dma_semaphore, #tpu.memory_space<semaphore_mem>>)
    %dma_start3A_24 = arith.constant 2 : i32
    %dma_start3A_25 = arith.constant 0 : i32
    %dma_start3A_26 = tpu.memref_slice %arg12[%dma_start3A_24, %dma_start3A_25] : memref<128x50xi32, #tpu.memory_space<vmem>> -> memref<1x50xi32, #tpu.memory_space<vmem>>
    %dma_start3A_27 = tpu.memref_squeeze %dma_start3A_26 : memref<1x50xi32, #tpu.memory_space<vmem>> -> memref<50xi32, #tpu.memory_space<vmem>>
    %dma_start3A_28 = arith.constant 0 : i32
    %dma_start3A_29 = arith.constant 0 : i32
    %dma_start3A_30 = tpu.memref_slice %arg6[%dma_start3A_28, %dma_start3A_29] : memref<100000x128xf32, #tpu.memory_space<hbm>> -> memref<100000x128xf32, #tpu.memory_space<hbm>>
    tpu.enqueue_indirect_dma source(%dma_start3A_30 : memref<100000x128xf32, #tpu.memory_space<hbm>>) target(%arg17 : memref<50x128xf32, #tpu.memory_space<vmem>>) offsets(%dma_start3A_27 : memref<50xi32, #tpu.memory_space<vmem>>) semaphore(%arg26 : memref<!tpu.dma_semaphore, #tpu.memory_space<semaphore_mem>>)
    %dma_start3A_31 = arith.constant 3 : i32
    %dma_start3A_32 = arith.constant 0 : i32
    %dma_start3A_33 = tpu.memref_slice %arg12[%dma_start3A_31, %dma_start3A_32] : memref<128x50xi32, #tpu.memory_space<vmem>> -> memref<1x50xi32, #tpu.memory_space<vmem>>
    %dma_start3A_34 = tpu.memref_squeeze %dma_start3A_33 : memref<1x50xi32, #tpu.memory_space<vmem>> -> memref<50xi32, #tpu.memory_space<vmem>>
    %dma_start3A_35 = arith.constant 0 : i32
    %dma_start3A_36 = arith.constant 0 : i32
    %dma_start3A_37 = tpu.memref_slice %arg6[%dma_start3A_35, %dma_start3A_36] : memref<100000x128xf32, #tpu.memory_space<hbm>> -> memref<100000x128xf32, #tpu.memory_space<hbm>>
    tpu.enqueue_indirect_dma source(%dma_start3A_37 : memref<100000x128xf32, #tpu.memory_space<hbm>>) target(%arg18 : memref<50x128xf32, #tpu.memory_space<vmem>>) offsets(%dma_start3A_34 : memref<50xi32, #tpu.memory_space<vmem>>) semaphore(%arg27 : memref<!tpu.dma_semaphore, #tpu.memory_space<semaphore_mem>>)
    %iota3A = tpu.iota {dimensions = array<i32: 0>} : vector<16xi32>
    %mul3A_38 = arith.constant 17 : i32
    %mul3A_39 = vector.broadcast %mul3A_38 : i32 to vector<16xi32>
    %mul3A_40 = arith.muli %iota3A, %mul3A_39 : vector<16xi32>
    %broadcast_in_dim3A = arith.constant 0.000000e+00 : f32
    %broadcast_in_dim3A_41 = vector.broadcast %broadcast_in_dim3A : f32 to vector<16xf32>
    %swap3A = arith.constant 850 : index
    %swap3A_42 = tpu.vector_load %arg20[%swap3A] {strides = array<i32>} : memref<1088xf32, #tpu.memory_space<vmem>>, vector<16xf32>,
    tpu.vector_store %arg20[%swap3A], %broadcast_in_dim3A_41 {strides = array<i32>} : memref<1088xf32, #tpu.memory_space<vmem>>, vector<16xf32>,
    %swap3A_43 = arith.constant 867 : index
    %swap3A_44 = tpu.vector_load %arg20[%swap3A_43] {strides = array<i32>} : memref<1088xf32, #tpu.memory_space<vmem>>, vector<16xf32>,
    tpu.vector_store %arg20[%swap3A_43], %broadcast_in_dim3A_41 {strides = array<i32>} : memref<1088xf32, #tpu.memory_space<vmem>>, vector<16xf32>,
    %swap3A_45 = arith.constant 884 : index
    %swap3A_46 = tpu.vector_load %arg20[%swap3A_45] {strides = array<i32>} : memref<1088xf32, #tpu.memory_space<vmem>>, vector<16xf32>,
    tpu.vector_store %arg20[%swap3A_45], %broadcast_in_dim3A_41 {strides = array<i32>} : memref<1088xf32, #tpu.memory_space<vmem>>, vector<16xf32>,
    %swap3A_47 = arith.constant 901 : index
    %swap3A_48 = tpu.vector_load %arg20[%swap3A_47] {strides = array<i32>} : memref<1088xf32, #tpu.memory_space<vmem>>, vector<16xf32>,
    tpu.vector_store %arg20[%swap3A_47], %broadcast_in_dim3A_41 {strides = array<i32>} : memref<1088xf32, #tpu.memory_space<vmem>>, vector<16xf32>,
    %swap3A_49 = arith.constant 918 : index
    %swap3A_50 = tpu.vector_load %arg20[%swap3A_49] {strides = array<i32>} : memref<1088xf32, #tpu.memory_space<vmem>>, vector<16xf32>,
    tpu.vector_store %arg20[%swap3A_49], %broadcast_in_dim3A_41 {strides = array<i32>} : memref<1088xf32, #tpu.memory_space<vmem>>, vector<16xf32>,
    %swap3A_51 = arith.constant 935 : index
    %swap3A_52 = tpu.vector_load %arg20[%swap3A_51] {strides = array<i32>} : memref<1088xf32, #tpu.memory_space<vmem>>, vector<16xf32>,
    tpu.vector_store %arg20[%swap3A_51], %broadcast_in_dim3A_41 {strides = array<i32>} : memref<1088xf32, #tpu.memory_space<vmem>>, vector<16xf32>,
    %swap3A_53 = arith.constant 952 : index
    %swap3A_54 = tpu.vector_load %arg20[%swap3A_53] {strides = array<i32>} : memref<1088xf32, #tpu.memory_space<vmem>>, vector<16xf32>,
    tpu.vector_store %arg20[%swap3A_53], %broadcast_in_dim3A_41 {strides = array<i32>} : memref<1088xf32, #tpu.memory_space<vmem>>, vector<16xf32>,
    %swap3A_55 = arith.constant 969 : index
    %swap3A_56 = tpu.vector_load %arg20[%swap3A_55] {strides = array<i32>} : memref<1088xf32, #tpu.memory_space<vmem>>, vector<16xf32>,
    tpu.vector_store %arg20[%swap3A_55], %broadcast_in_dim3A_41 {strides = array<i32>} : memref<1088xf32, #tpu.memory_space<vmem>>, vector<16xf32>,
    %swap3A_57 = arith.constant 986 : index
    %swap3A_58 = tpu.vector_load %arg20[%swap3A_57] {strides = array<i32>} : memref<1088xf32, #tpu.memory_space<vmem>>, vector<16xf32>,
    tpu.vector_store %arg20[%swap3A_57], %broadcast_in_dim3A_41 {strides = array<i32>} : memref<1088xf32, #tpu.memory_space<vmem>>, vector<16xf32>,
    %swap3A_59 = arith.constant 1003 : index
    %swap3A_60 = tpu.vector_load %arg20[%swap3A_59] {strides = array<i32>} : memref<1088xf32, #tpu.memory_space<vmem>>, vector<16xf32>,
    tpu.vector_store %arg20[%swap3A_59], %broadcast_in_dim3A_41 {strides = array<i32>} : memref<1088xf32, #tpu.memory_space<vmem>>, vector<16xf32>,
    %swap3A_61 = arith.constant 1020 : index
    %swap3A_62 = tpu.vector_load %arg20[%swap3A_61] {strides = array<i32>} : memref<1088xf32, #tpu.memory_space<vmem>>, vector<16xf32>,
    tpu.vector_store %arg20[%swap3A_61], %broadcast_in_dim3A_41 {strides = array<i32>} : memref<1088xf32, #tpu.memory_space<vmem>>, vector<16xf32>,
    %swap3A_63 = arith.constant 1037 : index
    %swap3A_64 = tpu.vector_load %arg20[%swap3A_63] {strides = array<i32>} : memref<1088xf32, #tpu.memory_space<vmem>>, vector<16xf32>,
    tpu.vector_store %arg20[%swap3A_63], %broadcast_in_dim3A_41 {strides = array<i32>} : memref<1088xf32, #tpu.memory_space<vmem>>, vector<16xf32>,
    %swap3A_65 = arith.constant 1054 : index
    %swap3A_66 = tpu.vector_load %arg20[%swap3A_65] {strides = array<i32>} : memref<1088xf32, #tpu.memory_space<vmem>>, vector<16xf32>,
    tpu.vector_store %arg20[%swap3A_65], %broadcast_in_dim3A_41 {strides = array<i32>} : memref<1088xf32, #tpu.memory_space<vmem>>, vector<16xf32>,
    %swap3A_67 = arith.constant 1071 : index
    %swap3A_68 = tpu.vector_load %arg20[%swap3A_67] {strides = array<i32>} : memref<1088xf32, #tpu.memory_space<vmem>>, vector<16xf32>,
    tpu.vector_store %arg20[%swap3A_67], %broadcast_in_dim3A_41 {strides = array<i32>} : memref<1088xf32, #tpu.memory_space<vmem>>, vector<16xf32>,
    %scan3A = arith.constant 0 : i32
    %scan3A_69 = arith.constant 0 : i32
    %scan3A_70 = arith.constant 32 : i32
    %scan3A_71 = arith.addi %scan3A_69, %scan3A_70 : i32
    %scan3A_72 = arith.constant 1 : i32
    scf.for %scan3A_77 = %scan3A_69 to %scan3A_71 step %scan3A_72  : i32 {
      %mul3A_78 = arith.constant 4 : i32
      %mul3A_79 = arith.muli %mul3A_78, %scan3A_77 : i32
      %add3A_80 = arith.constant 0 : i32
      %add3A_81 = arith.addi %mul3A_79, %add3A_80 : i32
      %dma_wait3A_82 = arith.constant 0 : i32
      %dma_wait3A_83 = tpu.memref_slice %arg12[%add3A_81, %dma_wait3A_82] : memref<128x50xi32, #tpu.memory_space<vmem>> -> memref<1x50xi32, #tpu.memory_space<vmem>>
      %dma_wait3A_84 = tpu.memref_squeeze %dma_wait3A_83 : memref<1x50xi32, #tpu.memory_space<vmem>> -> memref<50xi32, #tpu.memory_space<vmem>>
      %dma_wait3A_85 = arith.constant 0 : i32
      %dma_wait3A_86 = arith.constant 0 : i32
      %dma_wait3A_87 = tpu.memref_slice %arg6[%dma_wait3A_85, %dma_wait3A_86] : memref<100000x128xf32, #tpu.memory_space<hbm>> -> memref<100000x128xf32, #tpu.memory_space<hbm>>
      tpu.wait_indirect_dma semaphore(%arg24 : memref<!tpu.dma_semaphore, #tpu.memory_space<semaphore_mem>>) src(%dma_wait3A_87 : memref<100000x128xf32, #tpu.memory_space<hbm>>) dst(%arg15 : memref<50x128xf32, #tpu.memory_space<vmem>>)
      %add3A_88 = arith.constant 4 : i32
      %add3A_89 = arith.addi %add3A_81, %add3A_88 : i32
      %lt3A = arith.constant 128 : i32
      %lt3A_90 = arith.cmpi slt, %add3A_89, %lt3A : i32
      %convert_element_type3A = arith.extui %lt3A_90 : i1 to i32
      %cond3A = arith.constant 0 : i32
      %cond3A_91 = arith.cmpi ne, %convert_element_type3A, %cond3A : i32
      scf.if %cond3A_91 {
        %add3A_373 = arith.constant 4 : i32
        %add3A_374 = arith.addi %add3A_81, %add3A_373 : i32
        %dma_start3A_375 = arith.constant 0 : i32
        %dma_start3A_376 = tpu.memref_slice %arg12[%add3A_374, %dma_start3A_375] : memref<128x50xi32, #tpu.memory_space<vmem>> -> memref<1x50xi32, #tpu.memory_space<vmem>>
        %dma_start3A_377 = tpu.memref_squeeze %dma_start3A_376 : memref<1x50xi32, #tpu.memory_space<vmem>> -> memref<50xi32, #tpu.memory_space<vmem>>
        %dma_start3A_378 = arith.constant 0 : i32
        %dma_start3A_379 = arith.constant 0 : i32
        %dma_start3A_380 = tpu.memref_slice %arg6[%dma_start3A_378, %dma_start3A_379] : memref<100000x128xf32, #tpu.memory_space<hbm>> -> memref<100000x128xf32, #tpu.memory_space<hbm>>
        tpu.enqueue_indirect_dma source(%dma_start3A_380 : memref<100000x128xf32, #tpu.memory_space<hbm>>) target(%arg15 : memref<50x128xf32, #tpu.memory_space<vmem>>) offsets(%dma_start3A_377 : memref<50xi32, #tpu.memory_space<vmem>>) semaphore(%arg24 : memref<!tpu.dma_semaphore, #tpu.memory_space<semaphore_mem>>)
      } else {
      }
      %get3A = arith.index_cast %add3A_81 : i32 to index
      %get3A_92 = arith.constant 0 : index
      %get3A_93 = tpu.vector_load %arg14[%get3A, %get3A_92] {strides = array<i32>} : memref<128x128xf32, #tpu.memory_space<vmem>>, vector<16xf32>,
      %get3A_94 = arith.index_cast %add3A_81 : i32 to index
      %get3A_95 = arith.constant 16 : index
      %get3A_96 = tpu.vector_load %arg14[%get3A_94, %get3A_95] {strides = array<i32>} : memref<128x128xf32, #tpu.memory_space<vmem>>, vector<16xf32>,
      %get3A_97 = arith.index_cast %add3A_81 : i32 to index
      %get3A_98 = arith.constant 32 : index
      %get3A_99 = tpu.vector_load %arg14[%get3A_97, %get3A_98] {strides = array<i32>} : memref<128x128xf32, #tpu.memory_space<vmem>>, vector<16xf32>,
      %get3A_100 = arith.index_cast %add3A_81 : i32 to index
      %get3A_101 = arith.constant 48 : index
      %get3A_102 = tpu.vector_load %arg14[%get3A_100, %get3A_101] {strides = array<i32>} : memref<128x128xf32, #tpu.memory_space<vmem>>, vector<16xf32>,
      %get3A_103 = arith.index_cast %add3A_81 : i32 to index
      %get3A_104 = arith.constant 64 : index
      %get3A_105 = tpu.vector_load %arg14[%get3A_103, %get3A_104] {strides = array<i32>} : memref<128x128xf32, #tpu.memory_space<vmem>>, vector<16xf32>,
      %get3A_106 = arith.index_cast %add3A_81 : i32 to index
      %get3A_107 = arith.constant 80 : index
      %get3A_108 = tpu.vector_load %arg14[%get3A_106, %get3A_107] {strides = array<i32>} : memref<128x128xf32, #tpu.memory_space<vmem>>, vector<16xf32>,
      %get3A_109 = arith.index_cast %add3A_81 : i32 to index
      %get3A_110 = arith.constant 96 : index
      %get3A_111 = tpu.vector_load %arg14[%get3A_109, %get3A_110] {strides = array<i32>} : memref<128x128xf32, #tpu.memory_space<vmem>>, vector<16xf32>,
      %get3A_112 = arith.index_cast %add3A_81 : i32 to index
      %get3A_113 = arith.constant 112 : index
      %get3A_114 = tpu.vector_load %arg14[%get3A_112, %get3A_113] {strides = array<i32>} : memref<128x128xf32, #tpu.memory_space<vmem>>, vector<16xf32>,
      %parallel_loop3A = arith.constant 0 : i32
      %parallel_loop3A_115 = arith.constant 50 : i32
      %parallel_loop3A_116 = arith.constant 1 : i32
      scf.for %parallel_loop3A_373 = %parallel_loop3A to %parallel_loop3A_115 step %parallel_loop3A_116  : i32 {
        %parallel_loop3A_374 = arith.index_cast %parallel_loop3A_373 : i32 to index
        %parallel_loop3A_375 = arith.constant 0 : index
        %parallel_loop3A_376 = tpu.vector_load %arg15[%parallel_loop3A_374, %parallel_loop3A_375] {strides = array<i32>} : memref<50x128xf32, #tpu.memory_space<vmem>>, vector<16xf32>,
        %parallel_loop3A_377 = arith.index_cast %parallel_loop3A_373 : i32 to index
        %parallel_loop3A_378 = arith.constant 16 : index
        %parallel_loop3A_379 = tpu.vector_load %arg15[%parallel_loop3A_377, %parallel_loop3A_378] {strides = array<i32>} : memref<50x128xf32, #tpu.memory_space<vmem>>, vector<16xf32>,
        %parallel_loop3A_380 = arith.index_cast %parallel_loop3A_373 : i32 to index
        %parallel_loop3A_381 = arith.constant 32 : index
        %parallel_loop3A_382 = tpu.vector_load %arg15[%parallel_loop3A_380, %parallel_loop3A_381] {strides = array<i32>} : memref<50x128xf32, #tpu.memory_space<vmem>>, vector<16xf32>,
        %parallel_loop3A_383 = arith.index_cast %parallel_loop3A_373 : i32 to index
        %parallel_loop3A_384 = arith.constant 48 : index
        %parallel_loop3A_385 = tpu.vector_load %arg15[%parallel_loop3A_383, %parallel_loop3A_384] {strides = array<i32>} : memref<50x128xf32, #tpu.memory_space<vmem>>, vector<16xf32>,
        %parallel_loop3A_386 = arith.index_cast %parallel_loop3A_373 : i32 to index
        %parallel_loop3A_387 = arith.constant 64 : index
        %parallel_loop3A_388 = tpu.vector_load %arg15[%parallel_loop3A_386, %parallel_loop3A_387] {strides = array<i32>} : memref<50x128xf32, #tpu.memory_space<vmem>>, vector<16xf32>,
        %parallel_loop3A_389 = arith.index_cast %parallel_loop3A_373 : i32 to index
        %parallel_loop3A_390 = arith.constant 80 : index
        %parallel_loop3A_391 = tpu.vector_load %arg15[%parallel_loop3A_389, %parallel_loop3A_390] {strides = array<i32>} : memref<50x128xf32, #tpu.memory_space<vmem>>, vector<16xf32>,
        %parallel_loop3A_392 = arith.index_cast %parallel_loop3A_373 : i32 to index
        %parallel_loop3A_393 = arith.constant 96 : index
        %parallel_loop3A_394 = tpu.vector_load %arg15[%parallel_loop3A_392, %parallel_loop3A_393] {strides = array<i32>} : memref<50x128xf32, #tpu.memory_space<vmem>>, vector<16xf32>,
        %parallel_loop3A_395 = arith.index_cast %parallel_loop3A_373 : i32 to index
        %parallel_loop3A_396 = arith.constant 112 : index
        %parallel_loop3A_397 = tpu.vector_load %arg15[%parallel_loop3A_395, %parallel_loop3A_396] {strides = array<i32>} : memref<50x128xf32, #tpu.memory_space<vmem>>, vector<16xf32>,
        %parallel_loop3A_398 = arith.mulf %parallel_loop3A_376, %get3A_93 : vector<16xf32>
        %parallel_loop3A_399 = arith.mulf %parallel_loop3A_379, %get3A_96 : vector<16xf32>
        %parallel_loop3A_400 = arith.mulf %parallel_loop3A_382, %get3A_99 : vector<16xf32>
        %parallel_loop3A_401 = arith.mulf %parallel_loop3A_385, %get3A_102 : vector<16xf32>
        %parallel_loop3A_402 = arith.mulf %parallel_loop3A_388, %get3A_105 : vector<16xf32>
        %parallel_loop3A_403 = arith.mulf %parallel_loop3A_391, %get3A_108 : vector<16xf32>
        %parallel_loop3A_404 = arith.mulf %parallel_loop3A_394, %get3A_111 : vector<16xf32>
        %parallel_loop3A_405 = arith.mulf %parallel_loop3A_397, %get3A_114 : vector<16xf32>
        %parallel_loop3A_406 = arith.addf %parallel_loop3A_398, %parallel_loop3A_399 : vector<16xf32>
        %parallel_loop3A_407 = arith.addf %parallel_loop3A_400, %parallel_loop3A_401 : vector<16xf32>
        %parallel_loop3A_408 = arith.addf %parallel_loop3A_402, %parallel_loop3A_403 : vector<16xf32>
        %parallel_loop3A_409 = arith.addf %parallel_loop3A_404, %parallel_loop3A_405 : vector<16xf32>
        %parallel_loop3A_410 = arith.addf %parallel_loop3A_406, %parallel_loop3A_407 : vector<16xf32>
        %parallel_loop3A_411 = arith.addf %parallel_loop3A_408, %parallel_loop3A_409 : vector<16xf32>
        %parallel_loop3A_412 = arith.addf %parallel_loop3A_410, %parallel_loop3A_411 : vector<16xf32>
        %parallel_loop3A_413 = arith.constant 17 : i32
        %parallel_loop3A_414 = arith.muli %parallel_loop3A_373, %parallel_loop3A_413 : i32
        %parallel_loop3A_415 = arith.index_cast %parallel_loop3A_414 : i32 to index
        %parallel_loop3A_416 = tpu.vector_load %arg20[%parallel_loop3A_415] {strides = array<i32>} : memref<1088xf32, #tpu.memory_space<vmem>>, vector<16xf32>,
        tpu.vector_store %arg20[%parallel_loop3A_415], %parallel_loop3A_412 {strides = array<i32>} : memref<1088xf32, #tpu.memory_space<vmem>>, vector<16xf32>,
      } {sc.loop_unroll_factor = 5 : i64, sc.parallel_access}
      %parallel_loop3A_117 = arith.constant 0 : i32
      %parallel_loop3A_118 = arith.constant 4 : i32
      %parallel_loop3A_119 = arith.constant 1 : i32
      scf.for %parallel_loop3A_373 = %parallel_loop3A_117 to %parallel_loop3A_118 step %parallel_loop3A_119  : i32 {
        %parallel_loop3A_374 = arith.constant 272 : i32
        %parallel_loop3A_375 = arith.muli %parallel_loop3A_373, %parallel_loop3A_374 : i32
        %parallel_loop3A_376 = arith.constant 0 : i32
        %parallel_loop3A_377 = arith.addi %parallel_loop3A_375, %parallel_loop3A_376 : i32
        %parallel_loop3A_378 = vector.broadcast %parallel_loop3A_377 : i32 to vector<16xi32>
        %parallel_loop3A_379 = arith.addi %mul3A_40, %parallel_loop3A_378 : vector<16xi32>
        %parallel_loop3A_380 = tpu.vector_load_idx %arg20[%parallel_loop3A_379] : memref<1088xf32, #tpu.memory_space<vmem>>[vector<16xi32>], vector<16xf32>,
        %parallel_loop3A_381 = arith.constant 1 : i32
        %parallel_loop3A_382 = arith.addi %parallel_loop3A_375, %parallel_loop3A_381 : i32
        %parallel_loop3A_383 = vector.broadcast %parallel_loop3A_382 : i32 to vector<16xi32>
        %parallel_loop3A_384 = arith.addi %mul3A_40, %parallel_loop3A_383 : vector<16xi32>
        %parallel_loop3A_385 = tpu.vector_load_idx %arg20[%parallel_loop3A_384] : memref<1088xf32, #tpu.memory_space<vmem>>[vector<16xi32>], vector<16xf32>,
        %parallel_loop3A_386 = arith.constant 2 : i32
        %parallel_loop3A_387 = arith.addi %parallel_loop3A_375, %parallel_loop3A_386 : i32
        %parallel_loop3A_388 = vector.broadcast %parallel_loop3A_387 : i32 to vector<16xi32>
        %parallel_loop3A_389 = arith.addi %mul3A_40, %parallel_loop3A_388 : vector<16xi32>
        %parallel_loop3A_390 = tpu.vector_load_idx %arg20[%parallel_loop3A_389] : memref<1088xf32, #tpu.memory_space<vmem>>[vector<16xi32>], vector<16xf32>,
        %parallel_loop3A_391 = arith.constant 3 : i32
        %parallel_loop3A_392 = arith.addi %parallel_loop3A_375, %parallel_loop3A_391 : i32
        %parallel_loop3A_393 = vector.broadcast %parallel_loop3A_392 : i32 to vector<16xi32>
        %parallel_loop3A_394 = arith.addi %mul3A_40, %parallel_loop3A_393 : vector<16xi32>
        %parallel_loop3A_395 = tpu.vector_load_idx %arg20[%parallel_loop3A_394] : memref<1088xf32, #tpu.memory_space<vmem>>[vector<16xi32>], vector<16xf32>,
        %parallel_loop3A_396 = arith.constant 4 : i32
        %parallel_loop3A_397 = arith.addi %parallel_loop3A_375, %parallel_loop3A_396 : i32
        %parallel_loop3A_398 = vector.broadcast %parallel_loop3A_397 : i32 to vector<16xi32>
        %parallel_loop3A_399 = arith.addi %mul3A_40, %parallel_loop3A_398 : vector<16xi32>
        %parallel_loop3A_400 = tpu.vector_load_idx %arg20[%parallel_loop3A_399] : memref<1088xf32, #tpu.memory_space<vmem>>[vector<16xi32>], vector<16xf32>,
        %parallel_loop3A_401 = arith.constant 5 : i32
        %parallel_loop3A_402 = arith.addi %parallel_loop3A_375, %parallel_loop3A_401 : i32
        %parallel_loop3A_403 = vector.broadcast %parallel_loop3A_402 : i32 to vector<16xi32>
        %parallel_loop3A_404 = arith.addi %mul3A_40, %parallel_loop3A_403 : vector<16xi32>
        %parallel_loop3A_405 = tpu.vector_load_idx %arg20[%parallel_loop3A_404] : memref<1088xf32, #tpu.memory_space<vmem>>[vector<16xi32>], vector<16xf32>,
        %parallel_loop3A_406 = arith.constant 6 : i32
        %parallel_loop3A_407 = arith.addi %parallel_loop3A_375, %parallel_loop3A_406 : i32
        %parallel_loop3A_408 = vector.broadcast %parallel_loop3A_407 : i32 to vector<16xi32>
        %parallel_loop3A_409 = arith.addi %mul3A_40, %parallel_loop3A_408 : vector<16xi32>
        %parallel_loop3A_410 = tpu.vector_load_idx %arg20[%parallel_loop3A_409] : memref<1088xf32, #tpu.memory_space<vmem>>[vector<16xi32>], vector<16xf32>,
        %parallel_loop3A_411 = arith.constant 7 : i32
        %parallel_loop3A_412 = arith.addi %parallel_loop3A_375, %parallel_loop3A_411 : i32
        %parallel_loop3A_413 = vector.broadcast %parallel_loop3A_412 : i32 to vector<16xi32>
        %parallel_loop3A_414 = arith.addi %mul3A_40, %parallel_loop3A_413 : vector<16xi32>
        %parallel_loop3A_415 = tpu.vector_load_idx %arg20[%parallel_loop3A_414] : memref<1088xf32, #tpu.memory_space<vmem>>[vector<16xi32>], vector<16xf32>,
        %parallel_loop3A_416 = arith.constant 8 : i32
        %parallel_loop3A_417 = arith.addi %parallel_loop3A_375, %parallel_loop3A_416 : i32
        %parallel_loop3A_418 = vector.broadcast %parallel_loop3A_417 : i32 to vector<16xi32>
        %parallel_loop3A_419 = arith.addi %mul3A_40, %parallel_loop3A_418 : vector<16xi32>
        %parallel_loop3A_420 = tpu.vector_load_idx %arg20[%parallel_loop3A_419] : memref<1088xf32, #tpu.memory_space<vmem>>[vector<16xi32>], vector<16xf32>,
        %parallel_loop3A_421 = arith.constant 9 : i32
        %parallel_loop3A_422 = arith.addi %parallel_loop3A_375, %parallel_loop3A_421 : i32
        %parallel_loop3A_423 = vector.broadcast %parallel_loop3A_422 : i32 to vector<16xi32>
        %parallel_loop3A_424 = arith.addi %mul3A_40, %parallel_loop3A_423 : vector<16xi32>
        %parallel_loop3A_425 = tpu.vector_load_idx %arg20[%parallel_loop3A_424] : memref<1088xf32, #tpu.memory_space<vmem>>[vector<16xi32>], vector<16xf32>,
        %parallel_loop3A_426 = arith.constant 10 : i32
        %parallel_loop3A_427 = arith.addi %parallel_loop3A_375, %parallel_loop3A_426 : i32
        %parallel_loop3A_428 = vector.broadcast %parallel_loop3A_427 : i32 to vector<16xi32>
        %parallel_loop3A_429 = arith.addi %mul3A_40, %parallel_loop3A_428 : vector<16xi32>
        %parallel_loop3A_430 = tpu.vector_load_idx %arg20[%parallel_loop3A_429] : memref<1088xf32, #tpu.memory_space<vmem>>[vector<16xi32>], vector<16xf32>,
        %parallel_loop3A_431 = arith.constant 11 : i32
        %parallel_loop3A_432 = arith.addi %parallel_loop3A_375, %parallel_loop3A_431 : i32
        %parallel_loop3A_433 = vector.broadcast %parallel_loop3A_432 : i32 to vector<16xi32>
        %parallel_loop3A_434 = arith.addi %mul3A_40, %parallel_loop3A_433 : vector<16xi32>
        %parallel_loop3A_435 = tpu.vector_load_idx %arg20[%parallel_loop3A_434] : memref<1088xf32, #tpu.memory_space<vmem>>[vector<16xi32>], vector<16xf32>,
        %parallel_loop3A_436 = arith.constant 12 : i32
        %parallel_loop3A_437 = arith.addi %parallel_loop3A_375, %parallel_loop3A_436 : i32
        %parallel_loop3A_438 = vector.broadcast %parallel_loop3A_437 : i32 to vector<16xi32>
        %parallel_loop3A_439 = arith.addi %mul3A_40, %parallel_loop3A_438 : vector<16xi32>
        %parallel_loop3A_440 = tpu.vector_load_idx %arg20[%parallel_loop3A_439] : memref<1088xf32, #tpu.memory_space<vmem>>[vector<16xi32>], vector<16xf32>,
        %parallel_loop3A_441 = arith.constant 13 : i32
        %parallel_loop3A_442 = arith.addi %parallel_loop3A_375, %parallel_loop3A_441 : i32
        %parallel_loop3A_443 = vector.broadcast %parallel_loop3A_442 : i32 to vector<16xi32>
        %parallel_loop3A_444 = arith.addi %mul3A_40, %parallel_loop3A_443 : vector<16xi32>
        %parallel_loop3A_445 = tpu.vector_load_idx %arg20[%parallel_loop3A_444] : memref<1088xf32, #tpu.memory_space<vmem>>[vector<16xi32>], vector<16xf32>,
        %parallel_loop3A_446 = arith.constant 14 : i32
        %parallel_loop3A_447 = arith.addi %parallel_loop3A_375, %parallel_loop3A_446 : i32
        %parallel_loop3A_448 = vector.broadcast %parallel_loop3A_447 : i32 to vector<16xi32>
        %parallel_loop3A_449 = arith.addi %mul3A_40, %parallel_loop3A_448 : vector<16xi32>
        %parallel_loop3A_450 = tpu.vector_load_idx %arg20[%parallel_loop3A_449] : memref<1088xf32, #tpu.memory_space<vmem>>[vector<16xi32>], vector<16xf32>,
        %parallel_loop3A_451 = arith.constant 15 : i32
        %parallel_loop3A_452 = arith.addi %parallel_loop3A_375, %parallel_loop3A_451 : i32
        %parallel_loop3A_453 = vector.broadcast %parallel_loop3A_452 : i32 to vector<16xi32>
        %parallel_loop3A_454 = arith.addi %mul3A_40, %parallel_loop3A_453 : vector<16xi32>
        %parallel_loop3A_455 = tpu.vector_load_idx %arg20[%parallel_loop3A_454] : memref<1088xf32, #tpu.memory_space<vmem>>[vector<16xi32>], vector<16xf32>,
        %parallel_loop3A_456 = arith.addf %parallel_loop3A_380, %parallel_loop3A_385 : vector<16xf32>
        %parallel_loop3A_457 = arith.addf %parallel_loop3A_390, %parallel_loop3A_395 : vector<16xf32>
        %parallel_loop3A_458 = arith.addf %parallel_loop3A_400, %parallel_loop3A_405 : vector<16xf32>
        %parallel_loop3A_459 = arith.addf %parallel_loop3A_410, %parallel_loop3A_415 : vector<16xf32>
        %parallel_loop3A_460 = arith.addf %parallel_loop3A_420, %parallel_loop3A_425 : vector<16xf32>
        %parallel_loop3A_461 = arith.addf %parallel_loop3A_430, %parallel_loop3A_435 : vector<16xf32>
        %parallel_loop3A_462 = arith.addf %parallel_loop3A_440, %parallel_loop3A_445 : vector<16xf32>
        %parallel_loop3A_463 = arith.addf %parallel_loop3A_450, %parallel_loop3A_455 : vector<16xf32>
        %parallel_loop3A_464 = arith.addf %parallel_loop3A_456, %parallel_loop3A_457 : vector<16xf32>
        %parallel_loop3A_465 = arith.addf %parallel_loop3A_458, %parallel_loop3A_459 : vector<16xf32>
        %parallel_loop3A_466 = arith.addf %parallel_loop3A_460, %parallel_loop3A_461 : vector<16xf32>
        %parallel_loop3A_467 = arith.addf %parallel_loop3A_462, %parallel_loop3A_463 : vector<16xf32>
        %parallel_loop3A_468 = arith.addf %parallel_loop3A_464, %parallel_loop3A_465 : vector<16xf32>
        %parallel_loop3A_469 = arith.addf %parallel_loop3A_466, %parallel_loop3A_467 : vector<16xf32>
        %parallel_loop3A_470 = arith.addf %parallel_loop3A_468, %parallel_loop3A_469 : vector<16xf32>
        %parallel_loop3A_471 = arith.constant 16 : i32
        %parallel_loop3A_472 = arith.muli %parallel_loop3A_373, %parallel_loop3A_471 : i32
        %parallel_loop3A_473 = arith.index_cast %parallel_loop3A_472 : i32 to index
        %parallel_loop3A_474 = tpu.vector_load %arg21[%parallel_loop3A_473] {strides = array<i32>} : memref<80xf32, #tpu.memory_space<vmem>>, vector<16xf32>,
        tpu.vector_store %arg21[%parallel_loop3A_473], %parallel_loop3A_470 {strides = array<i32>} : memref<80xf32, #tpu.memory_space<vmem>>, vector<16xf32>,
      } {sc.loop_unroll_factor = 1 : i64, sc.parallel_access}
      %parallel_loop3A_120 = arith.constant 0 : i32
      %parallel_loop3A_121 = arith.constant 50 : i32
      %parallel_loop3A_122 = arith.constant 1 : i32
      %parallel_loop3A_123:8 = scf.for %parallel_loop3A_373 = %parallel_loop3A_120 to %parallel_loop3A_121 step %parallel_loop3A_122 iter_args(%parallel_loop3A_374 = %broadcast_in_dim3A_41, %parallel_loop3A_375 = %broadcast_in_dim3A_41, %parallel_loop3A_376 = %broadcast_in_dim3A_41, %parallel_loop3A_377 = %broadcast_in_dim3A_41, %parallel_loop3A_378 = %broadcast_in_dim3A_41, %parallel_loop3A_379 = %broadcast_in_dim3A_41, %parallel_loop3A_380 = %broadcast_in_dim3A_41, %parallel_loop3A_381 = %broadcast_in_dim3A_41) -> (vector<16xf32>, vector<16xf32>, vector<16xf32>, vector<16xf32>, vector<16xf32>, vector<16xf32>, vector<16xf32>, vector<16xf32>)  : i32 {
        %parallel_loop3A_382 = arith.index_cast %parallel_loop3A_373 : i32 to index
        %parallel_loop3A_383 = tpu.vector_load %arg21[%parallel_loop3A_382] {strides = array<i32>} : memref<80xf32, #tpu.memory_space<vmem>>, vector<16xf32>,
        %parallel_loop3A_384 = vector.extract_strided_slice %parallel_loop3A_383 {offsets = [0], sizes = [1], strides = [1]} : vector<16xf32> to vector<1xf32>
        %parallel_loop3A_385 = vector.extract %parallel_loop3A_384[0] : f32 from vector<1xf32>
        %parallel_loop3A_386 = arith.index_cast %parallel_loop3A_373 : i32 to index
        %parallel_loop3A_387 = arith.constant 0 : index
        %parallel_loop3A_388 = tpu.vector_load %arg15[%parallel_loop3A_386, %parallel_loop3A_387] {strides = array<i32>} : memref<50x128xf32, #tpu.memory_space<vmem>>, vector<16xf32>,
        %parallel_loop3A_389 = arith.index_cast %parallel_loop3A_373 : i32 to index
        %parallel_loop3A_390 = arith.constant 16 : index
        %parallel_loop3A_391 = tpu.vector_load %arg15[%parallel_loop3A_389, %parallel_loop3A_390] {strides = array<i32>} : memref<50x128xf32, #tpu.memory_space<vmem>>, vector<16xf32>,
        %parallel_loop3A_392 = arith.index_cast %parallel_loop3A_373 : i32 to index
        %parallel_loop3A_393 = arith.constant 32 : index
        %parallel_loop3A_394 = tpu.vector_load %arg15[%parallel_loop3A_392, %parallel_loop3A_393] {strides = array<i32>} : memref<50x128xf32, #tpu.memory_space<vmem>>, vector<16xf32>,
        %parallel_loop3A_395 = arith.index_cast %parallel_loop3A_373 : i32 to index
        %parallel_loop3A_396 = arith.constant 48 : index
        %parallel_loop3A_397 = tpu.vector_load %arg15[%parallel_loop3A_395, %parallel_loop3A_396] {strides = array<i32>} : memref<50x128xf32, #tpu.memory_space<vmem>>, vector<16xf32>,
        %parallel_loop3A_398 = arith.index_cast %parallel_loop3A_373 : i32 to index
        %parallel_loop3A_399 = arith.constant 64 : index
        %parallel_loop3A_400 = tpu.vector_load %arg15[%parallel_loop3A_398, %parallel_loop3A_399] {strides = array<i32>} : memref<50x128xf32, #tpu.memory_space<vmem>>, vector<16xf32>,
        %parallel_loop3A_401 = arith.index_cast %parallel_loop3A_373 : i32 to index
        %parallel_loop3A_402 = arith.constant 80 : index
        %parallel_loop3A_403 = tpu.vector_load %arg15[%parallel_loop3A_401, %parallel_loop3A_402] {strides = array<i32>} : memref<50x128xf32, #tpu.memory_space<vmem>>, vector<16xf32>,
        %parallel_loop3A_404 = arith.index_cast %parallel_loop3A_373 : i32 to index
        %parallel_loop3A_405 = arith.constant 96 : index
        %parallel_loop3A_406 = tpu.vector_load %arg15[%parallel_loop3A_404, %parallel_loop3A_405] {strides = array<i32>} : memref<50x128xf32, #tpu.memory_space<vmem>>, vector<16xf32>,
        %parallel_loop3A_407 = arith.index_cast %parallel_loop3A_373 : i32 to index
        %parallel_loop3A_408 = arith.constant 112 : index
        %parallel_loop3A_409 = tpu.vector_load %arg15[%parallel_loop3A_407, %parallel_loop3A_408] {strides = array<i32>} : memref<50x128xf32, #tpu.memory_space<vmem>>, vector<16xf32>,
        %parallel_loop3A_410 = vector.broadcast %parallel_loop3A_385 : f32 to vector<16xf32>
        %parallel_loop3A_411 = arith.mulf %parallel_loop3A_410, %parallel_loop3A_388 : vector<16xf32>
        %parallel_loop3A_412 = arith.addf %parallel_loop3A_374, %parallel_loop3A_411 : vector<16xf32>
        %parallel_loop3A_413 = vector.broadcast %parallel_loop3A_385 : f32 to vector<16xf32>
        %parallel_loop3A_414 = arith.mulf %parallel_loop3A_413, %parallel_loop3A_391 : vector<16xf32>
        %parallel_loop3A_415 = arith.addf %parallel_loop3A_375, %parallel_loop3A_414 : vector<16xf32>
        %parallel_loop3A_416 = vector.broadcast %parallel_loop3A_385 : f32 to vector<16xf32>
        %parallel_loop3A_417 = arith.mulf %parallel_loop3A_416, %parallel_loop3A_394 : vector<16xf32>
        %parallel_loop3A_418 = arith.addf %parallel_loop3A_376, %parallel_loop3A_417 : vector<16xf32>
        %parallel_loop3A_419 = vector.broadcast %parallel_loop3A_385 : f32 to vector<16xf32>
        %parallel_loop3A_420 = arith.mulf %parallel_loop3A_419, %parallel_loop3A_397 : vector<16xf32>
        %parallel_loop3A_421 = arith.addf %parallel_loop3A_377, %parallel_loop3A_420 : vector<16xf32>
        %parallel_loop3A_422 = vector.broadcast %parallel_loop3A_385 : f32 to vector<16xf32>
        %parallel_loop3A_423 = arith.mulf %parallel_loop3A_422, %parallel_loop3A_400 : vector<16xf32>
        %parallel_loop3A_424 = arith.addf %parallel_loop3A_378, %parallel_loop3A_423 : vector<16xf32>
        %parallel_loop3A_425 = vector.broadcast %parallel_loop3A_385 : f32 to vector<16xf32>
        %parallel_loop3A_426 = arith.mulf %parallel_loop3A_425, %parallel_loop3A_403 : vector<16xf32>
        %parallel_loop3A_427 = arith.addf %parallel_loop3A_379, %parallel_loop3A_426 : vector<16xf32>
        %parallel_loop3A_428 = vector.broadcast %parallel_loop3A_385 : f32 to vector<16xf32>
        %parallel_loop3A_429 = arith.mulf %parallel_loop3A_428, %parallel_loop3A_406 : vector<16xf32>
        %parallel_loop3A_430 = arith.addf %parallel_loop3A_380, %parallel_loop3A_429 : vector<16xf32>
        %parallel_loop3A_431 = vector.broadcast %parallel_loop3A_385 : f32 to vector<16xf32>
        %parallel_loop3A_432 = arith.mulf %parallel_loop3A_431, %parallel_loop3A_409 : vector<16xf32>
        %parallel_loop3A_433 = arith.addf %parallel_loop3A_381, %parallel_loop3A_432 : vector<16xf32>
        scf.yield %parallel_loop3A_412, %parallel_loop3A_415, %parallel_loop3A_418, %parallel_loop3A_421, %parallel_loop3A_424, %parallel_loop3A_427, %parallel_loop3A_430, %parallel_loop3A_433 : vector<16xf32>, vector<16xf32>, vector<16xf32>, vector<16xf32>, vector<16xf32>, vector<16xf32>, vector<16xf32>, vector<16xf32>
      } {sc.loop_unroll_factor = 5 : i64, sc.parallel_access}
      %swap3A_124 = arith.index_cast %add3A_81 : i32 to index
      %swap3A_125 = arith.constant 0 : index
      %swap3A_126 = tpu.vector_load %arg19[%swap3A_124, %swap3A_125] {strides = array<i32>} : memref<128x128xf32, #tpu.memory_space<vmem>>, vector<16xf32>,
      tpu.vector_store %arg19[%swap3A_124, %swap3A_125], %parallel_loop3A_123#0 {strides = array<i32>} : memref<128x128xf32, #tpu.memory_space<vmem>>, vector<16xf32>,
      %swap3A_127 = arith.index_cast %add3A_81 : i32 to index
      %swap3A_128 = arith.constant 16 : index
      %swap3A_129 = tpu.vector_load %arg19[%swap3A_127, %swap3A_128] {strides = array<i32>} : memref<128x128xf32, #tpu.memory_space<vmem>>, vector<16xf32>,
      tpu.vector_store %arg19[%swap3A_127, %swap3A_128], %parallel_loop3A_123#1 {strides = array<i32>} : memref<128x128xf32, #tpu.memory_space<vmem>>, vector<16xf32>,
      %swap3A_130 = arith.index_cast %add3A_81 : i32 to index
      %swap3A_131 = arith.constant 32 : index
      %swap3A_132 = tpu.vector_load %arg19[%swap3A_130, %swap3A_131] {strides = array<i32>} : memref<128x128xf32, #tpu.memory_space<vmem>>, vector<16xf32>,
      tpu.vector_store %arg19[%swap3A_130, %swap3A_131], %parallel_loop3A_123#2 {strides = array<i32>} : memref<128x128xf32, #tpu.memory_space<vmem>>, vector<16xf32>,
      %swap3A_133 = arith.index_cast %add3A_81 : i32 to index
      %swap3A_134 = arith.constant 48 : index
      %swap3A_135 = tpu.vector_load %arg19[%swap3A_133, %swap3A_134] {strides = array<i32>} : memref<128x128xf32, #tpu.memory_space<vmem>>, vector<16xf32>,
      tpu.vector_store %arg19[%swap3A_133, %swap3A_134], %parallel_loop3A_123#3 {strides = array<i32>} : memref<128x128xf32, #tpu.memory_space<vmem>>, vector<16xf32>,
      %swap3A_136 = arith.index_cast %add3A_81 : i32 to index
      %swap3A_137 = arith.constant 64 : index
      %swap3A_138 = tpu.vector_load %arg19[%swap3A_136, %swap3A_137] {strides = array<i32>} : memref<128x128xf32, #tpu.memory_space<vmem>>, vector<16xf32>,
      tpu.vector_store %arg19[%swap3A_136, %swap3A_137], %parallel_loop3A_123#4 {strides = array<i32>} : memref<128x128xf32, #tpu.memory_space<vmem>>, vector<16xf32>,
      %swap3A_139 = arith.index_cast %add3A_81 : i32 to index
      %swap3A_140 = arith.constant 80 : index
      %swap3A_141 = tpu.vector_load %arg19[%swap3A_139, %swap3A_140] {strides = array<i32>} : memref<128x128xf32, #tpu.memory_space<vmem>>, vector<16xf32>,
      tpu.vector_store %arg19[%swap3A_139, %swap3A_140], %parallel_loop3A_123#5 {strides = array<i32>} : memref<128x128xf32, #tpu.memory_space<vmem>>, vector<16xf32>,
      %swap3A_142 = arith.index_cast %add3A_81 : i32 to index
      %swap3A_143 = arith.constant 96 : index
      %swap3A_144 = tpu.vector_load %arg19[%swap3A_142, %swap3A_143] {strides = array<i32>} : memref<128x128xf32, #tpu.memory_space<vmem>>, vector<16xf32>,
      tpu.vector_store %arg19[%swap3A_142, %swap3A_143], %parallel_loop3A_123#6 {strides = array<i32>} : memref<128x128xf32, #tpu.memory_space<vmem>>, vector<16xf32>,
      %swap3A_145 = arith.index_cast %add3A_81 : i32 to index
      %swap3A_146 = arith.constant 112 : index
      %swap3A_147 = tpu.vector_load %arg19[%swap3A_145, %swap3A_146] {strides = array<i32>} : memref<128x128xf32, #tpu.memory_space<vmem>>, vector<16xf32>,
      tpu.vector_store %arg19[%swap3A_145, %swap3A_146], %parallel_loop3A_123#7 {strides = array<i32>} : memref<128x128xf32, #tpu.memory_space<vmem>>, vector<16xf32>,
      %mul3A_148 = arith.constant 4 : i32
      %mul3A_149 = arith.muli %mul3A_148, %scan3A_77 : i32
      %add3A_150 = arith.constant 1 : i32
      %add3A_151 = arith.addi %mul3A_149, %add3A_150 : i32
      %dma_wait3A_152 = arith.constant 0 : i32
      %dma_wait3A_153 = tpu.memref_slice %arg12[%add3A_151, %dma_wait3A_152] : memref<128x50xi32, #tpu.memory_space<vmem>> -> memref<1x50xi32, #tpu.memory_space<vmem>>
      %dma_wait3A_154 = tpu.memref_squeeze %dma_wait3A_153 : memref<1x50xi32, #tpu.memory_space<vmem>> -> memref<50xi32, #tpu.memory_space<vmem>>
      %dma_wait3A_155 = arith.constant 0 : i32
      %dma_wait3A_156 = arith.constant 0 : i32
      %dma_wait3A_157 = tpu.memref_slice %arg6[%dma_wait3A_155, %dma_wait3A_156] : memref<100000x128xf32, #tpu.memory_space<hbm>> -> memref<100000x128xf32, #tpu.memory_space<hbm>>
      tpu.wait_indirect_dma semaphore(%arg25 : memref<!tpu.dma_semaphore, #tpu.memory_space<semaphore_mem>>) src(%dma_wait3A_157 : memref<100000x128xf32, #tpu.memory_space<hbm>>) dst(%arg16 : memref<50x128xf32, #tpu.memory_space<vmem>>)
      %add3A_158 = arith.constant 4 : i32
      %add3A_159 = arith.addi %add3A_151, %add3A_158 : i32
      %lt3A_160 = arith.constant 128 : i32
      %lt3A_161 = arith.cmpi slt, %add3A_159, %lt3A_160 : i32
      %convert_element_type3A_162 = arith.extui %lt3A_161 : i1 to i32
      %cond3A_163 = arith.constant 0 : i32
      %cond3A_164 = arith.cmpi ne, %convert_element_type3A_162, %cond3A_163 : i32
      scf.if %cond3A_164 {
        %add3A_373 = arith.constant 4 : i32
        %add3A_374 = arith.addi %add3A_151, %add3A_373 : i32
        %dma_start3A_375 = arith.constant 0 : i32
        %dma_start3A_376 = tpu.memref_slice %arg12[%add3A_374, %dma_start3A_375] : memref<128x50xi32, #tpu.memory_space<vmem>> -> memref<1x50xi32, #tpu.memory_space<vmem>>
        %dma_start3A_377 = tpu.memref_squeeze %dma_start3A_376 : memref<1x50xi32, #tpu.memory_space<vmem>> -> memref<50xi32, #tpu.memory_space<vmem>>
        %dma_start3A_378 = arith.constant 0 : i32
        %dma_start3A_379 = arith.constant 0 : i32
        %dma_start3A_380 = tpu.memref_slice %arg6[%dma_start3A_378, %dma_start3A_379] : memref<100000x128xf32, #tpu.memory_space<hbm>> -> memref<100000x128xf32, #tpu.memory_space<hbm>>
        tpu.enqueue_indirect_dma source(%dma_start3A_380 : memref<100000x128xf32, #tpu.memory_space<hbm>>) target(%arg16 : memref<50x128xf32, #tpu.memory_space<vmem>>) offsets(%dma_start3A_377 : memref<50xi32, #tpu.memory_space<vmem>>) semaphore(%arg25 : memref<!tpu.dma_semaphore, #tpu.memory_space<semaphore_mem>>)
      } else {
      }
      %get3A_165 = arith.index_cast %add3A_151 : i32 to index
      %get3A_166 = arith.constant 0 : index
      %get3A_167 = tpu.vector_load %arg14[%get3A_165, %get3A_166] {strides = array<i32>} : memref<128x128xf32, #tpu.memory_space<vmem>>, vector<16xf32>,
      %get3A_168 = arith.index_cast %add3A_151 : i32 to index
      %get3A_169 = arith.constant 16 : index
      %get3A_170 = tpu.vector_load %arg14[%get3A_168, %get3A_169] {strides = array<i32>} : memref<128x128xf32, #tpu.memory_space<vmem>>, vector<16xf32>,
      %get3A_171 = arith.index_cast %add3A_151 : i32 to index
      %get3A_172 = arith.constant 32 : index
      %get3A_173 = tpu.vector_load %arg14[%get3A_171, %get3A_172] {strides = array<i32>} : memref<128x128xf32, #tpu.memory_space<vmem>>, vector<16xf32>,
      %get3A_174 = arith.index_cast %add3A_151 : i32 to index
      %get3A_175 = arith.constant 48 : index
      %get3A_176 = tpu.vector_load %arg14[%get3A_174, %get3A_175] {strides = array<i32>} : memref<128x128xf32, #tpu.memory_space<vmem>>, vector<16xf32>,
      %get3A_177 = arith.index_cast %add3A_151 : i32 to index
      %get3A_178 = arith.constant 64 : index
      %get3A_179 = tpu.vector_load %arg14[%get3A_177, %get3A_178] {strides = array<i32>} : memref<128x128xf32, #tpu.memory_space<vmem>>, vector<16xf32>,
      %get3A_180 = arith.index_cast %add3A_151 : i32 to index
      %get3A_181 = arith.constant 80 : index
      %get3A_182 = tpu.vector_load %arg14[%get3A_180, %get3A_181] {strides = array<i32>} : memref<128x128xf32, #tpu.memory_space<vmem>>, vector<16xf32>,
      %get3A_183 = arith.index_cast %add3A_151 : i32 to index
      %get3A_184 = arith.constant 96 : index
      %get3A_185 = tpu.vector_load %arg14[%get3A_183, %get3A_184] {strides = array<i32>} : memref<128x128xf32, #tpu.memory_space<vmem>>, vector<16xf32>,
      %get3A_186 = arith.index_cast %add3A_151 : i32 to index
      %get3A_187 = arith.constant 112 : index
      %get3A_188 = tpu.vector_load %arg14[%get3A_186, %get3A_187] {strides = array<i32>} : memref<128x128xf32, #tpu.memory_space<vmem>>, vector<16xf32>,
      %parallel_loop3A_189 = arith.constant 0 : i32
      %parallel_loop3A_190 = arith.constant 50 : i32
      %parallel_loop3A_191 = arith.constant 1 : i32
      scf.for %parallel_loop3A_373 = %parallel_loop3A_189 to %parallel_loop3A_190 step %parallel_loop3A_191  : i32 {
        %parallel_loop3A_374 = arith.index_cast %parallel_loop3A_373 : i32 to index
        %parallel_loop3A_375 = arith.constant 0 : index
        %parallel_loop3A_376 = tpu.vector_load %arg16[%parallel_loop3A_374, %parallel_loop3A_375] {strides = array<i32>} : memref<50x128xf32, #tpu.memory_space<vmem>>, vector<16xf32>,
        %parallel_loop3A_377 = arith.index_cast %parallel_loop3A_373 : i32 to index
        %parallel_loop3A_378 = arith.constant 16 : index
        %parallel_loop3A_379 = tpu.vector_load %arg16[%parallel_loop3A_377, %parallel_loop3A_378] {strides = array<i32>} : memref<50x128xf32, #tpu.memory_space<vmem>>, vector<16xf32>,
        %parallel_loop3A_380 = arith.index_cast %parallel_loop3A_373 : i32 to index
        %parallel_loop3A_381 = arith.constant 32 : index
        %parallel_loop3A_382 = tpu.vector_load %arg16[%parallel_loop3A_380, %parallel_loop3A_381] {strides = array<i32>} : memref<50x128xf32, #tpu.memory_space<vmem>>, vector<16xf32>,
        %parallel_loop3A_383 = arith.index_cast %parallel_loop3A_373 : i32 to index
        %parallel_loop3A_384 = arith.constant 48 : index
        %parallel_loop3A_385 = tpu.vector_load %arg16[%parallel_loop3A_383, %parallel_loop3A_384] {strides = array<i32>} : memref<50x128xf32, #tpu.memory_space<vmem>>, vector<16xf32>,
        %parallel_loop3A_386 = arith.index_cast %parallel_loop3A_373 : i32 to index
        %parallel_loop3A_387 = arith.constant 64 : index
        %parallel_loop3A_388 = tpu.vector_load %arg16[%parallel_loop3A_386, %parallel_loop3A_387] {strides = array<i32>} : memref<50x128xf32, #tpu.memory_space<vmem>>, vector<16xf32>,
        %parallel_loop3A_389 = arith.index_cast %parallel_loop3A_373 : i32 to index
        %parallel_loop3A_390 = arith.constant 80 : index
        %parallel_loop3A_391 = tpu.vector_load %arg16[%parallel_loop3A_389, %parallel_loop3A_390] {strides = array<i32>} : memref<50x128xf32, #tpu.memory_space<vmem>>, vector<16xf32>,
        %parallel_loop3A_392 = arith.index_cast %parallel_loop3A_373 : i32 to index
        %parallel_loop3A_393 = arith.constant 96 : index
        %parallel_loop3A_394 = tpu.vector_load %arg16[%parallel_loop3A_392, %parallel_loop3A_393] {strides = array<i32>} : memref<50x128xf32, #tpu.memory_space<vmem>>, vector<16xf32>,
        %parallel_loop3A_395 = arith.index_cast %parallel_loop3A_373 : i32 to index
        %parallel_loop3A_396 = arith.constant 112 : index
        %parallel_loop3A_397 = tpu.vector_load %arg16[%parallel_loop3A_395, %parallel_loop3A_396] {strides = array<i32>} : memref<50x128xf32, #tpu.memory_space<vmem>>, vector<16xf32>,
        %parallel_loop3A_398 = arith.mulf %parallel_loop3A_376, %get3A_167 : vector<16xf32>
        %parallel_loop3A_399 = arith.mulf %parallel_loop3A_379, %get3A_170 : vector<16xf32>
        %parallel_loop3A_400 = arith.mulf %parallel_loop3A_382, %get3A_173 : vector<16xf32>
        %parallel_loop3A_401 = arith.mulf %parallel_loop3A_385, %get3A_176 : vector<16xf32>
        %parallel_loop3A_402 = arith.mulf %parallel_loop3A_388, %get3A_179 : vector<16xf32>
        %parallel_loop3A_403 = arith.mulf %parallel_loop3A_391, %get3A_182 : vector<16xf32>
        %parallel_loop3A_404 = arith.mulf %parallel_loop3A_394, %get3A_185 : vector<16xf32>
        %parallel_loop3A_405 = arith.mulf %parallel_loop3A_397, %get3A_188 : vector<16xf32>
        %parallel_loop3A_406 = arith.addf %parallel_loop3A_398, %parallel_loop3A_399 : vector<16xf32>
        %parallel_loop3A_407 = arith.addf %parallel_loop3A_400, %parallel_loop3A_401 : vector<16xf32>
        %parallel_loop3A_408 = arith.addf %parallel_loop3A_402, %parallel_loop3A_403 : vector<16xf32>
        %parallel_loop3A_409 = arith.addf %parallel_loop3A_404, %parallel_loop3A_405 : vector<16xf32>
        %parallel_loop3A_410 = arith.addf %parallel_loop3A_406, %parallel_loop3A_407 : vector<16xf32>
        %parallel_loop3A_411 = arith.addf %parallel_loop3A_408, %parallel_loop3A_409 : vector<16xf32>
        %parallel_loop3A_412 = arith.addf %parallel_loop3A_410, %parallel_loop3A_411 : vector<16xf32>
        %parallel_loop3A_413 = arith.constant 17 : i32
        %parallel_loop3A_414 = arith.muli %parallel_loop3A_373, %parallel_loop3A_413 : i32
        %parallel_loop3A_415 = arith.index_cast %parallel_loop3A_414 : i32 to index
        %parallel_loop3A_416 = tpu.vector_load %arg20[%parallel_loop3A_415] {strides = array<i32>} : memref<1088xf32, #tpu.memory_space<vmem>>, vector<16xf32>,
        tpu.vector_store %arg20[%parallel_loop3A_415], %parallel_loop3A_412 {strides = array<i32>} : memref<1088xf32, #tpu.memory_space<vmem>>, vector<16xf32>,
      } {sc.loop_unroll_factor = 5 : i64, sc.parallel_access}
      %parallel_loop3A_192 = arith.constant 0 : i32
      %parallel_loop3A_193 = arith.constant 4 : i32
      %parallel_loop3A_194 = arith.constant 1 : i32
      scf.for %parallel_loop3A_373 = %parallel_loop3A_192 to %parallel_loop3A_193 step %parallel_loop3A_194  : i32 {
        %parallel_loop3A_374 = arith.constant 272 : i32
        %parallel_loop3A_375 = arith.muli %parallel_loop3A_373, %parallel_loop3A_374 : i32
        %parallel_loop3A_376 = arith.constant 0 : i32
        %parallel_loop3A_377 = arith.addi %parallel_loop3A_375, %parallel_loop3A_376 : i32
        %parallel_loop3A_378 = vector.broadcast %parallel_loop3A_377 : i32 to vector<16xi32>
        %parallel_loop3A_379 = arith.addi %mul3A_40, %parallel_loop3A_378 : vector<16xi32>
        %parallel_loop3A_380 = tpu.vector_load_idx %arg20[%parallel_loop3A_379] : memref<1088xf32, #tpu.memory_space<vmem>>[vector<16xi32>], vector<16xf32>,
        %parallel_loop3A_381 = arith.constant 1 : i32
        %parallel_loop3A_382 = arith.addi %parallel_loop3A_375, %parallel_loop3A_381 : i32
        %parallel_loop3A_383 = vector.broadcast %parallel_loop3A_382 : i32 to vector<16xi32>
        %parallel_loop3A_384 = arith.addi %mul3A_40, %parallel_loop3A_383 : vector<16xi32>
        %parallel_loop3A_385 = tpu.vector_load_idx %arg20[%parallel_loop3A_384] : memref<1088xf32, #tpu.memory_space<vmem>>[vector<16xi32>], vector<16xf32>,
        %parallel_loop3A_386 = arith.constant 2 : i32
        %parallel_loop3A_387 = arith.addi %parallel_loop3A_375, %parallel_loop3A_386 : i32
        %parallel_loop3A_388 = vector.broadcast %parallel_loop3A_387 : i32 to vector<16xi32>
        %parallel_loop3A_389 = arith.addi %mul3A_40, %parallel_loop3A_388 : vector<16xi32>
        %parallel_loop3A_390 = tpu.vector_load_idx %arg20[%parallel_loop3A_389] : memref<1088xf32, #tpu.memory_space<vmem>>[vector<16xi32>], vector<16xf32>,
        %parallel_loop3A_391 = arith.constant 3 : i32
        %parallel_loop3A_392 = arith.addi %parallel_loop3A_375, %parallel_loop3A_391 : i32
        %parallel_loop3A_393 = vector.broadcast %parallel_loop3A_392 : i32 to vector<16xi32>
        %parallel_loop3A_394 = arith.addi %mul3A_40, %parallel_loop3A_393 : vector<16xi32>
        %parallel_loop3A_395 = tpu.vector_load_idx %arg20[%parallel_loop3A_394] : memref<1088xf32, #tpu.memory_space<vmem>>[vector<16xi32>], vector<16xf32>,
        %parallel_loop3A_396 = arith.constant 4 : i32
        %parallel_loop3A_397 = arith.addi %parallel_loop3A_375, %parallel_loop3A_396 : i32
        %parallel_loop3A_398 = vector.broadcast %parallel_loop3A_397 : i32 to vector<16xi32>
        %parallel_loop3A_399 = arith.addi %mul3A_40, %parallel_loop3A_398 : vector<16xi32>
        %parallel_loop3A_400 = tpu.vector_load_idx %arg20[%parallel_loop3A_399] : memref<1088xf32, #tpu.memory_space<vmem>>[vector<16xi32>], vector<16xf32>,
        %parallel_loop3A_401 = arith.constant 5 : i32
        %parallel_loop3A_402 = arith.addi %parallel_loop3A_375, %parallel_loop3A_401 : i32
        %parallel_loop3A_403 = vector.broadcast %parallel_loop3A_402 : i32 to vector<16xi32>
        %parallel_loop3A_404 = arith.addi %mul3A_40, %parallel_loop3A_403 : vector<16xi32>
        %parallel_loop3A_405 = tpu.vector_load_idx %arg20[%parallel_loop3A_404] : memref<1088xf32, #tpu.memory_space<vmem>>[vector<16xi32>], vector<16xf32>,
        %parallel_loop3A_406 = arith.constant 6 : i32
        %parallel_loop3A_407 = arith.addi %parallel_loop3A_375, %parallel_loop3A_406 : i32
        %parallel_loop3A_408 = vector.broadcast %parallel_loop3A_407 : i32 to vector<16xi32>
        %parallel_loop3A_409 = arith.addi %mul3A_40, %parallel_loop3A_408 : vector<16xi32>
        %parallel_loop3A_410 = tpu.vector_load_idx %arg20[%parallel_loop3A_409] : memref<1088xf32, #tpu.memory_space<vmem>>[vector<16xi32>], vector<16xf32>,
        %parallel_loop3A_411 = arith.constant 7 : i32
        %parallel_loop3A_412 = arith.addi %parallel_loop3A_375, %parallel_loop3A_411 : i32
        %parallel_loop3A_413 = vector.broadcast %parallel_loop3A_412 : i32 to vector<16xi32>
        %parallel_loop3A_414 = arith.addi %mul3A_40, %parallel_loop3A_413 : vector<16xi32>
        %parallel_loop3A_415 = tpu.vector_load_idx %arg20[%parallel_loop3A_414] : memref<1088xf32, #tpu.memory_space<vmem>>[vector<16xi32>], vector<16xf32>,
        %parallel_loop3A_416 = arith.constant 8 : i32
        %parallel_loop3A_417 = arith.addi %parallel_loop3A_375, %parallel_loop3A_416 : i32
        %parallel_loop3A_418 = vector.broadcast %parallel_loop3A_417 : i32 to vector<16xi32>
        %parallel_loop3A_419 = arith.addi %mul3A_40, %parallel_loop3A_418 : vector<16xi32>
        %parallel_loop3A_420 = tpu.vector_load_idx %arg20[%parallel_loop3A_419] : memref<1088xf32, #tpu.memory_space<vmem>>[vector<16xi32>], vector<16xf32>,
        %parallel_loop3A_421 = arith.constant 9 : i32
        %parallel_loop3A_422 = arith.addi %parallel_loop3A_375, %parallel_loop3A_421 : i32
        %parallel_loop3A_423 = vector.broadcast %parallel_loop3A_422 : i32 to vector<16xi32>
        %parallel_loop3A_424 = arith.addi %mul3A_40, %parallel_loop3A_423 : vector<16xi32>
        %parallel_loop3A_425 = tpu.vector_load_idx %arg20[%parallel_loop3A_424] : memref<1088xf32, #tpu.memory_space<vmem>>[vector<16xi32>], vector<16xf32>,
        %parallel_loop3A_426 = arith.constant 10 : i32
        %parallel_loop3A_427 = arith.addi %parallel_loop3A_375, %parallel_loop3A_426 : i32
        %parallel_loop3A_428 = vector.broadcast %parallel_loop3A_427 : i32 to vector<16xi32>
        %parallel_loop3A_429 = arith.addi %mul3A_40, %parallel_loop3A_428 : vector<16xi32>
        %parallel_loop3A_430 = tpu.vector_load_idx %arg20[%parallel_loop3A_429] : memref<1088xf32, #tpu.memory_space<vmem>>[vector<16xi32>], vector<16xf32>,
        %parallel_loop3A_431 = arith.constant 11 : i32
        %parallel_loop3A_432 = arith.addi %parallel_loop3A_375, %parallel_loop3A_431 : i32
        %parallel_loop3A_433 = vector.broadcast %parallel_loop3A_432 : i32 to vector<16xi32>
        %parallel_loop3A_434 = arith.addi %mul3A_40, %parallel_loop3A_433 : vector<16xi32>
        %parallel_loop3A_435 = tpu.vector_load_idx %arg20[%parallel_loop3A_434] : memref<1088xf32, #tpu.memory_space<vmem>>[vector<16xi32>], vector<16xf32>,
        %parallel_loop3A_436 = arith.constant 12 : i32
        %parallel_loop3A_437 = arith.addi %parallel_loop3A_375, %parallel_loop3A_436 : i32
        %parallel_loop3A_438 = vector.broadcast %parallel_loop3A_437 : i32 to vector<16xi32>
        %parallel_loop3A_439 = arith.addi %mul3A_40, %parallel_loop3A_438 : vector<16xi32>
        %parallel_loop3A_440 = tpu.vector_load_idx %arg20[%parallel_loop3A_439] : memref<1088xf32, #tpu.memory_space<vmem>>[vector<16xi32>], vector<16xf32>,
        %parallel_loop3A_441 = arith.constant 13 : i32
        %parallel_loop3A_442 = arith.addi %parallel_loop3A_375, %parallel_loop3A_441 : i32
        %parallel_loop3A_443 = vector.broadcast %parallel_loop3A_442 : i32 to vector<16xi32>
        %parallel_loop3A_444 = arith.addi %mul3A_40, %parallel_loop3A_443 : vector<16xi32>
        %parallel_loop3A_445 = tpu.vector_load_idx %arg20[%parallel_loop3A_444] : memref<1088xf32, #tpu.memory_space<vmem>>[vector<16xi32>], vector<16xf32>,
        %parallel_loop3A_446 = arith.constant 14 : i32
        %parallel_loop3A_447 = arith.addi %parallel_loop3A_375, %parallel_loop3A_446 : i32
        %parallel_loop3A_448 = vector.broadcast %parallel_loop3A_447 : i32 to vector<16xi32>
        %parallel_loop3A_449 = arith.addi %mul3A_40, %parallel_loop3A_448 : vector<16xi32>
        %parallel_loop3A_450 = tpu.vector_load_idx %arg20[%parallel_loop3A_449] : memref<1088xf32, #tpu.memory_space<vmem>>[vector<16xi32>], vector<16xf32>,
        %parallel_loop3A_451 = arith.constant 15 : i32
        %parallel_loop3A_452 = arith.addi %parallel_loop3A_375, %parallel_loop3A_451 : i32
        %parallel_loop3A_453 = vector.broadcast %parallel_loop3A_452 : i32 to vector<16xi32>
        %parallel_loop3A_454 = arith.addi %mul3A_40, %parallel_loop3A_453 : vector<16xi32>
        %parallel_loop3A_455 = tpu.vector_load_idx %arg20[%parallel_loop3A_454] : memref<1088xf32, #tpu.memory_space<vmem>>[vector<16xi32>], vector<16xf32>,
        %parallel_loop3A_456 = arith.addf %parallel_loop3A_380, %parallel_loop3A_385 : vector<16xf32>
        %parallel_loop3A_457 = arith.addf %parallel_loop3A_390, %parallel_loop3A_395 : vector<16xf32>
        %parallel_loop3A_458 = arith.addf %parallel_loop3A_400, %parallel_loop3A_405 : vector<16xf32>
        %parallel_loop3A_459 = arith.addf %parallel_loop3A_410, %parallel_loop3A_415 : vector<16xf32>
        %parallel_loop3A_460 = arith.addf %parallel_loop3A_420, %parallel_loop3A_425 : vector<16xf32>
        %parallel_loop3A_461 = arith.addf %parallel_loop3A_430, %parallel_loop3A_435 : vector<16xf32>
        %parallel_loop3A_462 = arith.addf %parallel_loop3A_440, %parallel_loop3A_445 : vector<16xf32>
        %parallel_loop3A_463 = arith.addf %parallel_loop3A_450, %parallel_loop3A_455 : vector<16xf32>
        %parallel_loop3A_464 = arith.addf %parallel_loop3A_456, %parallel_loop3A_457 : vector<16xf32>
        %parallel_loop3A_465 = arith.addf %parallel_loop3A_458, %parallel_loop3A_459 : vector<16xf32>
        %parallel_loop3A_466 = arith.addf %parallel_loop3A_460, %parallel_loop3A_461 : vector<16xf32>
        %parallel_loop3A_467 = arith.addf %parallel_loop3A_462, %parallel_loop3A_463 : vector<16xf32>
        %parallel_loop3A_468 = arith.addf %parallel_loop3A_464, %parallel_loop3A_465 : vector<16xf32>
        %parallel_loop3A_469 = arith.addf %parallel_loop3A_466, %parallel_loop3A_467 : vector<16xf32>
        %parallel_loop3A_470 = arith.addf %parallel_loop3A_468, %parallel_loop3A_469 : vector<16xf32>
        %parallel_loop3A_471 = arith.constant 16 : i32
        %parallel_loop3A_472 = arith.muli %parallel_loop3A_373, %parallel_loop3A_471 : i32
        %parallel_loop3A_473 = arith.index_cast %parallel_loop3A_472 : i32 to index
        %parallel_loop3A_474 = tpu.vector_load %arg21[%parallel_loop3A_473] {strides = array<i32>} : memref<80xf32, #tpu.memory_space<vmem>>, vector<16xf32>,
        tpu.vector_store %arg21[%parallel_loop3A_473], %parallel_loop3A_470 {strides = array<i32>} : memref<80xf32, #tpu.memory_space<vmem>>, vector<16xf32>,
      } {sc.loop_unroll_factor = 1 : i64, sc.parallel_access}
      %parallel_loop3A_195 = arith.constant 0 : i32
      %parallel_loop3A_196 = arith.constant 50 : i32
      %parallel_loop3A_197 = arith.constant 1 : i32
      %parallel_loop3A_198:8 = scf.for %parallel_loop3A_373 = %parallel_loop3A_195 to %parallel_loop3A_196 step %parallel_loop3A_197 iter_args(%parallel_loop3A_374 = %broadcast_in_dim3A_41, %parallel_loop3A_375 = %broadcast_in_dim3A_41, %parallel_loop3A_376 = %broadcast_in_dim3A_41, %parallel_loop3A_377 = %broadcast_in_dim3A_41, %parallel_loop3A_378 = %broadcast_in_dim3A_41, %parallel_loop3A_379 = %broadcast_in_dim3A_41, %parallel_loop3A_380 = %broadcast_in_dim3A_41, %parallel_loop3A_381 = %broadcast_in_dim3A_41) -> (vector<16xf32>, vector<16xf32>, vector<16xf32>, vector<16xf32>, vector<16xf32>, vector<16xf32>, vector<16xf32>, vector<16xf32>)  : i32 {
        %parallel_loop3A_382 = arith.index_cast %parallel_loop3A_373 : i32 to index
        %parallel_loop3A_383 = tpu.vector_load %arg21[%parallel_loop3A_382] {strides = array<i32>} : memref<80xf32, #tpu.memory_space<vmem>>, vector<16xf32>,
        %parallel_loop3A_384 = vector.extract_strided_slice %parallel_loop3A_383 {offsets = [0], sizes = [1], strides = [1]} : vector<16xf32> to vector<1xf32>
        %parallel_loop3A_385 = vector.extract %parallel_loop3A_384[0] : f32 from vector<1xf32>
        %parallel_loop3A_386 = arith.index_cast %parallel_loop3A_373 : i32 to index
        %parallel_loop3A_387 = arith.constant 0 : index
        %parallel_loop3A_388 = tpu.vector_load %arg16[%parallel_loop3A_386, %parallel_loop3A_387] {strides = array<i32>} : memref<50x128xf32, #tpu.memory_space<vmem>>, vector<16xf32>,
        %parallel_loop3A_389 = arith.index_cast %parallel_loop3A_373 : i32 to index
        %parallel_loop3A_390 = arith.constant 16 : index
        %parallel_loop3A_391 = tpu.vector_load %arg16[%parallel_loop3A_389, %parallel_loop3A_390] {strides = array<i32>} : memref<50x128xf32, #tpu.memory_space<vmem>>, vector<16xf32>,
        %parallel_loop3A_392 = arith.index_cast %parallel_loop3A_373 : i32 to index
        %parallel_loop3A_393 = arith.constant 32 : index
        %parallel_loop3A_394 = tpu.vector_load %arg16[%parallel_loop3A_392, %parallel_loop3A_393] {strides = array<i32>} : memref<50x128xf32, #tpu.memory_space<vmem>>, vector<16xf32>,
        %parallel_loop3A_395 = arith.index_cast %parallel_loop3A_373 : i32 to index
        %parallel_loop3A_396 = arith.constant 48 : index
        %parallel_loop3A_397 = tpu.vector_load %arg16[%parallel_loop3A_395, %parallel_loop3A_396] {strides = array<i32>} : memref<50x128xf32, #tpu.memory_space<vmem>>, vector<16xf32>,
        %parallel_loop3A_398 = arith.index_cast %parallel_loop3A_373 : i32 to index
        %parallel_loop3A_399 = arith.constant 64 : index
        %parallel_loop3A_400 = tpu.vector_load %arg16[%parallel_loop3A_398, %parallel_loop3A_399] {strides = array<i32>} : memref<50x128xf32, #tpu.memory_space<vmem>>, vector<16xf32>,
        %parallel_loop3A_401 = arith.index_cast %parallel_loop3A_373 : i32 to index
        %parallel_loop3A_402 = arith.constant 80 : index
        %parallel_loop3A_403 = tpu.vector_load %arg16[%parallel_loop3A_401, %parallel_loop3A_402] {strides = array<i32>} : memref<50x128xf32, #tpu.memory_space<vmem>>, vector<16xf32>,
        %parallel_loop3A_404 = arith.index_cast %parallel_loop3A_373 : i32 to index
        %parallel_loop3A_405 = arith.constant 96 : index
        %parallel_loop3A_406 = tpu.vector_load %arg16[%parallel_loop3A_404, %parallel_loop3A_405] {strides = array<i32>} : memref<50x128xf32, #tpu.memory_space<vmem>>, vector<16xf32>,
        %parallel_loop3A_407 = arith.index_cast %parallel_loop3A_373 : i32 to index
        %parallel_loop3A_408 = arith.constant 112 : index
        %parallel_loop3A_409 = tpu.vector_load %arg16[%parallel_loop3A_407, %parallel_loop3A_408] {strides = array<i32>} : memref<50x128xf32, #tpu.memory_space<vmem>>, vector<16xf32>,
        %parallel_loop3A_410 = vector.broadcast %parallel_loop3A_385 : f32 to vector<16xf32>
        %parallel_loop3A_411 = arith.mulf %parallel_loop3A_410, %parallel_loop3A_388 : vector<16xf32>
        %parallel_loop3A_412 = arith.addf %parallel_loop3A_374, %parallel_loop3A_411 : vector<16xf32>
        %parallel_loop3A_413 = vector.broadcast %parallel_loop3A_385 : f32 to vector<16xf32>
        %parallel_loop3A_414 = arith.mulf %parallel_loop3A_413, %parallel_loop3A_391 : vector<16xf32>
        %parallel_loop3A_415 = arith.addf %parallel_loop3A_375, %parallel_loop3A_414 : vector<16xf32>
        %parallel_loop3A_416 = vector.broadcast %parallel_loop3A_385 : f32 to vector<16xf32>
        %parallel_loop3A_417 = arith.mulf %parallel_loop3A_416, %parallel_loop3A_394 : vector<16xf32>
        %parallel_loop3A_418 = arith.addf %parallel_loop3A_376, %parallel_loop3A_417 : vector<16xf32>
        %parallel_loop3A_419 = vector.broadcast %parallel_loop3A_385 : f32 to vector<16xf32>
        %parallel_loop3A_420 = arith.mulf %parallel_loop3A_419, %parallel_loop3A_397 : vector<16xf32>
        %parallel_loop3A_421 = arith.addf %parallel_loop3A_377, %parallel_loop3A_420 : vector<16xf32>
        %parallel_loop3A_422 = vector.broadcast %parallel_loop3A_385 : f32 to vector<16xf32>
        %parallel_loop3A_423 = arith.mulf %parallel_loop3A_422, %parallel_loop3A_400 : vector<16xf32>
        %parallel_loop3A_424 = arith.addf %parallel_loop3A_378, %parallel_loop3A_423 : vector<16xf32>
        %parallel_loop3A_425 = vector.broadcast %parallel_loop3A_385 : f32 to vector<16xf32>
        %parallel_loop3A_426 = arith.mulf %parallel_loop3A_425, %parallel_loop3A_403 : vector<16xf32>
        %parallel_loop3A_427 = arith.addf %parallel_loop3A_379, %parallel_loop3A_426 : vector<16xf32>
        %parallel_loop3A_428 = vector.broadcast %parallel_loop3A_385 : f32 to vector<16xf32>
        %parallel_loop3A_429 = arith.mulf %parallel_loop3A_428, %parallel_loop3A_406 : vector<16xf32>
        %parallel_loop3A_430 = arith.addf %parallel_loop3A_380, %parallel_loop3A_429 : vector<16xf32>
        %parallel_loop3A_431 = vector.broadcast %parallel_loop3A_385 : f32 to vector<16xf32>
        %parallel_loop3A_432 = arith.mulf %parallel_loop3A_431, %parallel_loop3A_409 : vector<16xf32>
        %parallel_loop3A_433 = arith.addf %parallel_loop3A_381, %parallel_loop3A_432 : vector<16xf32>
        scf.yield %parallel_loop3A_412, %parallel_loop3A_415, %parallel_loop3A_418, %parallel_loop3A_421, %parallel_loop3A_424, %parallel_loop3A_427, %parallel_loop3A_430, %parallel_loop3A_433 : vector<16xf32>, vector<16xf32>, vector<16xf32>, vector<16xf32>, vector<16xf32>, vector<16xf32>, vector<16xf32>, vector<16xf32>
      } {sc.loop_unroll_factor = 5 : i64, sc.parallel_access}
      %swap3A_199 = arith.index_cast %add3A_151 : i32 to index
      %swap3A_200 = arith.constant 0 : index
      %swap3A_201 = tpu.vector_load %arg19[%swap3A_199, %swap3A_200] {strides = array<i32>} : memref<128x128xf32, #tpu.memory_space<vmem>>, vector<16xf32>,
      tpu.vector_store %arg19[%swap3A_199, %swap3A_200], %parallel_loop3A_198#0 {strides = array<i32>} : memref<128x128xf32, #tpu.memory_space<vmem>>, vector<16xf32>,
      %swap3A_202 = arith.index_cast %add3A_151 : i32 to index
      %swap3A_203 = arith.constant 16 : index
      %swap3A_204 = tpu.vector_load %arg19[%swap3A_202, %swap3A_203] {strides = array<i32>} : memref<128x128xf32, #tpu.memory_space<vmem>>, vector<16xf32>,
      tpu.vector_store %arg19[%swap3A_202, %swap3A_203], %parallel_loop3A_198#1 {strides = array<i32>} : memref<128x128xf32, #tpu.memory_space<vmem>>, vector<16xf32>,
      %swap3A_205 = arith.index_cast %add3A_151 : i32 to index
      %swap3A_206 = arith.constant 32 : index
      %swap3A_207 = tpu.vector_load %arg19[%swap3A_205, %swap3A_206] {strides = array<i32>} : memref<128x128xf32, #tpu.memory_space<vmem>>, vector<16xf32>,
      tpu.vector_store %arg19[%swap3A_205, %swap3A_206], %parallel_loop3A_198#2 {strides = array<i32>} : memref<128x128xf32, #tpu.memory_space<vmem>>, vector<16xf32>,
      %swap3A_208 = arith.index_cast %add3A_151 : i32 to index
      %swap3A_209 = arith.constant 48 : index
      %swap3A_210 = tpu.vector_load %arg19[%swap3A_208, %swap3A_209] {strides = array<i32>} : memref<128x128xf32, #tpu.memory_space<vmem>>, vector<16xf32>,
      tpu.vector_store %arg19[%swap3A_208, %swap3A_209], %parallel_loop3A_198#3 {strides = array<i32>} : memref<128x128xf32, #tpu.memory_space<vmem>>, vector<16xf32>,
      %swap3A_211 = arith.index_cast %add3A_151 : i32 to index
      %swap3A_212 = arith.constant 64 : index
      %swap3A_213 = tpu.vector_load %arg19[%swap3A_211, %swap3A_212] {strides = array<i32>} : memref<128x128xf32, #tpu.memory_space<vmem>>, vector<16xf32>,
      tpu.vector_store %arg19[%swap3A_211, %swap3A_212], %parallel_loop3A_198#4 {strides = array<i32>} : memref<128x128xf32, #tpu.memory_space<vmem>>, vector<16xf32>,
      %swap3A_214 = arith.index_cast %add3A_151 : i32 to index
      %swap3A_215 = arith.constant 80 : index
      %swap3A_216 = tpu.vector_load %arg19[%swap3A_214, %swap3A_215] {strides = array<i32>} : memref<128x128xf32, #tpu.memory_space<vmem>>, vector<16xf32>,
      tpu.vector_store %arg19[%swap3A_214, %swap3A_215], %parallel_loop3A_198#5 {strides = array<i32>} : memref<128x128xf32, #tpu.memory_space<vmem>>, vector<16xf32>,
      %swap3A_217 = arith.index_cast %add3A_151 : i32 to index
      %swap3A_218 = arith.constant 96 : index
      %swap3A_219 = tpu.vector_load %arg19[%swap3A_217, %swap3A_218] {strides = array<i32>} : memref<128x128xf32, #tpu.memory_space<vmem>>, vector<16xf32>,
      tpu.vector_store %arg19[%swap3A_217, %swap3A_218], %parallel_loop3A_198#6 {strides = array<i32>} : memref<128x128xf32, #tpu.memory_space<vmem>>, vector<16xf32>,
      %swap3A_220 = arith.index_cast %add3A_151 : i32 to index
      %swap3A_221 = arith.constant 112 : index
      %swap3A_222 = tpu.vector_load %arg19[%swap3A_220, %swap3A_221] {strides = array<i32>} : memref<128x128xf32, #tpu.memory_space<vmem>>, vector<16xf32>,
      tpu.vector_store %arg19[%swap3A_220, %swap3A_221], %parallel_loop3A_198#7 {strides = array<i32>} : memref<128x128xf32, #tpu.memory_space<vmem>>, vector<16xf32>,
      %mul3A_223 = arith.constant 4 : i32
      %mul3A_224 = arith.muli %mul3A_223, %scan3A_77 : i32
      %add3A_225 = arith.constant 2 : i32
      %add3A_226 = arith.addi %mul3A_224, %add3A_225 : i32
      %dma_wait3A_227 = arith.constant 0 : i32
      %dma_wait3A_228 = tpu.memref_slice %arg12[%add3A_226, %dma_wait3A_227] : memref<128x50xi32, #tpu.memory_space<vmem>> -> memref<1x50xi32, #tpu.memory_space<vmem>>
      %dma_wait3A_229 = tpu.memref_squeeze %dma_wait3A_228 : memref<1x50xi32, #tpu.memory_space<vmem>> -> memref<50xi32, #tpu.memory_space<vmem>>
      %dma_wait3A_230 = arith.constant 0 : i32
      %dma_wait3A_231 = arith.constant 0 : i32
      %dma_wait3A_232 = tpu.memref_slice %arg6[%dma_wait3A_230, %dma_wait3A_231] : memref<100000x128xf32, #tpu.memory_space<hbm>> -> memref<100000x128xf32, #tpu.memory_space<hbm>>
      tpu.wait_indirect_dma semaphore(%arg26 : memref<!tpu.dma_semaphore, #tpu.memory_space<semaphore_mem>>) src(%dma_wait3A_232 : memref<100000x128xf32, #tpu.memory_space<hbm>>) dst(%arg17 : memref<50x128xf32, #tpu.memory_space<vmem>>)
      %add3A_233 = arith.constant 4 : i32
      %add3A_234 = arith.addi %add3A_226, %add3A_233 : i32
      %lt3A_235 = arith.constant 128 : i32
      %lt3A_236 = arith.cmpi slt, %add3A_234, %lt3A_235 : i32
      %convert_element_type3A_237 = arith.extui %lt3A_236 : i1 to i32
      %cond3A_238 = arith.constant 0 : i32
      %cond3A_239 = arith.cmpi ne, %convert_element_type3A_237, %cond3A_238 : i32
      scf.if %cond3A_239 {
        %add3A_373 = arith.constant 4 : i32
        %add3A_374 = arith.addi %add3A_226, %add3A_373 : i32
        %dma_start3A_375 = arith.constant 0 : i32
        %dma_start3A_376 = tpu.memref_slice %arg12[%add3A_374, %dma_start3A_375] : memref<128x50xi32, #tpu.memory_space<vmem>> -> memref<1x50xi32, #tpu.memory_space<vmem>>
        %dma_start3A_377 = tpu.memref_squeeze %dma_start3A_376 : memref<1x50xi32, #tpu.memory_space<vmem>> -> memref<50xi32, #tpu.memory_space<vmem>>
        %dma_start3A_378 = arith.constant 0 : i32
        %dma_start3A_379 = arith.constant 0 : i32
        %dma_start3A_380 = tpu.memref_slice %arg6[%dma_start3A_378, %dma_start3A_379] : memref<100000x128xf32, #tpu.memory_space<hbm>> -> memref<100000x128xf32, #tpu.memory_space<hbm>>
        tpu.enqueue_indirect_dma source(%dma_start3A_380 : memref<100000x128xf32, #tpu.memory_space<hbm>>) target(%arg17 : memref<50x128xf32, #tpu.memory_space<vmem>>) offsets(%dma_start3A_377 : memref<50xi32, #tpu.memory_space<vmem>>) semaphore(%arg26 : memref<!tpu.dma_semaphore, #tpu.memory_space<semaphore_mem>>)
      } else {
      }
      %get3A_240 = arith.index_cast %add3A_226 : i32 to index
      %get3A_241 = arith.constant 0 : index
      %get3A_242 = tpu.vector_load %arg14[%get3A_240, %get3A_241] {strides = array<i32>} : memref<128x128xf32, #tpu.memory_space<vmem>>, vector<16xf32>,
      %get3A_243 = arith.index_cast %add3A_226 : i32 to index
      %get3A_244 = arith.constant 16 : index
      %get3A_245 = tpu.vector_load %arg14[%get3A_243, %get3A_244] {strides = array<i32>} : memref<128x128xf32, #tpu.memory_space<vmem>>, vector<16xf32>,
      %get3A_246 = arith.index_cast %add3A_226 : i32 to index
      %get3A_247 = arith.constant 32 : index
      %get3A_248 = tpu.vector_load %arg14[%get3A_246, %get3A_247] {strides = array<i32>} : memref<128x128xf32, #tpu.memory_space<vmem>>, vector<16xf32>,
      %get3A_249 = arith.index_cast %add3A_226 : i32 to index
      %get3A_250 = arith.constant 48 : index
      %get3A_251 = tpu.vector_load %arg14[%get3A_249, %get3A_250] {strides = array<i32>} : memref<128x128xf32, #tpu.memory_space<vmem>>, vector<16xf32>,
      %get3A_252 = arith.index_cast %add3A_226 : i32 to index
      %get3A_253 = arith.constant 64 : index
      %get3A_254 = tpu.vector_load %arg14[%get3A_252, %get3A_253] {strides = array<i32>} : memref<128x128xf32, #tpu.memory_space<vmem>>, vector<16xf32>,
      %get3A_255 = arith.index_cast %add3A_226 : i32 to index
      %get3A_256 = arith.constant 80 : index
      %get3A_257 = tpu.vector_load %arg14[%get3A_255, %get3A_256] {strides = array<i32>} : memref<128x128xf32, #tpu.memory_space<vmem>>, vector<16xf32>,
      %get3A_258 = arith.index_cast %add3A_226 : i32 to index
      %get3A_259 = arith.constant 96 : index
      %get3A_260 = tpu.vector_load %arg14[%get3A_258, %get3A_259] {strides = array<i32>} : memref<128x128xf32, #tpu.memory_space<vmem>>, vector<16xf32>,
      %get3A_261 = arith.index_cast %add3A_226 : i32 to index
      %get3A_262 = arith.constant 112 : index
      %get3A_263 = tpu.vector_load %arg14[%get3A_261, %get3A_262] {strides = array<i32>} : memref<128x128xf32, #tpu.memory_space<vmem>>, vector<16xf32>,
      %parallel_loop3A_264 = arith.constant 0 : i32
      %parallel_loop3A_265 = arith.constant 50 : i32
      %parallel_loop3A_266 = arith.constant 1 : i32
      scf.for %parallel_loop3A_373 = %parallel_loop3A_264 to %parallel_loop3A_265 step %parallel_loop3A_266  : i32 {
        %parallel_loop3A_374 = arith.index_cast %parallel_loop3A_373 : i32 to index
        %parallel_loop3A_375 = arith.constant 0 : index
        %parallel_loop3A_376 = tpu.vector_load %arg17[%parallel_loop3A_374, %parallel_loop3A_375] {strides = array<i32>} : memref<50x128xf32, #tpu.memory_space<vmem>>, vector<16xf32>,
        %parallel_loop3A_377 = arith.index_cast %parallel_loop3A_373 : i32 to index
        %parallel_loop3A_378 = arith.constant 16 : index
        %parallel_loop3A_379 = tpu.vector_load %arg17[%parallel_loop3A_377, %parallel_loop3A_378] {strides = array<i32>} : memref<50x128xf32, #tpu.memory_space<vmem>>, vector<16xf32>,
        %parallel_loop3A_380 = arith.index_cast %parallel_loop3A_373 : i32 to index
        %parallel_loop3A_381 = arith.constant 32 : index
        %parallel_loop3A_382 = tpu.vector_load %arg17[%parallel_loop3A_380, %parallel_loop3A_381] {strides = array<i32>} : memref<50x128xf32, #tpu.memory_space<vmem>>, vector<16xf32>,
        %parallel_loop3A_383 = arith.index_cast %parallel_loop3A_373 : i32 to index
        %parallel_loop3A_384 = arith.constant 48 : index
        %parallel_loop3A_385 = tpu.vector_load %arg17[%parallel_loop3A_383, %parallel_loop3A_384] {strides = array<i32>} : memref<50x128xf32, #tpu.memory_space<vmem>>, vector<16xf32>,
        %parallel_loop3A_386 = arith.index_cast %parallel_loop3A_373 : i32 to index
        %parallel_loop3A_387 = arith.constant 64 : index
        %parallel_loop3A_388 = tpu.vector_load %arg17[%parallel_loop3A_386, %parallel_loop3A_387] {strides = array<i32>} : memref<50x128xf32, #tpu.memory_space<vmem>>, vector<16xf32>,
        %parallel_loop3A_389 = arith.index_cast %parallel_loop3A_373 : i32 to index
        %parallel_loop3A_390 = arith.constant 80 : index
        %parallel_loop3A_391 = tpu.vector_load %arg17[%parallel_loop3A_389, %parallel_loop3A_390] {strides = array<i32>} : memref<50x128xf32, #tpu.memory_space<vmem>>, vector<16xf32>,
        %parallel_loop3A_392 = arith.index_cast %parallel_loop3A_373 : i32 to index
        %parallel_loop3A_393 = arith.constant 96 : index
        %parallel_loop3A_394 = tpu.vector_load %arg17[%parallel_loop3A_392, %parallel_loop3A_393] {strides = array<i32>} : memref<50x128xf32, #tpu.memory_space<vmem>>, vector<16xf32>,
        %parallel_loop3A_395 = arith.index_cast %parallel_loop3A_373 : i32 to index
        %parallel_loop3A_396 = arith.constant 112 : index
        %parallel_loop3A_397 = tpu.vector_load %arg17[%parallel_loop3A_395, %parallel_loop3A_396] {strides = array<i32>} : memref<50x128xf32, #tpu.memory_space<vmem>>, vector<16xf32>,
        %parallel_loop3A_398 = arith.mulf %parallel_loop3A_376, %get3A_242 : vector<16xf32>
        %parallel_loop3A_399 = arith.mulf %parallel_loop3A_379, %get3A_245 : vector<16xf32>
        %parallel_loop3A_400 = arith.mulf %parallel_loop3A_382, %get3A_248 : vector<16xf32>
        %parallel_loop3A_401 = arith.mulf %parallel_loop3A_385, %get3A_251 : vector<16xf32>
        %parallel_loop3A_402 = arith.mulf %parallel_loop3A_388, %get3A_254 : vector<16xf32>
        %parallel_loop3A_403 = arith.mulf %parallel_loop3A_391, %get3A_257 : vector<16xf32>
        %parallel_loop3A_404 = arith.mulf %parallel_loop3A_394, %get3A_260 : vector<16xf32>
        %parallel_loop3A_405 = arith.mulf %parallel_loop3A_397, %get3A_263 : vector<16xf32>
        %parallel_loop3A_406 = arith.addf %parallel_loop3A_398, %parallel_loop3A_399 : vector<16xf32>
        %parallel_loop3A_407 = arith.addf %parallel_loop3A_400, %parallel_loop3A_401 : vector<16xf32>
        %parallel_loop3A_408 = arith.addf %parallel_loop3A_402, %parallel_loop3A_403 : vector<16xf32>
        %parallel_loop3A_409 = arith.addf %parallel_loop3A_404, %parallel_loop3A_405 : vector<16xf32>
        %parallel_loop3A_410 = arith.addf %parallel_loop3A_406, %parallel_loop3A_407 : vector<16xf32>
        %parallel_loop3A_411 = arith.addf %parallel_loop3A_408, %parallel_loop3A_409 : vector<16xf32>
        %parallel_loop3A_412 = arith.addf %parallel_loop3A_410, %parallel_loop3A_411 : vector<16xf32>
        %parallel_loop3A_413 = arith.constant 17 : i32
        %parallel_loop3A_414 = arith.muli %parallel_loop3A_373, %parallel_loop3A_413 : i32
        %parallel_loop3A_415 = arith.index_cast %parallel_loop3A_414 : i32 to index
        %parallel_loop3A_416 = tpu.vector_load %arg20[%parallel_loop3A_415] {strides = array<i32>} : memref<1088xf32, #tpu.memory_space<vmem>>, vector<16xf32>,
        tpu.vector_store %arg20[%parallel_loop3A_415], %parallel_loop3A_412 {strides = array<i32>} : memref<1088xf32, #tpu.memory_space<vmem>>, vector<16xf32>,
      } {sc.loop_unroll_factor = 5 : i64, sc.parallel_access}
      %parallel_loop3A_267 = arith.constant 0 : i32
      %parallel_loop3A_268 = arith.constant 4 : i32
      %parallel_loop3A_269 = arith.constant 1 : i32
      scf.for %parallel_loop3A_373 = %parallel_loop3A_267 to %parallel_loop3A_268 step %parallel_loop3A_269  : i32 {
        %parallel_loop3A_374 = arith.constant 272 : i32
        %parallel_loop3A_375 = arith.muli %parallel_loop3A_373, %parallel_loop3A_374 : i32
        %parallel_loop3A_376 = arith.constant 0 : i32
        %parallel_loop3A_377 = arith.addi %parallel_loop3A_375, %parallel_loop3A_376 : i32
        %parallel_loop3A_378 = vector.broadcast %parallel_loop3A_377 : i32 to vector<16xi32>
        %parallel_loop3A_379 = arith.addi %mul3A_40, %parallel_loop3A_378 : vector<16xi32>
        %parallel_loop3A_380 = tpu.vector_load_idx %arg20[%parallel_loop3A_379] : memref<1088xf32, #tpu.memory_space<vmem>>[vector<16xi32>], vector<16xf32>,
        %parallel_loop3A_381 = arith.constant 1 : i32
        %parallel_loop3A_382 = arith.addi %parallel_loop3A_375, %parallel_loop3A_381 : i32
        %parallel_loop3A_383 = vector.broadcast %parallel_loop3A_382 : i32 to vector<16xi32>
        %parallel_loop3A_384 = arith.addi %mul3A_40, %parallel_loop3A_383 : vector<16xi32>
        %parallel_loop3A_385 = tpu.vector_load_idx %arg20[%parallel_loop3A_384] : memref<1088xf32, #tpu.memory_space<vmem>>[vector<16xi32>], vector<16xf32>,
        %parallel_loop3A_386 = arith.constant 2 : i32
        %parallel_loop3A_387 = arith.addi %parallel_loop3A_375, %parallel_loop3A_386 : i32
        %parallel_loop3A_388 = vector.broadcast %parallel_loop3A_387 : i32 to vector<16xi32>
        %parallel_loop3A_389 = arith.addi %mul3A_40, %parallel_loop3A_388 : vector<16xi32>
        %parallel_loop3A_390 = tpu.vector_load_idx %arg20[%parallel_loop3A_389] : memref<1088xf32, #tpu.memory_space<vmem>>[vector<16xi32>], vector<16xf32>,
        %parallel_loop3A_391 = arith.constant 3 : i32
        %parallel_loop3A_392 = arith.addi %parallel_loop3A_375, %parallel_loop3A_391 : i32
        %parallel_loop3A_393 = vector.broadcast %parallel_loop3A_392 : i32 to vector<16xi32>
        %parallel_loop3A_394 = arith.addi %mul3A_40, %parallel_loop3A_393 : vector<16xi32>
        %parallel_loop3A_395 = tpu.vector_load_idx %arg20[%parallel_loop3A_394] : memref<1088xf32, #tpu.memory_space<vmem>>[vector<16xi32>], vector<16xf32>,
        %parallel_loop3A_396 = arith.constant 4 : i32
        %parallel_loop3A_397 = arith.addi %parallel_loop3A_375, %parallel_loop3A_396 : i32
        %parallel_loop3A_398 = vector.broadcast %parallel_loop3A_397 : i32 to vector<16xi32>
        %parallel_loop3A_399 = arith.addi %mul3A_40, %parallel_loop3A_398 : vector<16xi32>
        %parallel_loop3A_400 = tpu.vector_load_idx %arg20[%parallel_loop3A_399] : memref<1088xf32, #tpu.memory_space<vmem>>[vector<16xi32>], vector<16xf32>,
        %parallel_loop3A_401 = arith.constant 5 : i32
        %parallel_loop3A_402 = arith.addi %parallel_loop3A_375, %parallel_loop3A_401 : i32
        %parallel_loop3A_403 = vector.broadcast %parallel_loop3A_402 : i32 to vector<16xi32>
        %parallel_loop3A_404 = arith.addi %mul3A_40, %parallel_loop3A_403 : vector<16xi32>
        %parallel_loop3A_405 = tpu.vector_load_idx %arg20[%parallel_loop3A_404] : memref<1088xf32, #tpu.memory_space<vmem>>[vector<16xi32>], vector<16xf32>,
        %parallel_loop3A_406 = arith.constant 6 : i32
        %parallel_loop3A_407 = arith.addi %parallel_loop3A_375, %parallel_loop3A_406 : i32
        %parallel_loop3A_408 = vector.broadcast %parallel_loop3A_407 : i32 to vector<16xi32>
        %parallel_loop3A_409 = arith.addi %mul3A_40, %parallel_loop3A_408 : vector<16xi32>
        %parallel_loop3A_410 = tpu.vector_load_idx %arg20[%parallel_loop3A_409] : memref<1088xf32, #tpu.memory_space<vmem>>[vector<16xi32>], vector<16xf32>,
        %parallel_loop3A_411 = arith.constant 7 : i32
        %parallel_loop3A_412 = arith.addi %parallel_loop3A_375, %parallel_loop3A_411 : i32
        %parallel_loop3A_413 = vector.broadcast %parallel_loop3A_412 : i32 to vector<16xi32>
        %parallel_loop3A_414 = arith.addi %mul3A_40, %parallel_loop3A_413 : vector<16xi32>
        %parallel_loop3A_415 = tpu.vector_load_idx %arg20[%parallel_loop3A_414] : memref<1088xf32, #tpu.memory_space<vmem>>[vector<16xi32>], vector<16xf32>,
        %parallel_loop3A_416 = arith.constant 8 : i32
        %parallel_loop3A_417 = arith.addi %parallel_loop3A_375, %parallel_loop3A_416 : i32
        %parallel_loop3A_418 = vector.broadcast %parallel_loop3A_417 : i32 to vector<16xi32>
        %parallel_loop3A_419 = arith.addi %mul3A_40, %parallel_loop3A_418 : vector<16xi32>
        %parallel_loop3A_420 = tpu.vector_load_idx %arg20[%parallel_loop3A_419] : memref<1088xf32, #tpu.memory_space<vmem>>[vector<16xi32>], vector<16xf32>,
        %parallel_loop3A_421 = arith.constant 9 : i32
        %parallel_loop3A_422 = arith.addi %parallel_loop3A_375, %parallel_loop3A_421 : i32
        %parallel_loop3A_423 = vector.broadcast %parallel_loop3A_422 : i32 to vector<16xi32>
        %parallel_loop3A_424 = arith.addi %mul3A_40, %parallel_loop3A_423 : vector<16xi32>
        %parallel_loop3A_425 = tpu.vector_load_idx %arg20[%parallel_loop3A_424] : memref<1088xf32, #tpu.memory_space<vmem>>[vector<16xi32>], vector<16xf32>,
        %parallel_loop3A_426 = arith.constant 10 : i32
        %parallel_loop3A_427 = arith.addi %parallel_loop3A_375, %parallel_loop3A_426 : i32
        %parallel_loop3A_428 = vector.broadcast %parallel_loop3A_427 : i32 to vector<16xi32>
        %parallel_loop3A_429 = arith.addi %mul3A_40, %parallel_loop3A_428 : vector<16xi32>
        %parallel_loop3A_430 = tpu.vector_load_idx %arg20[%parallel_loop3A_429] : memref<1088xf32, #tpu.memory_space<vmem>>[vector<16xi32>], vector<16xf32>,
        %parallel_loop3A_431 = arith.constant 11 : i32
        %parallel_loop3A_432 = arith.addi %parallel_loop3A_375, %parallel_loop3A_431 : i32
        %parallel_loop3A_433 = vector.broadcast %parallel_loop3A_432 : i32 to vector<16xi32>
        %parallel_loop3A_434 = arith.addi %mul3A_40, %parallel_loop3A_433 : vector<16xi32>
        %parallel_loop3A_435 = tpu.vector_load_idx %arg20[%parallel_loop3A_434] : memref<1088xf32, #tpu.memory_space<vmem>>[vector<16xi32>], vector<16xf32>,
        %parallel_loop3A_436 = arith.constant 12 : i32
        %parallel_loop3A_437 = arith.addi %parallel_loop3A_375, %parallel_loop3A_436 : i32
        %parallel_loop3A_438 = vector.broadcast %parallel_loop3A_437 : i32 to vector<16xi32>
        %parallel_loop3A_439 = arith.addi %mul3A_40, %parallel_loop3A_438 : vector<16xi32>
        %parallel_loop3A_440 = tpu.vector_load_idx %arg20[%parallel_loop3A_439] : memref<1088xf32, #tpu.memory_space<vmem>>[vector<16xi32>], vector<16xf32>,
        %parallel_loop3A_441 = arith.constant 13 : i32
        %parallel_loop3A_442 = arith.addi %parallel_loop3A_375, %parallel_loop3A_441 : i32
        %parallel_loop3A_443 = vector.broadcast %parallel_loop3A_442 : i32 to vector<16xi32>
        %parallel_loop3A_444 = arith.addi %mul3A_40, %parallel_loop3A_443 : vector<16xi32>
        %parallel_loop3A_445 = tpu.vector_load_idx %arg20[%parallel_loop3A_444] : memref<1088xf32, #tpu.memory_space<vmem>>[vector<16xi32>], vector<16xf32>,
        %parallel_loop3A_446 = arith.constant 14 : i32
        %parallel_loop3A_447 = arith.addi %parallel_loop3A_375, %parallel_loop3A_446 : i32
        %parallel_loop3A_448 = vector.broadcast %parallel_loop3A_447 : i32 to vector<16xi32>
        %parallel_loop3A_449 = arith.addi %mul3A_40, %parallel_loop3A_448 : vector<16xi32>
        %parallel_loop3A_450 = tpu.vector_load_idx %arg20[%parallel_loop3A_449] : memref<1088xf32, #tpu.memory_space<vmem>>[vector<16xi32>], vector<16xf32>,
        %parallel_loop3A_451 = arith.constant 15 : i32
        %parallel_loop3A_452 = arith.addi %parallel_loop3A_375, %parallel_loop3A_451 : i32
        %parallel_loop3A_453 = vector.broadcast %parallel_loop3A_452 : i32 to vector<16xi32>
        %parallel_loop3A_454 = arith.addi %mul3A_40, %parallel_loop3A_453 : vector<16xi32>
        %parallel_loop3A_455 = tpu.vector_load_idx %arg20[%parallel_loop3A_454] : memref<1088xf32, #tpu.memory_space<vmem>>[vector<16xi32>], vector<16xf32>,
        %parallel_loop3A_456 = arith.addf %parallel_loop3A_380, %parallel_loop3A_385 : vector<16xf32>
        %parallel_loop3A_457 = arith.addf %parallel_loop3A_390, %parallel_loop3A_395 : vector<16xf32>
        %parallel_loop3A_458 = arith.addf %parallel_loop3A_400, %parallel_loop3A_405 : vector<16xf32>
        %parallel_loop3A_459 = arith.addf %parallel_loop3A_410, %parallel_loop3A_415 : vector<16xf32>
        %parallel_loop3A_460 = arith.addf %parallel_loop3A_420, %parallel_loop3A_425 : vector<16xf32>
        %parallel_loop3A_461 = arith.addf %parallel_loop3A_430, %parallel_loop3A_435 : vector<16xf32>
        %parallel_loop3A_462 = arith.addf %parallel_loop3A_440, %parallel_loop3A_445 : vector<16xf32>
        %parallel_loop3A_463 = arith.addf %parallel_loop3A_450, %parallel_loop3A_455 : vector<16xf32>
        %parallel_loop3A_464 = arith.addf %parallel_loop3A_456, %parallel_loop3A_457 : vector<16xf32>
        %parallel_loop3A_465 = arith.addf %parallel_loop3A_458, %parallel_loop3A_459 : vector<16xf32>
        %parallel_loop3A_466 = arith.addf %parallel_loop3A_460, %parallel_loop3A_461 : vector<16xf32>
        %parallel_loop3A_467 = arith.addf %parallel_loop3A_462, %parallel_loop3A_463 : vector<16xf32>
        %parallel_loop3A_468 = arith.addf %parallel_loop3A_464, %parallel_loop3A_465 : vector<16xf32>
        %parallel_loop3A_469 = arith.addf %parallel_loop3A_466, %parallel_loop3A_467 : vector<16xf32>
        %parallel_loop3A_470 = arith.addf %parallel_loop3A_468, %parallel_loop3A_469 : vector<16xf32>
        %parallel_loop3A_471 = arith.constant 16 : i32
        %parallel_loop3A_472 = arith.muli %parallel_loop3A_373, %parallel_loop3A_471 : i32
        %parallel_loop3A_473 = arith.index_cast %parallel_loop3A_472 : i32 to index
        %parallel_loop3A_474 = tpu.vector_load %arg21[%parallel_loop3A_473] {strides = array<i32>} : memref<80xf32, #tpu.memory_space<vmem>>, vector<16xf32>,
        tpu.vector_store %arg21[%parallel_loop3A_473], %parallel_loop3A_470 {strides = array<i32>} : memref<80xf32, #tpu.memory_space<vmem>>, vector<16xf32>,
      } {sc.loop_unroll_factor = 1 : i64, sc.parallel_access}
      %parallel_loop3A_270 = arith.constant 0 : i32
      %parallel_loop3A_271 = arith.constant 50 : i32
      %parallel_loop3A_272 = arith.constant 1 : i32
      %parallel_loop3A_273:8 = scf.for %parallel_loop3A_373 = %parallel_loop3A_270 to %parallel_loop3A_271 step %parallel_loop3A_272 iter_args(%parallel_loop3A_374 = %broadcast_in_dim3A_41, %parallel_loop3A_375 = %broadcast_in_dim3A_41, %parallel_loop3A_376 = %broadcast_in_dim3A_41, %parallel_loop3A_377 = %broadcast_in_dim3A_41, %parallel_loop3A_378 = %broadcast_in_dim3A_41, %parallel_loop3A_379 = %broadcast_in_dim3A_41, %parallel_loop3A_380 = %broadcast_in_dim3A_41, %parallel_loop3A_381 = %broadcast_in_dim3A_41) -> (vector<16xf32>, vector<16xf32>, vector<16xf32>, vector<16xf32>, vector<16xf32>, vector<16xf32>, vector<16xf32>, vector<16xf32>)  : i32 {
        %parallel_loop3A_382 = arith.index_cast %parallel_loop3A_373 : i32 to index
        %parallel_loop3A_383 = tpu.vector_load %arg21[%parallel_loop3A_382] {strides = array<i32>} : memref<80xf32, #tpu.memory_space<vmem>>, vector<16xf32>,
        %parallel_loop3A_384 = vector.extract_strided_slice %parallel_loop3A_383 {offsets = [0], sizes = [1], strides = [1]} : vector<16xf32> to vector<1xf32>
        %parallel_loop3A_385 = vector.extract %parallel_loop3A_384[0] : f32 from vector<1xf32>
        %parallel_loop3A_386 = arith.index_cast %parallel_loop3A_373 : i32 to index
        %parallel_loop3A_387 = arith.constant 0 : index
        %parallel_loop3A_388 = tpu.vector_load %arg17[%parallel_loop3A_386, %parallel_loop3A_387] {strides = array<i32>} : memref<50x128xf32, #tpu.memory_space<vmem>>, vector<16xf32>,
        %parallel_loop3A_389 = arith.index_cast %parallel_loop3A_373 : i32 to index
        %parallel_loop3A_390 = arith.constant 16 : index
        %parallel_loop3A_391 = tpu.vector_load %arg17[%parallel_loop3A_389, %parallel_loop3A_390] {strides = array<i32>} : memref<50x128xf32, #tpu.memory_space<vmem>>, vector<16xf32>,
        %parallel_loop3A_392 = arith.index_cast %parallel_loop3A_373 : i32 to index
        %parallel_loop3A_393 = arith.constant 32 : index
        %parallel_loop3A_394 = tpu.vector_load %arg17[%parallel_loop3A_392, %parallel_loop3A_393] {strides = array<i32>} : memref<50x128xf32, #tpu.memory_space<vmem>>, vector<16xf32>,
        %parallel_loop3A_395 = arith.index_cast %parallel_loop3A_373 : i32 to index
        %parallel_loop3A_396 = arith.constant 48 : index
        %parallel_loop3A_397 = tpu.vector_load %arg17[%parallel_loop3A_395, %parallel_loop3A_396] {strides = array<i32>} : memref<50x128xf32, #tpu.memory_space<vmem>>, vector<16xf32>,
        %parallel_loop3A_398 = arith.index_cast %parallel_loop3A_373 : i32 to index
        %parallel_loop3A_399 = arith.constant 64 : index
        %parallel_loop3A_400 = tpu.vector_load %arg17[%parallel_loop3A_398, %parallel_loop3A_399] {strides = array<i32>} : memref<50x128xf32, #tpu.memory_space<vmem>>, vector<16xf32>,
        %parallel_loop3A_401 = arith.index_cast %parallel_loop3A_373 : i32 to index
        %parallel_loop3A_402 = arith.constant 80 : index
        %parallel_loop3A_403 = tpu.vector_load %arg17[%parallel_loop3A_401, %parallel_loop3A_402] {strides = array<i32>} : memref<50x128xf32, #tpu.memory_space<vmem>>, vector<16xf32>,
        %parallel_loop3A_404 = arith.index_cast %parallel_loop3A_373 : i32 to index
        %parallel_loop3A_405 = arith.constant 96 : index
        %parallel_loop3A_406 = tpu.vector_load %arg17[%parallel_loop3A_404, %parallel_loop3A_405] {strides = array<i32>} : memref<50x128xf32, #tpu.memory_space<vmem>>, vector<16xf32>,
        %parallel_loop3A_407 = arith.index_cast %parallel_loop3A_373 : i32 to index
        %parallel_loop3A_408 = arith.constant 112 : index
        %parallel_loop3A_409 = tpu.vector_load %arg17[%parallel_loop3A_407, %parallel_loop3A_408] {strides = array<i32>} : memref<50x128xf32, #tpu.memory_space<vmem>>, vector<16xf32>,
        %parallel_loop3A_410 = vector.broadcast %parallel_loop3A_385 : f32 to vector<16xf32>
        %parallel_loop3A_411 = arith.mulf %parallel_loop3A_410, %parallel_loop3A_388 : vector<16xf32>
        %parallel_loop3A_412 = arith.addf %parallel_loop3A_374, %parallel_loop3A_411 : vector<16xf32>
        %parallel_loop3A_413 = vector.broadcast %parallel_loop3A_385 : f32 to vector<16xf32>
        %parallel_loop3A_414 = arith.mulf %parallel_loop3A_413, %parallel_loop3A_391 : vector<16xf32>
        %parallel_loop3A_415 = arith.addf %parallel_loop3A_375, %parallel_loop3A_414 : vector<16xf32>
        %parallel_loop3A_416 = vector.broadcast %parallel_loop3A_385 : f32 to vector<16xf32>
        %parallel_loop3A_417 = arith.mulf %parallel_loop3A_416, %parallel_loop3A_394 : vector<16xf32>
        %parallel_loop3A_418 = arith.addf %parallel_loop3A_376, %parallel_loop3A_417 : vector<16xf32>
        %parallel_loop3A_419 = vector.broadcast %parallel_loop3A_385 : f32 to vector<16xf32>
        %parallel_loop3A_420 = arith.mulf %parallel_loop3A_419, %parallel_loop3A_397 : vector<16xf32>
        %parallel_loop3A_421 = arith.addf %parallel_loop3A_377, %parallel_loop3A_420 : vector<16xf32>
        %parallel_loop3A_422 = vector.broadcast %parallel_loop3A_385 : f32 to vector<16xf32>
        %parallel_loop3A_423 = arith.mulf %parallel_loop3A_422, %parallel_loop3A_400 : vector<16xf32>
        %parallel_loop3A_424 = arith.addf %parallel_loop3A_378, %parallel_loop3A_423 : vector<16xf32>
        %parallel_loop3A_425 = vector.broadcast %parallel_loop3A_385 : f32 to vector<16xf32>
        %parallel_loop3A_426 = arith.mulf %parallel_loop3A_425, %parallel_loop3A_403 : vector<16xf32>
        %parallel_loop3A_427 = arith.addf %parallel_loop3A_379, %parallel_loop3A_426 : vector<16xf32>
        %parallel_loop3A_428 = vector.broadcast %parallel_loop3A_385 : f32 to vector<16xf32>
        %parallel_loop3A_429 = arith.mulf %parallel_loop3A_428, %parallel_loop3A_406 : vector<16xf32>
        %parallel_loop3A_430 = arith.addf %parallel_loop3A_380, %parallel_loop3A_429 : vector<16xf32>
        %parallel_loop3A_431 = vector.broadcast %parallel_loop3A_385 : f32 to vector<16xf32>
        %parallel_loop3A_432 = arith.mulf %parallel_loop3A_431, %parallel_loop3A_409 : vector<16xf32>
        %parallel_loop3A_433 = arith.addf %parallel_loop3A_381, %parallel_loop3A_432 : vector<16xf32>
        scf.yield %parallel_loop3A_412, %parallel_loop3A_415, %parallel_loop3A_418, %parallel_loop3A_421, %parallel_loop3A_424, %parallel_loop3A_427, %parallel_loop3A_430, %parallel_loop3A_433 : vector<16xf32>, vector<16xf32>, vector<16xf32>, vector<16xf32>, vector<16xf32>, vector<16xf32>, vector<16xf32>, vector<16xf32>
      } {sc.loop_unroll_factor = 5 : i64, sc.parallel_access}
      %swap3A_274 = arith.index_cast %add3A_226 : i32 to index
      %swap3A_275 = arith.constant 0 : index
      %swap3A_276 = tpu.vector_load %arg19[%swap3A_274, %swap3A_275] {strides = array<i32>} : memref<128x128xf32, #tpu.memory_space<vmem>>, vector<16xf32>,
      tpu.vector_store %arg19[%swap3A_274, %swap3A_275], %parallel_loop3A_273#0 {strides = array<i32>} : memref<128x128xf32, #tpu.memory_space<vmem>>, vector<16xf32>,
      %swap3A_277 = arith.index_cast %add3A_226 : i32 to index
      %swap3A_278 = arith.constant 16 : index
      %swap3A_279 = tpu.vector_load %arg19[%swap3A_277, %swap3A_278] {strides = array<i32>} : memref<128x128xf32, #tpu.memory_space<vmem>>, vector<16xf32>,
      tpu.vector_store %arg19[%swap3A_277, %swap3A_278], %parallel_loop3A_273#1 {strides = array<i32>} : memref<128x128xf32, #tpu.memory_space<vmem>>, vector<16xf32>,
      %swap3A_280 = arith.index_cast %add3A_226 : i32 to index
      %swap3A_281 = arith.constant 32 : index
      %swap3A_282 = tpu.vector_load %arg19[%swap3A_280, %swap3A_281] {strides = array<i32>} : memref<128x128xf32, #tpu.memory_space<vmem>>, vector<16xf32>,
      tpu.vector_store %arg19[%swap3A_280, %swap3A_281], %parallel_loop3A_273#2 {strides = array<i32>} : memref<128x128xf32, #tpu.memory_space<vmem>>, vector<16xf32>,
      %swap3A_283 = arith.index_cast %add3A_226 : i32 to index
      %swap3A_284 = arith.constant 48 : index
      %swap3A_285 = tpu.vector_load %arg19[%swap3A_283, %swap3A_284] {strides = array<i32>} : memref<128x128xf32, #tpu.memory_space<vmem>>, vector<16xf32>,
      tpu.vector_store %arg19[%swap3A_283, %swap3A_284], %parallel_loop3A_273#3 {strides = array<i32>} : memref<128x128xf32, #tpu.memory_space<vmem>>, vector<16xf32>,
      %swap3A_286 = arith.index_cast %add3A_226 : i32 to index
      %swap3A_287 = arith.constant 64 : index
      %swap3A_288 = tpu.vector_load %arg19[%swap3A_286, %swap3A_287] {strides = array<i32>} : memref<128x128xf32, #tpu.memory_space<vmem>>, vector<16xf32>,
      tpu.vector_store %arg19[%swap3A_286, %swap3A_287], %parallel_loop3A_273#4 {strides = array<i32>} : memref<128x128xf32, #tpu.memory_space<vmem>>, vector<16xf32>,
      %swap3A_289 = arith.index_cast %add3A_226 : i32 to index
      %swap3A_290 = arith.constant 80 : index
      %swap3A_291 = tpu.vector_load %arg19[%swap3A_289, %swap3A_290] {strides = array<i32>} : memref<128x128xf32, #tpu.memory_space<vmem>>, vector<16xf32>,
      tpu.vector_store %arg19[%swap3A_289, %swap3A_290], %parallel_loop3A_273#5 {strides = array<i32>} : memref<128x128xf32, #tpu.memory_space<vmem>>, vector<16xf32>,
      %swap3A_292 = arith.index_cast %add3A_226 : i32 to index
      %swap3A_293 = arith.constant 96 : index
      %swap3A_294 = tpu.vector_load %arg19[%swap3A_292, %swap3A_293] {strides = array<i32>} : memref<128x128xf32, #tpu.memory_space<vmem>>, vector<16xf32>,
      tpu.vector_store %arg19[%swap3A_292, %swap3A_293], %parallel_loop3A_273#6 {strides = array<i32>} : memref<128x128xf32, #tpu.memory_space<vmem>>, vector<16xf32>,
      %swap3A_295 = arith.index_cast %add3A_226 : i32 to index
      %swap3A_296 = arith.constant 112 : index
      %swap3A_297 = tpu.vector_load %arg19[%swap3A_295, %swap3A_296] {strides = array<i32>} : memref<128x128xf32, #tpu.memory_space<vmem>>, vector<16xf32>,
      tpu.vector_store %arg19[%swap3A_295, %swap3A_296], %parallel_loop3A_273#7 {strides = array<i32>} : memref<128x128xf32, #tpu.memory_space<vmem>>, vector<16xf32>,
      %mul3A_298 = arith.constant 4 : i32
      %mul3A_299 = arith.muli %mul3A_298, %scan3A_77 : i32
      %add3A_300 = arith.constant 3 : i32
      %add3A_301 = arith.addi %mul3A_299, %add3A_300 : i32
      %dma_wait3A_302 = arith.constant 0 : i32
      %dma_wait3A_303 = tpu.memref_slice %arg12[%add3A_301, %dma_wait3A_302] : memref<128x50xi32, #tpu.memory_space<vmem>> -> memref<1x50xi32, #tpu.memory_space<vmem>>
      %dma_wait3A_304 = tpu.memref_squeeze %dma_wait3A_303 : memref<1x50xi32, #tpu.memory_space<vmem>> -> memref<50xi32, #tpu.memory_space<vmem>>
      %dma_wait3A_305 = arith.constant 0 : i32
      %dma_wait3A_306 = arith.constant 0 : i32
      %dma_wait3A_307 = tpu.memref_slice %arg6[%dma_wait3A_305, %dma_wait3A_306] : memref<100000x128xf32, #tpu.memory_space<hbm>> -> memref<100000x128xf32, #tpu.memory_space<hbm>>
      tpu.wait_indirect_dma semaphore(%arg27 : memref<!tpu.dma_semaphore, #tpu.memory_space<semaphore_mem>>) src(%dma_wait3A_307 : memref<100000x128xf32, #tpu.memory_space<hbm>>) dst(%arg18 : memref<50x128xf32, #tpu.memory_space<vmem>>)
      %add3A_308 = arith.constant 4 : i32
      %add3A_309 = arith.addi %add3A_301, %add3A_308 : i32
      %lt3A_310 = arith.constant 128 : i32
      %lt3A_311 = arith.cmpi slt, %add3A_309, %lt3A_310 : i32
      %convert_element_type3A_312 = arith.extui %lt3A_311 : i1 to i32
      %cond3A_313 = arith.constant 0 : i32
      %cond3A_314 = arith.cmpi ne, %convert_element_type3A_312, %cond3A_313 : i32
      scf.if %cond3A_314 {
        %add3A_373 = arith.constant 4 : i32
        %add3A_374 = arith.addi %add3A_301, %add3A_373 : i32
        %dma_start3A_375 = arith.constant 0 : i32
        %dma_start3A_376 = tpu.memref_slice %arg12[%add3A_374, %dma_start3A_375] : memref<128x50xi32, #tpu.memory_space<vmem>> -> memref<1x50xi32, #tpu.memory_space<vmem>>
        %dma_start3A_377 = tpu.memref_squeeze %dma_start3A_376 : memref<1x50xi32, #tpu.memory_space<vmem>> -> memref<50xi32, #tpu.memory_space<vmem>>
        %dma_start3A_378 = arith.constant 0 : i32
        %dma_start3A_379 = arith.constant 0 : i32
        %dma_start3A_380 = tpu.memref_slice %arg6[%dma_start3A_378, %dma_start3A_379] : memref<100000x128xf32, #tpu.memory_space<hbm>> -> memref<100000x128xf32, #tpu.memory_space<hbm>>
        tpu.enqueue_indirect_dma source(%dma_start3A_380 : memref<100000x128xf32, #tpu.memory_space<hbm>>) target(%arg18 : memref<50x128xf32, #tpu.memory_space<vmem>>) offsets(%dma_start3A_377 : memref<50xi32, #tpu.memory_space<vmem>>) semaphore(%arg27 : memref<!tpu.dma_semaphore, #tpu.memory_space<semaphore_mem>>)
      } else {
      }
      %get3A_315 = arith.index_cast %add3A_301 : i32 to index
      %get3A_316 = arith.constant 0 : index
      %get3A_317 = tpu.vector_load %arg14[%get3A_315, %get3A_316] {strides = array<i32>} : memref<128x128xf32, #tpu.memory_space<vmem>>, vector<16xf32>,
      %get3A_318 = arith.index_cast %add3A_301 : i32 to index
      %get3A_319 = arith.constant 16 : index
      %get3A_320 = tpu.vector_load %arg14[%get3A_318, %get3A_319] {strides = array<i32>} : memref<128x128xf32, #tpu.memory_space<vmem>>, vector<16xf32>,
      %get3A_321 = arith.index_cast %add3A_301 : i32 to index
      %get3A_322 = arith.constant 32 : index
      %get3A_323 = tpu.vector_load %arg14[%get3A_321, %get3A_322] {strides = array<i32>} : memref<128x128xf32, #tpu.memory_space<vmem>>, vector<16xf32>,
      %get3A_324 = arith.index_cast %add3A_301 : i32 to index
      %get3A_325 = arith.constant 48 : index
      %get3A_326 = tpu.vector_load %arg14[%get3A_324, %get3A_325] {strides = array<i32>} : memref<128x128xf32, #tpu.memory_space<vmem>>, vector<16xf32>,
      %get3A_327 = arith.index_cast %add3A_301 : i32 to index
      %get3A_328 = arith.constant 64 : index
      %get3A_329 = tpu.vector_load %arg14[%get3A_327, %get3A_328] {strides = array<i32>} : memref<128x128xf32, #tpu.memory_space<vmem>>, vector<16xf32>,
      %get3A_330 = arith.index_cast %add3A_301 : i32 to index
      %get3A_331 = arith.constant 80 : index
      %get3A_332 = tpu.vector_load %arg14[%get3A_330, %get3A_331] {strides = array<i32>} : memref<128x128xf32, #tpu.memory_space<vmem>>, vector<16xf32>,
      %get3A_333 = arith.index_cast %add3A_301 : i32 to index
      %get3A_334 = arith.constant 96 : index
      %get3A_335 = tpu.vector_load %arg14[%get3A_333, %get3A_334] {strides = array<i32>} : memref<128x128xf32, #tpu.memory_space<vmem>>, vector<16xf32>,
      %get3A_336 = arith.index_cast %add3A_301 : i32 to index
      %get3A_337 = arith.constant 112 : index
      %get3A_338 = tpu.vector_load %arg14[%get3A_336, %get3A_337] {strides = array<i32>} : memref<128x128xf32, #tpu.memory_space<vmem>>, vector<16xf32>,
      %parallel_loop3A_339 = arith.constant 0 : i32
      %parallel_loop3A_340 = arith.constant 50 : i32
      %parallel_loop3A_341 = arith.constant 1 : i32
      scf.for %parallel_loop3A_373 = %parallel_loop3A_339 to %parallel_loop3A_340 step %parallel_loop3A_341  : i32 {
        %parallel_loop3A_374 = arith.index_cast %parallel_loop3A_373 : i32 to index
        %parallel_loop3A_375 = arith.constant 0 : index
        %parallel_loop3A_376 = tpu.vector_load %arg18[%parallel_loop3A_374, %parallel_loop3A_375] {strides = array<i32>} : memref<50x128xf32, #tpu.memory_space<vmem>>, vector<16xf32>,
        %parallel_loop3A_377 = arith.index_cast %parallel_loop3A_373 : i32 to index
        %parallel_loop3A_378 = arith.constant 16 : index
        %parallel_loop3A_379 = tpu.vector_load %arg18[%parallel_loop3A_377, %parallel_loop3A_378] {strides = array<i32>} : memref<50x128xf32, #tpu.memory_space<vmem>>, vector<16xf32>,
        %parallel_loop3A_380 = arith.index_cast %parallel_loop3A_373 : i32 to index
        %parallel_loop3A_381 = arith.constant 32 : index
        %parallel_loop3A_382 = tpu.vector_load %arg18[%parallel_loop3A_380, %parallel_loop3A_381] {strides = array<i32>} : memref<50x128xf32, #tpu.memory_space<vmem>>, vector<16xf32>,
        %parallel_loop3A_383 = arith.index_cast %parallel_loop3A_373 : i32 to index
        %parallel_loop3A_384 = arith.constant 48 : index
        %parallel_loop3A_385 = tpu.vector_load %arg18[%parallel_loop3A_383, %parallel_loop3A_384] {strides = array<i32>} : memref<50x128xf32, #tpu.memory_space<vmem>>, vector<16xf32>,
        %parallel_loop3A_386 = arith.index_cast %parallel_loop3A_373 : i32 to index
        %parallel_loop3A_387 = arith.constant 64 : index
        %parallel_loop3A_388 = tpu.vector_load %arg18[%parallel_loop3A_386, %parallel_loop3A_387] {strides = array<i32>} : memref<50x128xf32, #tpu.memory_space<vmem>>, vector<16xf32>,
        %parallel_loop3A_389 = arith.index_cast %parallel_loop3A_373 : i32 to index
        %parallel_loop3A_390 = arith.constant 80 : index
        %parallel_loop3A_391 = tpu.vector_load %arg18[%parallel_loop3A_389, %parallel_loop3A_390] {strides = array<i32>} : memref<50x128xf32, #tpu.memory_space<vmem>>, vector<16xf32>,
        %parallel_loop3A_392 = arith.index_cast %parallel_loop3A_373 : i32 to index
        %parallel_loop3A_393 = arith.constant 96 : index
        %parallel_loop3A_394 = tpu.vector_load %arg18[%parallel_loop3A_392, %parallel_loop3A_393] {strides = array<i32>} : memref<50x128xf32, #tpu.memory_space<vmem>>, vector<16xf32>,
        %parallel_loop3A_395 = arith.index_cast %parallel_loop3A_373 : i32 to index
        %parallel_loop3A_396 = arith.constant 112 : index
        %parallel_loop3A_397 = tpu.vector_load %arg18[%parallel_loop3A_395, %parallel_loop3A_396] {strides = array<i32>} : memref<50x128xf32, #tpu.memory_space<vmem>>, vector<16xf32>,
        %parallel_loop3A_398 = arith.mulf %parallel_loop3A_376, %get3A_317 : vector<16xf32>
        %parallel_loop3A_399 = arith.mulf %parallel_loop3A_379, %get3A_320 : vector<16xf32>
        %parallel_loop3A_400 = arith.mulf %parallel_loop3A_382, %get3A_323 : vector<16xf32>
        %parallel_loop3A_401 = arith.mulf %parallel_loop3A_385, %get3A_326 : vector<16xf32>
        %parallel_loop3A_402 = arith.mulf %parallel_loop3A_388, %get3A_329 : vector<16xf32>
        %parallel_loop3A_403 = arith.mulf %parallel_loop3A_391, %get3A_332 : vector<16xf32>
        %parallel_loop3A_404 = arith.mulf %parallel_loop3A_394, %get3A_335 : vector<16xf32>
        %parallel_loop3A_405 = arith.mulf %parallel_loop3A_397, %get3A_338 : vector<16xf32>
        %parallel_loop3A_406 = arith.addf %parallel_loop3A_398, %parallel_loop3A_399 : vector<16xf32>
        %parallel_loop3A_407 = arith.addf %parallel_loop3A_400, %parallel_loop3A_401 : vector<16xf32>
        %parallel_loop3A_408 = arith.addf %parallel_loop3A_402, %parallel_loop3A_403 : vector<16xf32>
        %parallel_loop3A_409 = arith.addf %parallel_loop3A_404, %parallel_loop3A_405 : vector<16xf32>
        %parallel_loop3A_410 = arith.addf %parallel_loop3A_406, %parallel_loop3A_407 : vector<16xf32>
        %parallel_loop3A_411 = arith.addf %parallel_loop3A_408, %parallel_loop3A_409 : vector<16xf32>
        %parallel_loop3A_412 = arith.addf %parallel_loop3A_410, %parallel_loop3A_411 : vector<16xf32>
        %parallel_loop3A_413 = arith.constant 17 : i32
        %parallel_loop3A_414 = arith.muli %parallel_loop3A_373, %parallel_loop3A_413 : i32
        %parallel_loop3A_415 = arith.index_cast %parallel_loop3A_414 : i32 to index
        %parallel_loop3A_416 = tpu.vector_load %arg20[%parallel_loop3A_415] {strides = array<i32>} : memref<1088xf32, #tpu.memory_space<vmem>>, vector<16xf32>,
        tpu.vector_store %arg20[%parallel_loop3A_415], %parallel_loop3A_412 {strides = array<i32>} : memref<1088xf32, #tpu.memory_space<vmem>>, vector<16xf32>,
      } {sc.loop_unroll_factor = 5 : i64, sc.parallel_access}
      %parallel_loop3A_342 = arith.constant 0 : i32
      %parallel_loop3A_343 = arith.constant 4 : i32
      %parallel_loop3A_344 = arith.constant 1 : i32
      scf.for %parallel_loop3A_373 = %parallel_loop3A_342 to %parallel_loop3A_343 step %parallel_loop3A_344  : i32 {
        %parallel_loop3A_374 = arith.constant 272 : i32
        %parallel_loop3A_375 = arith.muli %parallel_loop3A_373, %parallel_loop3A_374 : i32
        %parallel_loop3A_376 = arith.constant 0 : i32
        %parallel_loop3A_377 = arith.addi %parallel_loop3A_375, %parallel_loop3A_376 : i32
        %parallel_loop3A_378 = vector.broadcast %parallel_loop3A_377 : i32 to vector<16xi32>
        %parallel_loop3A_379 = arith.addi %mul3A_40, %parallel_loop3A_378 : vector<16xi32>
        %parallel_loop3A_380 = tpu.vector_load_idx %arg20[%parallel_loop3A_379] : memref<1088xf32, #tpu.memory_space<vmem>>[vector<16xi32>], vector<16xf32>,
        %parallel_loop3A_381 = arith.constant 1 : i32
        %parallel_loop3A_382 = arith.addi %parallel_loop3A_375, %parallel_loop3A_381 : i32
        %parallel_loop3A_383 = vector.broadcast %parallel_loop3A_382 : i32 to vector<16xi32>
        %parallel_loop3A_384 = arith.addi %mul3A_40, %parallel_loop3A_383 : vector<16xi32>
        %parallel_loop3A_385 = tpu.vector_load_idx %arg20[%parallel_loop3A_384] : memref<1088xf32, #tpu.memory_space<vmem>>[vector<16xi32>], vector<16xf32>,
        %parallel_loop3A_386 = arith.constant 2 : i32
        %parallel_loop3A_387 = arith.addi %parallel_loop3A_375, %parallel_loop3A_386 : i32
        %parallel_loop3A_388 = vector.broadcast %parallel_loop3A_387 : i32 to vector<16xi32>
        %parallel_loop3A_389 = arith.addi %mul3A_40, %parallel_loop3A_388 : vector<16xi32>
        %parallel_loop3A_390 = tpu.vector_load_idx %arg20[%parallel_loop3A_389] : memref<1088xf32, #tpu.memory_space<vmem>>[vector<16xi32>], vector<16xf32>,
        %parallel_loop3A_391 = arith.constant 3 : i32
        %parallel_loop3A_392 = arith.addi %parallel_loop3A_375, %parallel_loop3A_391 : i32
        %parallel_loop3A_393 = vector.broadcast %parallel_loop3A_392 : i32 to vector<16xi32>
        %parallel_loop3A_394 = arith.addi %mul3A_40, %parallel_loop3A_393 : vector<16xi32>
        %parallel_loop3A_395 = tpu.vector_load_idx %arg20[%parallel_loop3A_394] : memref<1088xf32, #tpu.memory_space<vmem>>[vector<16xi32>], vector<16xf32>,
        %parallel_loop3A_396 = arith.constant 4 : i32
        %parallel_loop3A_397 = arith.addi %parallel_loop3A_375, %parallel_loop3A_396 : i32
        %parallel_loop3A_398 = vector.broadcast %parallel_loop3A_397 : i32 to vector<16xi32>
        %parallel_loop3A_399 = arith.addi %mul3A_40, %parallel_loop3A_398 : vector<16xi32>
        %parallel_loop3A_400 = tpu.vector_load_idx %arg20[%parallel_loop3A_399] : memref<1088xf32, #tpu.memory_space<vmem>>[vector<16xi32>], vector<16xf32>,
        %parallel_loop3A_401 = arith.constant 5 : i32
        %parallel_loop3A_402 = arith.addi %parallel_loop3A_375, %parallel_loop3A_401 : i32
        %parallel_loop3A_403 = vector.broadcast %parallel_loop3A_402 : i32 to vector<16xi32>
        %parallel_loop3A_404 = arith.addi %mul3A_40, %parallel_loop3A_403 : vector<16xi32>
        %parallel_loop3A_405 = tpu.vector_load_idx %arg20[%parallel_loop3A_404] : memref<1088xf32, #tpu.memory_space<vmem>>[vector<16xi32>], vector<16xf32>,
        %parallel_loop3A_406 = arith.constant 6 : i32
        %parallel_loop3A_407 = arith.addi %parallel_loop3A_375, %parallel_loop3A_406 : i32
        %parallel_loop3A_408 = vector.broadcast %parallel_loop3A_407 : i32 to vector<16xi32>
        %parallel_loop3A_409 = arith.addi %mul3A_40, %parallel_loop3A_408 : vector<16xi32>
        %parallel_loop3A_410 = tpu.vector_load_idx %arg20[%parallel_loop3A_409] : memref<1088xf32, #tpu.memory_space<vmem>>[vector<16xi32>], vector<16xf32>,
        %parallel_loop3A_411 = arith.constant 7 : i32
        %parallel_loop3A_412 = arith.addi %parallel_loop3A_375, %parallel_loop3A_411 : i32
        %parallel_loop3A_413 = vector.broadcast %parallel_loop3A_412 : i32 to vector<16xi32>
        %parallel_loop3A_414 = arith.addi %mul3A_40, %parallel_loop3A_413 : vector<16xi32>
        %parallel_loop3A_415 = tpu.vector_load_idx %arg20[%parallel_loop3A_414] : memref<1088xf32, #tpu.memory_space<vmem>>[vector<16xi32>], vector<16xf32>,
        %parallel_loop3A_416 = arith.constant 8 : i32
        %parallel_loop3A_417 = arith.addi %parallel_loop3A_375, %parallel_loop3A_416 : i32
        %parallel_loop3A_418 = vector.broadcast %parallel_loop3A_417 : i32 to vector<16xi32>
        %parallel_loop3A_419 = arith.addi %mul3A_40, %parallel_loop3A_418 : vector<16xi32>
        %parallel_loop3A_420 = tpu.vector_load_idx %arg20[%parallel_loop3A_419] : memref<1088xf32, #tpu.memory_space<vmem>>[vector<16xi32>], vector<16xf32>,
        %parallel_loop3A_421 = arith.constant 9 : i32
        %parallel_loop3A_422 = arith.addi %parallel_loop3A_375, %parallel_loop3A_421 : i32
        %parallel_loop3A_423 = vector.broadcast %parallel_loop3A_422 : i32 to vector<16xi32>
        %parallel_loop3A_424 = arith.addi %mul3A_40, %parallel_loop3A_423 : vector<16xi32>
        %parallel_loop3A_425 = tpu.vector_load_idx %arg20[%parallel_loop3A_424] : memref<1088xf32, #tpu.memory_space<vmem>>[vector<16xi32>], vector<16xf32>,
        %parallel_loop3A_426 = arith.constant 10 : i32
        %parallel_loop3A_427 = arith.addi %parallel_loop3A_375, %parallel_loop3A_426 : i32
        %parallel_loop3A_428 = vector.broadcast %parallel_loop3A_427 : i32 to vector<16xi32>
        %parallel_loop3A_429 = arith.addi %mul3A_40, %parallel_loop3A_428 : vector<16xi32>
        %parallel_loop3A_430 = tpu.vector_load_idx %arg20[%parallel_loop3A_429] : memref<1088xf32, #tpu.memory_space<vmem>>[vector<16xi32>], vector<16xf32>,
        %parallel_loop3A_431 = arith.constant 11 : i32
        %parallel_loop3A_432 = arith.addi %parallel_loop3A_375, %parallel_loop3A_431 : i32
        %parallel_loop3A_433 = vector.broadcast %parallel_loop3A_432 : i32 to vector<16xi32>
        %parallel_loop3A_434 = arith.addi %mul3A_40, %parallel_loop3A_433 : vector<16xi32>
        %parallel_loop3A_435 = tpu.vector_load_idx %arg20[%parallel_loop3A_434] : memref<1088xf32, #tpu.memory_space<vmem>>[vector<16xi32>], vector<16xf32>,
        %parallel_loop3A_436 = arith.constant 12 : i32
        %parallel_loop3A_437 = arith.addi %parallel_loop3A_375, %parallel_loop3A_436 : i32
        %parallel_loop3A_438 = vector.broadcast %parallel_loop3A_437 : i32 to vector<16xi32>
        %parallel_loop3A_439 = arith.addi %mul3A_40, %parallel_loop3A_438 : vector<16xi32>
        %parallel_loop3A_440 = tpu.vector_load_idx %arg20[%parallel_loop3A_439] : memref<1088xf32, #tpu.memory_space<vmem>>[vector<16xi32>], vector<16xf32>,
        %parallel_loop3A_441 = arith.constant 13 : i32
        %parallel_loop3A_442 = arith.addi %parallel_loop3A_375, %parallel_loop3A_441 : i32
        %parallel_loop3A_443 = vector.broadcast %parallel_loop3A_442 : i32 to vector<16xi32>
        %parallel_loop3A_444 = arith.addi %mul3A_40, %parallel_loop3A_443 : vector<16xi32>
        %parallel_loop3A_445 = tpu.vector_load_idx %arg20[%parallel_loop3A_444] : memref<1088xf32, #tpu.memory_space<vmem>>[vector<16xi32>], vector<16xf32>,
        %parallel_loop3A_446 = arith.constant 14 : i32
        %parallel_loop3A_447 = arith.addi %parallel_loop3A_375, %parallel_loop3A_446 : i32
        %parallel_loop3A_448 = vector.broadcast %parallel_loop3A_447 : i32 to vector<16xi32>
        %parallel_loop3A_449 = arith.addi %mul3A_40, %parallel_loop3A_448 : vector<16xi32>
        %parallel_loop3A_450 = tpu.vector_load_idx %arg20[%parallel_loop3A_449] : memref<1088xf32, #tpu.memory_space<vmem>>[vector<16xi32>], vector<16xf32>,
        %parallel_loop3A_451 = arith.constant 15 : i32
        %parallel_loop3A_452 = arith.addi %parallel_loop3A_375, %parallel_loop3A_451 : i32
        %parallel_loop3A_453 = vector.broadcast %parallel_loop3A_452 : i32 to vector<16xi32>
        %parallel_loop3A_454 = arith.addi %mul3A_40, %parallel_loop3A_453 : vector<16xi32>
        %parallel_loop3A_455 = tpu.vector_load_idx %arg20[%parallel_loop3A_454] : memref<1088xf32, #tpu.memory_space<vmem>>[vector<16xi32>], vector<16xf32>,
        %parallel_loop3A_456 = arith.addf %parallel_loop3A_380, %parallel_loop3A_385 : vector<16xf32>
        %parallel_loop3A_457 = arith.addf %parallel_loop3A_390, %parallel_loop3A_395 : vector<16xf32>
        %parallel_loop3A_458 = arith.addf %parallel_loop3A_400, %parallel_loop3A_405 : vector<16xf32>
        %parallel_loop3A_459 = arith.addf %parallel_loop3A_410, %parallel_loop3A_415 : vector<16xf32>
        %parallel_loop3A_460 = arith.addf %parallel_loop3A_420, %parallel_loop3A_425 : vector<16xf32>
        %parallel_loop3A_461 = arith.addf %parallel_loop3A_430, %parallel_loop3A_435 : vector<16xf32>
        %parallel_loop3A_462 = arith.addf %parallel_loop3A_440, %parallel_loop3A_445 : vector<16xf32>
        %parallel_loop3A_463 = arith.addf %parallel_loop3A_450, %parallel_loop3A_455 : vector<16xf32>
        %parallel_loop3A_464 = arith.addf %parallel_loop3A_456, %parallel_loop3A_457 : vector<16xf32>
        %parallel_loop3A_465 = arith.addf %parallel_loop3A_458, %parallel_loop3A_459 : vector<16xf32>
        %parallel_loop3A_466 = arith.addf %parallel_loop3A_460, %parallel_loop3A_461 : vector<16xf32>
        %parallel_loop3A_467 = arith.addf %parallel_loop3A_462, %parallel_loop3A_463 : vector<16xf32>
        %parallel_loop3A_468 = arith.addf %parallel_loop3A_464, %parallel_loop3A_465 : vector<16xf32>
        %parallel_loop3A_469 = arith.addf %parallel_loop3A_466, %parallel_loop3A_467 : vector<16xf32>
        %parallel_loop3A_470 = arith.addf %parallel_loop3A_468, %parallel_loop3A_469 : vector<16xf32>
        %parallel_loop3A_471 = arith.constant 16 : i32
        %parallel_loop3A_472 = arith.muli %parallel_loop3A_373, %parallel_loop3A_471 : i32
        %parallel_loop3A_473 = arith.index_cast %parallel_loop3A_472 : i32 to index
        %parallel_loop3A_474 = tpu.vector_load %arg21[%parallel_loop3A_473] {strides = array<i32>} : memref<80xf32, #tpu.memory_space<vmem>>, vector<16xf32>,
        tpu.vector_store %arg21[%parallel_loop3A_473], %parallel_loop3A_470 {strides = array<i32>} : memref<80xf32, #tpu.memory_space<vmem>>, vector<16xf32>,
      } {sc.loop_unroll_factor = 1 : i64, sc.parallel_access}
      %parallel_loop3A_345 = arith.constant 0 : i32
      %parallel_loop3A_346 = arith.constant 50 : i32
      %parallel_loop3A_347 = arith.constant 1 : i32
      %parallel_loop3A_348:8 = scf.for %parallel_loop3A_373 = %parallel_loop3A_345 to %parallel_loop3A_346 step %parallel_loop3A_347 iter_args(%parallel_loop3A_374 = %broadcast_in_dim3A_41, %parallel_loop3A_375 = %broadcast_in_dim3A_41, %parallel_loop3A_376 = %broadcast_in_dim3A_41, %parallel_loop3A_377 = %broadcast_in_dim3A_41, %parallel_loop3A_378 = %broadcast_in_dim3A_41, %parallel_loop3A_379 = %broadcast_in_dim3A_41, %parallel_loop3A_380 = %broadcast_in_dim3A_41, %parallel_loop3A_381 = %broadcast_in_dim3A_41) -> (vector<16xf32>, vector<16xf32>, vector<16xf32>, vector<16xf32>, vector<16xf32>, vector<16xf32>, vector<16xf32>, vector<16xf32>)  : i32 {
        %parallel_loop3A_382 = arith.index_cast %parallel_loop3A_373 : i32 to index
        %parallel_loop3A_383 = tpu.vector_load %arg21[%parallel_loop3A_382] {strides = array<i32>} : memref<80xf32, #tpu.memory_space<vmem>>, vector<16xf32>,
        %parallel_loop3A_384 = vector.extract_strided_slice %parallel_loop3A_383 {offsets = [0], sizes = [1], strides = [1]} : vector<16xf32> to vector<1xf32>
        %parallel_loop3A_385 = vector.extract %parallel_loop3A_384[0] : f32 from vector<1xf32>
        %parallel_loop3A_386 = arith.index_cast %parallel_loop3A_373 : i32 to index
        %parallel_loop3A_387 = arith.constant 0 : index
        %parallel_loop3A_388 = tpu.vector_load %arg18[%parallel_loop3A_386, %parallel_loop3A_387] {strides = array<i32>} : memref<50x128xf32, #tpu.memory_space<vmem>>, vector<16xf32>,
        %parallel_loop3A_389 = arith.index_cast %parallel_loop3A_373 : i32 to index
        %parallel_loop3A_390 = arith.constant 16 : index
        %parallel_loop3A_391 = tpu.vector_load %arg18[%parallel_loop3A_389, %parallel_loop3A_390] {strides = array<i32>} : memref<50x128xf32, #tpu.memory_space<vmem>>, vector<16xf32>,
        %parallel_loop3A_392 = arith.index_cast %parallel_loop3A_373 : i32 to index
        %parallel_loop3A_393 = arith.constant 32 : index
        %parallel_loop3A_394 = tpu.vector_load %arg18[%parallel_loop3A_392, %parallel_loop3A_393] {strides = array<i32>} : memref<50x128xf32, #tpu.memory_space<vmem>>, vector<16xf32>,
        %parallel_loop3A_395 = arith.index_cast %parallel_loop3A_373 : i32 to index
        %parallel_loop3A_396 = arith.constant 48 : index
        %parallel_loop3A_397 = tpu.vector_load %arg18[%parallel_loop3A_395, %parallel_loop3A_396] {strides = array<i32>} : memref<50x128xf32, #tpu.memory_space<vmem>>, vector<16xf32>,
        %parallel_loop3A_398 = arith.index_cast %parallel_loop3A_373 : i32 to index
        %parallel_loop3A_399 = arith.constant 64 : index
        %parallel_loop3A_400 = tpu.vector_load %arg18[%parallel_loop3A_398, %parallel_loop3A_399] {strides = array<i32>} : memref<50x128xf32, #tpu.memory_space<vmem>>, vector<16xf32>,
        %parallel_loop3A_401 = arith.index_cast %parallel_loop3A_373 : i32 to index
        %parallel_loop3A_402 = arith.constant 80 : index
        %parallel_loop3A_403 = tpu.vector_load %arg18[%parallel_loop3A_401, %parallel_loop3A_402] {strides = array<i32>} : memref<50x128xf32, #tpu.memory_space<vmem>>, vector<16xf32>,
        %parallel_loop3A_404 = arith.index_cast %parallel_loop3A_373 : i32 to index
        %parallel_loop3A_405 = arith.constant 96 : index
        %parallel_loop3A_406 = tpu.vector_load %arg18[%parallel_loop3A_404, %parallel_loop3A_405] {strides = array<i32>} : memref<50x128xf32, #tpu.memory_space<vmem>>, vector<16xf32>,
        %parallel_loop3A_407 = arith.index_cast %parallel_loop3A_373 : i32 to index
        %parallel_loop3A_408 = arith.constant 112 : index
        %parallel_loop3A_409 = tpu.vector_load %arg18[%parallel_loop3A_407, %parallel_loop3A_408] {strides = array<i32>} : memref<50x128xf32, #tpu.memory_space<vmem>>, vector<16xf32>,
        %parallel_loop3A_410 = vector.broadcast %parallel_loop3A_385 : f32 to vector<16xf32>
        %parallel_loop3A_411 = arith.mulf %parallel_loop3A_410, %parallel_loop3A_388 : vector<16xf32>
        %parallel_loop3A_412 = arith.addf %parallel_loop3A_374, %parallel_loop3A_411 : vector<16xf32>
        %parallel_loop3A_413 = vector.broadcast %parallel_loop3A_385 : f32 to vector<16xf32>
        %parallel_loop3A_414 = arith.mulf %parallel_loop3A_413, %parallel_loop3A_391 : vector<16xf32>
        %parallel_loop3A_415 = arith.addf %parallel_loop3A_375, %parallel_loop3A_414 : vector<16xf32>
        %parallel_loop3A_416 = vector.broadcast %parallel_loop3A_385 : f32 to vector<16xf32>
        %parallel_loop3A_417 = arith.mulf %parallel_loop3A_416, %parallel_loop3A_394 : vector<16xf32>
        %parallel_loop3A_418 = arith.addf %parallel_loop3A_376, %parallel_loop3A_417 : vector<16xf32>
        %parallel_loop3A_419 = vector.broadcast %parallel_loop3A_385 : f32 to vector<16xf32>
        %parallel_loop3A_420 = arith.mulf %parallel_loop3A_419, %parallel_loop3A_397 : vector<16xf32>
        %parallel_loop3A_421 = arith.addf %parallel_loop3A_377, %parallel_loop3A_420 : vector<16xf32>
        %parallel_loop3A_422 = vector.broadcast %parallel_loop3A_385 : f32 to vector<16xf32>
        %parallel_loop3A_423 = arith.mulf %parallel_loop3A_422, %parallel_loop3A_400 : vector<16xf32>
        %parallel_loop3A_424 = arith.addf %parallel_loop3A_378, %parallel_loop3A_423 : vector<16xf32>
        %parallel_loop3A_425 = vector.broadcast %parallel_loop3A_385 : f32 to vector<16xf32>
        %parallel_loop3A_426 = arith.mulf %parallel_loop3A_425, %parallel_loop3A_403 : vector<16xf32>
        %parallel_loop3A_427 = arith.addf %parallel_loop3A_379, %parallel_loop3A_426 : vector<16xf32>
        %parallel_loop3A_428 = vector.broadcast %parallel_loop3A_385 : f32 to vector<16xf32>
        %parallel_loop3A_429 = arith.mulf %parallel_loop3A_428, %parallel_loop3A_406 : vector<16xf32>
        %parallel_loop3A_430 = arith.addf %parallel_loop3A_380, %parallel_loop3A_429 : vector<16xf32>
        %parallel_loop3A_431 = vector.broadcast %parallel_loop3A_385 : f32 to vector<16xf32>
        %parallel_loop3A_432 = arith.mulf %parallel_loop3A_431, %parallel_loop3A_409 : vector<16xf32>
        %parallel_loop3A_433 = arith.addf %parallel_loop3A_381, %parallel_loop3A_432 : vector<16xf32>
        scf.yield %parallel_loop3A_412, %parallel_loop3A_415, %parallel_loop3A_418, %parallel_loop3A_421, %parallel_loop3A_424, %parallel_loop3A_427, %parallel_loop3A_430, %parallel_loop3A_433 : vector<16xf32>, vector<16xf32>, vector<16xf32>, vector<16xf32>, vector<16xf32>, vector<16xf32>, vector<16xf32>, vector<16xf32>
      } {sc.loop_unroll_factor = 5 : i64, sc.parallel_access}
      %swap3A_349 = arith.index_cast %add3A_301 : i32 to index
      %swap3A_350 = arith.constant 0 : index
      %swap3A_351 = tpu.vector_load %arg19[%swap3A_349, %swap3A_350] {strides = array<i32>} : memref<128x128xf32, #tpu.memory_space<vmem>>, vector<16xf32>,
      tpu.vector_store %arg19[%swap3A_349, %swap3A_350], %parallel_loop3A_348#0 {strides = array<i32>} : memref<128x128xf32, #tpu.memory_space<vmem>>, vector<16xf32>,
      %swap3A_352 = arith.index_cast %add3A_301 : i32 to index
      %swap3A_353 = arith.constant 16 : index
      %swap3A_354 = tpu.vector_load %arg19[%swap3A_352, %swap3A_353] {strides = array<i32>} : memref<128x128xf32, #tpu.memory_space<vmem>>, vector<16xf32>,
      tpu.vector_store %arg19[%swap3A_352, %swap3A_353], %parallel_loop3A_348#1 {strides = array<i32>} : memref<128x128xf32, #tpu.memory_space<vmem>>, vector<16xf32>,
      %swap3A_355 = arith.index_cast %add3A_301 : i32 to index
      %swap3A_356 = arith.constant 32 : index
      %swap3A_357 = tpu.vector_load %arg19[%swap3A_355, %swap3A_356] {strides = array<i32>} : memref<128x128xf32, #tpu.memory_space<vmem>>, vector<16xf32>,
      tpu.vector_store %arg19[%swap3A_355, %swap3A_356], %parallel_loop3A_348#2 {strides = array<i32>} : memref<128x128xf32, #tpu.memory_space<vmem>>, vector<16xf32>,
      %swap3A_358 = arith.index_cast %add3A_301 : i32 to index
      %swap3A_359 = arith.constant 48 : index
      %swap3A_360 = tpu.vector_load %arg19[%swap3A_358, %swap3A_359] {strides = array<i32>} : memref<128x128xf32, #tpu.memory_space<vmem>>, vector<16xf32>,
      tpu.vector_store %arg19[%swap3A_358, %swap3A_359], %parallel_loop3A_348#3 {strides = array<i32>} : memref<128x128xf32, #tpu.memory_space<vmem>>, vector<16xf32>,
      %swap3A_361 = arith.index_cast %add3A_301 : i32 to index
      %swap3A_362 = arith.constant 64 : index
      %swap3A_363 = tpu.vector_load %arg19[%swap3A_361, %swap3A_362] {strides = array<i32>} : memref<128x128xf32, #tpu.memory_space<vmem>>, vector<16xf32>,
      tpu.vector_store %arg19[%swap3A_361, %swap3A_362], %parallel_loop3A_348#4 {strides = array<i32>} : memref<128x128xf32, #tpu.memory_space<vmem>>, vector<16xf32>,
      %swap3A_364 = arith.index_cast %add3A_301 : i32 to index
      %swap3A_365 = arith.constant 80 : index
      %swap3A_366 = tpu.vector_load %arg19[%swap3A_364, %swap3A_365] {strides = array<i32>} : memref<128x128xf32, #tpu.memory_space<vmem>>, vector<16xf32>,
      tpu.vector_store %arg19[%swap3A_364, %swap3A_365], %parallel_loop3A_348#5 {strides = array<i32>} : memref<128x128xf32, #tpu.memory_space<vmem>>, vector<16xf32>,
      %swap3A_367 = arith.index_cast %add3A_301 : i32 to index
      %swap3A_368 = arith.constant 96 : index
      %swap3A_369 = tpu.vector_load %arg19[%swap3A_367, %swap3A_368] {strides = array<i32>} : memref<128x128xf32, #tpu.memory_space<vmem>>, vector<16xf32>,
      tpu.vector_store %arg19[%swap3A_367, %swap3A_368], %parallel_loop3A_348#6 {strides = array<i32>} : memref<128x128xf32, #tpu.memory_space<vmem>>, vector<16xf32>,
      %swap3A_370 = arith.index_cast %add3A_301 : i32 to index
      %swap3A_371 = arith.constant 112 : index
      %swap3A_372 = tpu.vector_load %arg19[%swap3A_370, %swap3A_371] {strides = array<i32>} : memref<128x128xf32, #tpu.memory_space<vmem>>, vector<16xf32>,
      tpu.vector_store %arg19[%swap3A_370, %swap3A_371], %parallel_loop3A_348#7 {strides = array<i32>} : memref<128x128xf32, #tpu.memory_space<vmem>>, vector<16xf32>,
    }
    %scan3A_73 = arith.constant 32 : i32
    %dma_wait3A_74 = arith.constant 0 : i32
    %dma_wait3A_75 = arith.constant 0 : i32
    %dma_wait3A_76 = tpu.memref_slice %arg5[%dma_wait3A_74, %dma_wait3A_75] : memref<100000x128xf32, #tpu.memory_space<hbm>> -> memref<100000x128xf32, #tpu.memory_space<hbm>>
    tpu.wait_indirect_dma semaphore(%arg22 : memref<!tpu.dma_semaphore, #tpu.memory_space<semaphore_mem>>) src(%dma_wait3A_76 : memref<100000x128xf32, #tpu.memory_space<hbm>>) dst(%arg13 : memref<128x128xf32, #tpu.memory_space<vmem>>)
    "tpu.region"() ({
      %run_scoped3A = tpu.sem_alloc : memref<!tpu.dma_semaphore, #tpu.memory_space<semaphore_mem>>
      %dma_start3A_77 = arith.constant 0 : i32
      %dma_start3A_78 = tpu.memref_slice %arg7[%mul3A_2, %dma_start3A_77] : memref<4096x128xf32, #tpu.memory_space<hbm>> -> memref<128x128xf32, #tpu.memory_space<hbm>>
      %dma_start3A_79 = arith.constant 0 : i32
      %dma_start3A_80 = tpu.memref_slice %arg7[%mul3A_2, %dma_start3A_79] : memref<4096x128xf32, #tpu.memory_space<hbm>> -> memref<128x128xf32, #tpu.memory_space<hbm>>
      tpu.enqueue_dma source(%arg13 : memref<128x128xf32, #tpu.memory_space<vmem>>) target(%dma_start3A_80 : memref<128x128xf32, #tpu.memory_space<hbm>>) target_semaphore(%run_scoped3A : memref<!tpu.dma_semaphore, #tpu.memory_space<semaphore_mem>>)
      %dma_wait3A_81 = arith.constant 0 : i32
      %dma_wait3A_82 = tpu.memref_slice %arg7[%mul3A_2, %dma_wait3A_81] : memref<4096x128xf32, #tpu.memory_space<hbm>> -> memref<128x128xf32, #tpu.memory_space<hbm>>
      %dma_wait3A_83 = arith.constant 0 : i32
      %dma_wait3A_84 = tpu.memref_slice %arg7[%mul3A_2, %dma_wait3A_83] : memref<4096x128xf32, #tpu.memory_space<hbm>> -> memref<128x128xf32, #tpu.memory_space<hbm>>
      tpu.wait_dma2 semaphore(%run_scoped3A : memref<!tpu.dma_semaphore, #tpu.memory_space<semaphore_mem>>) src(%arg13 : memref<128x128xf32, #tpu.memory_space<vmem>>) dst(%dma_wait3A_84 : memref<128x128xf32, #tpu.memory_space<hbm>>)
      tpu.yield
    }) : () -> ()
    "tpu.region"() ({
      %run_scoped3A = tpu.sem_alloc : memref<!tpu.dma_semaphore, #tpu.memory_space<semaphore_mem>>
      %dma_start3A_77 = arith.constant 0 : i32
      %dma_start3A_78 = tpu.memref_slice %arg8[%mul3A_2, %dma_start3A_77] : memref<4096x128xf32, #tpu.memory_space<hbm>> -> memref<128x128xf32, #tpu.memory_space<hbm>>
      %dma_start3A_79 = arith.constant 0 : i32
      %dma_start3A_80 = tpu.memref_slice %arg8[%mul3A_2, %dma_start3A_79] : memref<4096x128xf32, #tpu.memory_space<hbm>> -> memref<128x128xf32, #tpu.memory_space<hbm>>
      tpu.enqueue_dma source(%arg14 : memref<128x128xf32, #tpu.memory_space<vmem>>) target(%dma_start3A_80 : memref<128x128xf32, #tpu.memory_space<hbm>>) target_semaphore(%run_scoped3A : memref<!tpu.dma_semaphore, #tpu.memory_space<semaphore_mem>>)
      %dma_wait3A_81 = arith.constant 0 : i32
      %dma_wait3A_82 = tpu.memref_slice %arg8[%mul3A_2, %dma_wait3A_81] : memref<4096x128xf32, #tpu.memory_space<hbm>> -> memref<128x128xf32, #tpu.memory_space<hbm>>
      %dma_wait3A_83 = arith.constant 0 : i32
      %dma_wait3A_84 = tpu.memref_slice %arg8[%mul3A_2, %dma_wait3A_83] : memref<4096x128xf32, #tpu.memory_space<hbm>> -> memref<128x128xf32, #tpu.memory_space<hbm>>
      tpu.wait_dma2 semaphore(%run_scoped3A : memref<!tpu.dma_semaphore, #tpu.memory_space<semaphore_mem>>) src(%arg14 : memref<128x128xf32, #tpu.memory_space<vmem>>) dst(%dma_wait3A_84 : memref<128x128xf32, #tpu.memory_space<hbm>>)
      tpu.yield
    }) : () -> ()
    "tpu.region"() ({
      %run_scoped3A = tpu.sem_alloc : memref<!tpu.dma_semaphore, #tpu.memory_space<semaphore_mem>>
      %dma_start3A_77 = arith.constant 0 : i32
      %dma_start3A_78 = tpu.memref_slice %arg9[%mul3A_2, %dma_start3A_77] : memref<4096x128xf32, #tpu.memory_space<hbm>> -> memref<128x128xf32, #tpu.memory_space<hbm>>
      %dma_start3A_79 = arith.constant 0 : i32
      %dma_start3A_80 = tpu.memref_slice %arg9[%mul3A_2, %dma_start3A_79] : memref<4096x128xf32, #tpu.memory_space<hbm>> -> memref<128x128xf32, #tpu.memory_space<hbm>>
      tpu.enqueue_dma source(%arg19 : memref<128x128xf32, #tpu.memory_space<vmem>>) target(%dma_start3A_80 : memref<128x128xf32, #tpu.memory_space<hbm>>) target_semaphore(%run_scoped3A : memref<!tpu.dma_semaphore, #tpu.memory_space<semaphore_mem>>)
      %dma_wait3A_81 = arith.constant 0 : i32
      %dma_wait3A_82 = tpu.memref_slice %arg9[%mul3A_2, %dma_wait3A_81] : memref<4096x128xf32, #tpu.memory_space<hbm>> -> memref<128x128xf32, #tpu.memory_space<hbm>>
      %dma_wait3A_83 = arith.constant 0 : i32
      %dma_wait3A_84 = tpu.memref_slice %arg9[%mul3A_2, %dma_wait3A_83] : memref<4096x128xf32, #tpu.memory_space<hbm>> -> memref<128x128xf32, #tpu.memory_space<hbm>>
      tpu.wait_dma2 semaphore(%run_scoped3A : memref<!tpu.dma_semaphore, #tpu.memory_space<semaphore_mem>>) src(%arg19 : memref<128x128xf32, #tpu.memory_space<vmem>>) dst(%dma_wait3A_84 : memref<128x128xf32, #tpu.memory_space<hbm>>)
      tpu.yield
    }) : () -> ()
    return
  }
}

module attributes {stable_mosaic.version = 14 : i64} {
  func.func @body(%arg0: i32, %arg1: memref<1024x128xf32, #tpu.memory_space<vmem>>, %arg2: memref<1024x128xf32, #tpu.memory_space<vmem>>, %arg3: memref<1024x128xf32, #tpu.memory_space<vmem>>, %arg4: memref<512x384xf32, #tpu.memory_space<vmem>>, %arg5: memref<1x512xf32, #tpu.memory_space<vmem>>, %arg6: memref<1x512xf32, #tpu.memory_space<vmem>>, %arg7: memref<1x512xf32, #tpu.memory_space<vmem>>, %arg8: memref<1x1xf32, #tpu.memory_space<vmem>>, %arg9: memref<256x512xf32, #tpu.memory_space<vmem>>, %arg10: memref<1x256xf32, #tpu.memory_space<vmem>>, %arg11: memref<1x256xf32, #tpu.memory_space<vmem>>, %arg12: memref<1x256xf32, #tpu.memory_space<vmem>>, %arg13: memref<1x1xf32, #tpu.memory_space<vmem>>, %arg14: memref<1x256xf32, #tpu.memory_space<vmem>>, %arg15: memref<1x1xf32, #tpu.memory_space<vmem>>, %arg16: memref<1024x1xf32, #tpu.memory_space<vmem>>) attributes {dimension_semantics = [#tpu.dimension_semantics<arbitrary>], iteration_bounds = array<i64: 4>, scalar_prefetch = 0 : i64, scratch_operands = 0 : i64, tpu.core_type = #tpu.core_type<tc>, window_params = [{transform_indices = @transform_0, window_bounds = array<i64: 1024, 128>}, {transform_indices = @transform_1, window_bounds = array<i64: 1024, 128>}, {transform_indices = @transform_2, window_bounds = array<i64: 1024, 128>}, {pipeline_mode = #tpu.pipeline_mode<synchronous>, transform_indices = @transform_3, window_bounds = array<i64: 512, 384>}, {pipeline_mode = #tpu.pipeline_mode<synchronous>, transform_indices = @transform_4, window_bounds = array<i64: 1, 512>}, {pipeline_mode = #tpu.pipeline_mode<synchronous>, transform_indices = @transform_5, window_bounds = array<i64: 1, 512>}, {pipeline_mode = #tpu.pipeline_mode<synchronous>, transform_indices = @transform_6, window_bounds = array<i64: 1, 512>}, {pipeline_mode = #tpu.pipeline_mode<synchronous>, transform_indices = @transform_7, window_bounds = array<i64: 1, 1>}, {pipeline_mode = #tpu.pipeline_mode<synchronous>, transform_indices = @transform_8, window_bounds = array<i64: 256, 512>}, {pipeline_mode = #tpu.pipeline_mode<synchronous>, transform_indices = @transform_9, window_bounds = array<i64: 1, 256>}, {pipeline_mode = #tpu.pipeline_mode<synchronous>, transform_indices = @transform_10, window_bounds = array<i64: 1, 256>}, {pipeline_mode = #tpu.pipeline_mode<synchronous>, transform_indices = @transform_11, window_bounds = array<i64: 1, 256>}, {pipeline_mode = #tpu.pipeline_mode<synchronous>, transform_indices = @transform_12, window_bounds = array<i64: 1, 1>}, {pipeline_mode = #tpu.pipeline_mode<synchronous>, transform_indices = @transform_13, window_bounds = array<i64: 1, 256>}, {pipeline_mode = #tpu.pipeline_mode<synchronous>, transform_indices = @transform_14, window_bounds = array<i64: 1, 1>}, {transform_indices = @transform_15, window_bounds = array<i64: 1024, 1>}]} {
    %get3A = arith.constant 0 : index
    %get3A_0 = arith.constant 0 : index
    %get3A_1 = vector.load %arg1[%get3A, %get3A_0] : memref<1024x128xf32, #tpu.memory_space<vmem>>, vector<1024x128xf32>
    %get3A_2 = arith.constant 0 : index
    %get3A_3 = arith.constant 0 : index
    %get3A_4 = vector.load %arg4[%get3A_2, %get3A_3] : memref<512x384xf32, #tpu.memory_space<vmem>>, vector<512x128xf32>
    %dot_general3A = arith.constant dense<0.000000e+00> : vector<1024x512xf32>
    %dot_general3A_5 = tpu.matmul %get3A_1, %get3A_4, %dot_general3A {dimension_numbers = #tpu.dot_dimension_numbers<[1], [1], [0], [0], [0, 0, 1, 0], [], []>, transpose_lhs_hint = false} : vector<1024x128xf32>, vector<512x128xf32>, vector<1024x512xf32> -> vector<1024x512xf32>
    %get3A_6 = arith.constant 0 : index
    %get3A_7 = arith.constant 0 : index
    %get3A_8 = vector.load %arg2[%get3A_6, %get3A_7] : memref<1024x128xf32, #tpu.memory_space<vmem>>, vector<1024x128xf32>
    %get3A_9 = arith.constant 0 : index
    %get3A_10 = arith.constant 128 : index
    %get3A_11 = vector.load %arg4[%get3A_9, %get3A_10] : memref<512x384xf32, #tpu.memory_space<vmem>>, vector<512x128xf32>
    %dot_general3A_12 = arith.constant dense<0.000000e+00> : vector<1024x512xf32>
    %dot_general3A_13 = tpu.matmul %get3A_8, %get3A_11, %dot_general3A_12 {dimension_numbers = #tpu.dot_dimension_numbers<[1], [1], [0], [0], [0, 0, 1, 0], [], []>, transpose_lhs_hint = false} : vector<1024x128xf32>, vector<512x128xf32>, vector<1024x512xf32> -> vector<1024x512xf32>
    %add3A = arith.addf %dot_general3A_5, %dot_general3A_13 : vector<1024x512xf32>
    %get3A_14 = arith.constant 0 : index
    %get3A_15 = arith.constant 0 : index
    %get3A_16 = vector.load %arg3[%get3A_14, %get3A_15] : memref<1024x128xf32, #tpu.memory_space<vmem>>, vector<1024x128xf32>
    %get3A_17 = arith.constant 0 : index
    %get3A_18 = arith.constant 256 : index
    %get3A_19 = vector.load %arg4[%get3A_17, %get3A_18] : memref<512x384xf32, #tpu.memory_space<vmem>>, vector<512x128xf32>
    %dot_general3A_20 = arith.constant dense<0.000000e+00> : vector<1024x512xf32>
    %dot_general3A_21 = tpu.matmul %get3A_16, %get3A_19, %dot_general3A_20 {dimension_numbers = #tpu.dot_dimension_numbers<[1], [1], [0], [0], [0, 0, 1, 0], [], []>, transpose_lhs_hint = false} : vector<1024x128xf32>, vector<512x128xf32>, vector<1024x512xf32> -> vector<1024x512xf32>
    %add3A_22 = arith.addf %add3A, %dot_general3A_21 : vector<1024x512xf32>
    %get3A_23 = arith.constant 0 : index
    %get3A_24 = arith.constant 0 : index
    %get3A_25 = vector.load %arg5[%get3A_23, %get3A_24] : memref<1x512xf32, #tpu.memory_space<vmem>>, vector<1x512xf32>
    %add3A_26 = vector.broadcast %get3A_25 : vector<1x512xf32> to vector<1024x512xf32>
    %add3A_27 = arith.addf %add3A_22, %add3A_26 : vector<1024x512xf32>
    %get3A_28 = arith.constant 0 : index
    %get3A_29 = arith.constant 0 : index
    %get3A_30 = vector.load %arg6[%get3A_28, %get3A_29] : memref<1x512xf32, #tpu.memory_space<vmem>>, vector<1x512xf32>
    %get3A_31 = arith.constant 0 : index
    %get3A_32 = arith.constant 0 : index
    %get3A_33 = vector.load %arg7[%get3A_31, %get3A_32] : memref<1x512xf32, #tpu.memory_space<vmem>>, vector<1x512xf32>
    %get3A_34 = arith.constant 0 : index
    %get3A_35 = arith.constant 0 : index
    %get3A_36 = vector.load %arg8[%get3A_34, %get3A_35] : memref<1x1xf32, #tpu.memory_space<vmem>>, vector<1x1xf32>
    %get3A_37 = vector.extract %get3A_36[0, 0] : f32 from vector<1x1xf32>
    %sqrt3A = arith.constant 1.000010e+00 : f32
    %sqrt3A_38 = math.sqrt %sqrt3A : f32
    %div3A = vector.broadcast %sqrt3A_38 : f32 to vector<1x512xf32>
    %div3A_39 = arith.divf %get3A_30, %div3A : vector<1x512xf32>
    %mul3A = vector.broadcast %div3A_39 : vector<1x512xf32> to vector<1024x512xf32>
    %mul3A_40 = arith.mulf %add3A_27, %mul3A : vector<1024x512xf32>
    %add3A_41 = vector.broadcast %get3A_33 : vector<1x512xf32> to vector<1024x512xf32>
    %add3A_42 = arith.addf %mul3A_40, %add3A_41 : vector<1024x512xf32>
    %reduce_sum3A = arith.constant dense<0.000000e+00> : vector<1024xf32>
    %reduce_sum3A_43 = vector.multi_reduction <add>, %add3A_42, %reduce_sum3A [1] : vector<1024x512xf32> to vector<1024xf32>
    %broadcast_in_dim3A = vector.shape_cast %reduce_sum3A_43 : vector<1024xf32> to vector<1024x1xf32>
    %mul3A_44 = arith.constant 0.001953125 : f32
    %mul3A_45 = vector.broadcast %mul3A_44 : f32 to vector<1024x1xf32>
    %mul3A_46 = arith.mulf %broadcast_in_dim3A, %mul3A_45 : vector<1024x1xf32>
    %sub3A = vector.broadcast %mul3A_46 : vector<1024x1xf32> to vector<1024x512xf32>
    %sub3A_47 = arith.subf %add3A_42, %sub3A : vector<1024x512xf32>
    %mul3A_48 = arith.mulf %sub3A_47, %sub3A_47 : vector<1024x512xf32>
    %reduce_sum3A_49 = arith.constant dense<0.000000e+00> : vector<1024xf32>
    %reduce_sum3A_50 = vector.multi_reduction <add>, %mul3A_48, %reduce_sum3A_49 [1] : vector<1024x512xf32> to vector<1024xf32>
    %broadcast_in_dim3A_51 = vector.shape_cast %reduce_sum3A_50 : vector<1024xf32> to vector<1024x1xf32>
    %add3A_52 = arith.constant 5.120000e-01 : f32
    %add3A_53 = vector.broadcast %add3A_52 : f32 to vector<1024x1xf32>
    %add3A_54 = arith.addf %broadcast_in_dim3A_51, %add3A_53 : vector<1024x1xf32>
    %sqrt3A_55 = math.sqrt %add3A_54 : vector<1024x1xf32>
    %div3A_56 = vector.broadcast %sqrt3A_55 : vector<1024x1xf32> to vector<1024x512xf32>
    %div3A_57 = arith.divf %sub3A_47, %div3A_56 : vector<1024x512xf32>
    %logistic3A = arith.negf %div3A_57 : vector<1024x512xf32>
    %logistic3A_58 = math.exp %logistic3A : vector<1024x512xf32>
    %logistic3A_59 = arith.constant 1.000000e+00 : f32
    %logistic3A_60 = vector.broadcast %logistic3A_59 : f32 to vector<1024x512xf32>
    %logistic3A_61 = arith.addf %logistic3A_60, %logistic3A_58 : vector<1024x512xf32>
    %logistic3A_62 = arith.divf %logistic3A_60, %logistic3A_61 : vector<1024x512xf32>
    %sub3A_63 = arith.constant 1.000000e+00 : f32
    %sub3A_64 = vector.broadcast %sub3A_63 : f32 to vector<1024x512xf32>
    %sub3A_65 = arith.subf %sub3A_64, %logistic3A_62 : vector<1024x512xf32>
    %mul3A_66 = vector.broadcast %get3A_37 : f32 to vector<1024x512xf32>
    %mul3A_67 = arith.mulf %sub3A_65, %mul3A_66 : vector<1024x512xf32>
    %add3A_68 = arith.addf %logistic3A_62, %mul3A_67 : vector<1024x512xf32>
    %mul3A_69 = arith.mulf %add3A_68, %add3A_42 : vector<1024x512xf32>
    %get3A_70 = arith.constant 0 : index
    %get3A_71 = arith.constant 0 : index
    %get3A_72 = vector.load %arg9[%get3A_70, %get3A_71] : memref<256x512xf32, #tpu.memory_space<vmem>>, vector<256x512xf32>
    %dot_general3A_73 = arith.constant dense<0.000000e+00> : vector<1024x256xf32>
    %dot_general3A_74 = tpu.matmul %mul3A_69, %get3A_72, %dot_general3A_73 {dimension_numbers = #tpu.dot_dimension_numbers<[1], [1], [0], [0], [0, 0, 1, 0], [], []>, transpose_lhs_hint = false} : vector<1024x512xf32>, vector<256x512xf32>, vector<1024x256xf32> -> vector<1024x256xf32>
    %get3A_75 = arith.constant 0 : index
    %get3A_76 = arith.constant 0 : index
    %get3A_77 = vector.load %arg10[%get3A_75, %get3A_76] : memref<1x256xf32, #tpu.memory_space<vmem>>, vector<1x256xf32>
    %add3A_78 = vector.broadcast %get3A_77 : vector<1x256xf32> to vector<1024x256xf32>
    %add3A_79 = arith.addf %dot_general3A_74, %add3A_78 : vector<1024x256xf32>
    %get3A_80 = arith.constant 0 : index
    %get3A_81 = arith.constant 0 : index
    %get3A_82 = vector.load %arg11[%get3A_80, %get3A_81] : memref<1x256xf32, #tpu.memory_space<vmem>>, vector<1x256xf32>
    %get3A_83 = arith.constant 0 : index
    %get3A_84 = arith.constant 0 : index
    %get3A_85 = vector.load %arg12[%get3A_83, %get3A_84] : memref<1x256xf32, #tpu.memory_space<vmem>>, vector<1x256xf32>
    %get3A_86 = arith.constant 0 : index
    %get3A_87 = arith.constant 0 : index
    %get3A_88 = vector.load %arg13[%get3A_86, %get3A_87] : memref<1x1xf32, #tpu.memory_space<vmem>>, vector<1x1xf32>
    %get3A_89 = vector.extract %get3A_88[0, 0] : f32 from vector<1x1xf32>
    %sqrt3A_90 = arith.constant 1.000010e+00 : f32
    %sqrt3A_91 = math.sqrt %sqrt3A_90 : f32
    %div3A_92 = vector.broadcast %sqrt3A_91 : f32 to vector<1x256xf32>
    %div3A_93 = arith.divf %get3A_82, %div3A_92 : vector<1x256xf32>
    %mul3A_94 = vector.broadcast %div3A_93 : vector<1x256xf32> to vector<1024x256xf32>
    %mul3A_95 = arith.mulf %add3A_79, %mul3A_94 : vector<1024x256xf32>
    %add3A_96 = vector.broadcast %get3A_85 : vector<1x256xf32> to vector<1024x256xf32>
    %add3A_97 = arith.addf %mul3A_95, %add3A_96 : vector<1024x256xf32>
    %reduce_sum3A_98 = arith.constant dense<0.000000e+00> : vector<1024xf32>
    %reduce_sum3A_99 = vector.multi_reduction <add>, %add3A_97, %reduce_sum3A_98 [1] : vector<1024x256xf32> to vector<1024xf32>
    %broadcast_in_dim3A_100 = vector.shape_cast %reduce_sum3A_99 : vector<1024xf32> to vector<1024x1xf32>
    %mul3A_101 = arith.constant 3.906250e-03 : f32
    %mul3A_102 = vector.broadcast %mul3A_101 : f32 to vector<1024x1xf32>
    %mul3A_103 = arith.mulf %broadcast_in_dim3A_100, %mul3A_102 : vector<1024x1xf32>
    %sub3A_104 = vector.broadcast %mul3A_103 : vector<1024x1xf32> to vector<1024x256xf32>
    %sub3A_105 = arith.subf %add3A_97, %sub3A_104 : vector<1024x256xf32>
    %mul3A_106 = arith.mulf %sub3A_105, %sub3A_105 : vector<1024x256xf32>
    %reduce_sum3A_107 = arith.constant dense<0.000000e+00> : vector<1024xf32>
    %reduce_sum3A_108 = vector.multi_reduction <add>, %mul3A_106, %reduce_sum3A_107 [1] : vector<1024x256xf32> to vector<1024xf32>
    %broadcast_in_dim3A_109 = vector.shape_cast %reduce_sum3A_108 : vector<1024xf32> to vector<1024x1xf32>
    %add3A_110 = arith.constant 2.560000e-01 : f32
    %add3A_111 = vector.broadcast %add3A_110 : f32 to vector<1024x1xf32>
    %add3A_112 = arith.addf %broadcast_in_dim3A_109, %add3A_111 : vector<1024x1xf32>
    %sqrt3A_113 = math.sqrt %add3A_112 : vector<1024x1xf32>
    %div3A_114 = vector.broadcast %sqrt3A_113 : vector<1024x1xf32> to vector<1024x256xf32>
    %div3A_115 = arith.divf %sub3A_105, %div3A_114 : vector<1024x256xf32>
    %logistic3A_116 = arith.negf %div3A_115 : vector<1024x256xf32>
    %logistic3A_117 = math.exp %logistic3A_116 : vector<1024x256xf32>
    %logistic3A_118 = arith.constant 1.000000e+00 : f32
    %logistic3A_119 = vector.broadcast %logistic3A_118 : f32 to vector<1024x256xf32>
    %logistic3A_120 = arith.addf %logistic3A_119, %logistic3A_117 : vector<1024x256xf32>
    %logistic3A_121 = arith.divf %logistic3A_119, %logistic3A_120 : vector<1024x256xf32>
    %sub3A_122 = arith.constant 1.000000e+00 : f32
    %sub3A_123 = vector.broadcast %sub3A_122 : f32 to vector<1024x256xf32>
    %sub3A_124 = arith.subf %sub3A_123, %logistic3A_121 : vector<1024x256xf32>
    %mul3A_125 = vector.broadcast %get3A_89 : f32 to vector<1024x256xf32>
    %mul3A_126 = arith.mulf %sub3A_124, %mul3A_125 : vector<1024x256xf32>
    %add3A_127 = arith.addf %logistic3A_121, %mul3A_126 : vector<1024x256xf32>
    %mul3A_128 = arith.mulf %add3A_127, %add3A_97 : vector<1024x256xf32>
    %get3A_129 = arith.constant 0 : index
    %get3A_130 = arith.constant 0 : index
    %get3A_131 = vector.load %arg14[%get3A_129, %get3A_130] : memref<1x256xf32, #tpu.memory_space<vmem>>, vector<1x256xf32>
    %mul3A_132 = vector.broadcast %get3A_131 : vector<1x256xf32> to vector<1024x256xf32>
    %mul3A_133 = arith.mulf %mul3A_128, %mul3A_132 : vector<1024x256xf32>
    %reduce_sum3A_134 = arith.constant dense<0.000000e+00> : vector<1024xf32>
    %reduce_sum3A_135 = vector.multi_reduction <add>, %mul3A_133, %reduce_sum3A_134 [1] : vector<1024x256xf32> to vector<1024xf32>
    %broadcast_in_dim3A_136 = vector.shape_cast %reduce_sum3A_135 : vector<1024xf32> to vector<1024x1xf32>
    %get3A_137 = arith.constant 0 : index
    %get3A_138 = arith.constant 0 : index
    %get3A_139 = vector.load %arg15[%get3A_137, %get3A_138] : memref<1x1xf32, #tpu.memory_space<vmem>>, vector<1x1xf32>
    %get3A_140 = vector.extract %get3A_139[0, 0] : f32 from vector<1x1xf32>
    %add3A_141 = vector.broadcast %get3A_140 : f32 to vector<1024x1xf32>
    %add3A_142 = arith.addf %broadcast_in_dim3A_136, %add3A_141 : vector<1024x1xf32>
    %swap3A = arith.constant 0 : index
    %swap3A_143 = arith.constant 0 : index
    %swap3A_144 = vector.load %arg16[%swap3A, %swap3A_143] : memref<1024x1xf32, #tpu.memory_space<vmem>>, vector<1024x1xf32>
    tpu.vector_store %arg16[%swap3A, %swap3A_143], %add3A_142 {strides = array<i32>} : memref<1024x1xf32, #tpu.memory_space<vmem>>, vector<1024x1xf32>,
    return
  }
  func.func @transform_0(%arg0: i32) -> (i32, i32) {
    %c0_i32 = arith.constant 0 : i32
    %c0_i32_0 = arith.constant 0 : i32
    return %arg0, %c0_i32 : i32, i32
  }
  func.func @transform_1(%arg0: i32) -> (i32, i32) {
    %c0_i32 = arith.constant 0 : i32
    %c0_i32_0 = arith.constant 0 : i32
    return %arg0, %c0_i32 : i32, i32
  }
  func.func @transform_2(%arg0: i32) -> (i32, i32) {
    %c0_i32 = arith.constant 0 : i32
    %c0_i32_0 = arith.constant 0 : i32
    return %arg0, %c0_i32 : i32, i32
  }
  func.func @transform_3(%arg0: i32) -> (i32, i32) {
    %c0_i32 = arith.constant 0 : i32
    %c0_i32_0 = arith.constant 0 : i32
    %c0_i32_1 = arith.constant 0 : i32
    return %c0_i32, %c0_i32_0 : i32, i32
  }
  func.func @transform_4(%arg0: i32) -> (i32, i32) {
    %c0_i32 = arith.constant 0 : i32
    %c0_i32_0 = arith.constant 0 : i32
    %c0_i32_1 = arith.constant 0 : i32
    return %c0_i32, %c0_i32_0 : i32, i32
  }
  func.func @transform_5(%arg0: i32) -> (i32, i32) {
    %c0_i32 = arith.constant 0 : i32
    %c0_i32_0 = arith.constant 0 : i32
    %c0_i32_1 = arith.constant 0 : i32
    return %c0_i32, %c0_i32_0 : i32, i32
  }
  func.func @transform_6(%arg0: i32) -> (i32, i32) {
    %c0_i32 = arith.constant 0 : i32
    %c0_i32_0 = arith.constant 0 : i32
    %c0_i32_1 = arith.constant 0 : i32
    return %c0_i32, %c0_i32_0 : i32, i32
  }
  func.func @transform_7(%arg0: i32) -> (i32, i32) {
    %c0_i32 = arith.constant 0 : i32
    %c0_i32_0 = arith.constant 0 : i32
    %c0_i32_1 = arith.constant 0 : i32
    return %c0_i32, %c0_i32_0 : i32, i32
  }
  func.func @transform_8(%arg0: i32) -> (i32, i32) {
    %c0_i32 = arith.constant 0 : i32
    %c0_i32_0 = arith.constant 0 : i32
    %c0_i32_1 = arith.constant 0 : i32
    return %c0_i32, %c0_i32_0 : i32, i32
  }
  func.func @transform_9(%arg0: i32) -> (i32, i32) {
    %c0_i32 = arith.constant 0 : i32
    %c0_i32_0 = arith.constant 0 : i32
    %c0_i32_1 = arith.constant 0 : i32
    return %c0_i32, %c0_i32_0 : i32, i32
  }
  func.func @transform_10(%arg0: i32) -> (i32, i32) {
    %c0_i32 = arith.constant 0 : i32
    %c0_i32_0 = arith.constant 0 : i32
    %c0_i32_1 = arith.constant 0 : i32
    return %c0_i32, %c0_i32_0 : i32, i32
  }
  func.func @transform_11(%arg0: i32) -> (i32, i32) {
    %c0_i32 = arith.constant 0 : i32
    %c0_i32_0 = arith.constant 0 : i32
    %c0_i32_1 = arith.constant 0 : i32
    return %c0_i32, %c0_i32_0 : i32, i32
  }
  func.func @transform_12(%arg0: i32) -> (i32, i32) {
    %c0_i32 = arith.constant 0 : i32
    %c0_i32_0 = arith.constant 0 : i32
    %c0_i32_1 = arith.constant 0 : i32
    return %c0_i32, %c0_i32_0 : i32, i32
  }
  func.func @transform_13(%arg0: i32) -> (i32, i32) {
    %c0_i32 = arith.constant 0 : i32
    %c0_i32_0 = arith.constant 0 : i32
    %c0_i32_1 = arith.constant 0 : i32
    return %c0_i32, %c0_i32_0 : i32, i32
  }
  func.func @transform_14(%arg0: i32) -> (i32, i32) {
    %c0_i32 = arith.constant 0 : i32
    %c0_i32_0 = arith.constant 0 : i32
    %c0_i32_1 = arith.constant 0 : i32
    return %c0_i32, %c0_i32_0 : i32, i32
  }
  func.func @transform_15(%arg0: i32) -> (i32, i32) {
    %c0_i32 = arith.constant 0 : i32
    %c0_i32_0 = arith.constant 0 : i32
    return %arg0, %c0_i32 : i32, i32
  }
}

</mosaic_0001>

<sc_bundles>
// kernel: kernel.4.cloned.1.call-start
scs
__scs_entry_jumppad:
0x0: {  	(pc) =	sbr.rel $0x88, $3  }
0x1: {  	(tag) =	ssettag $0x0;
	lr =	simm.s32 $0x1  }
0x2: {  	[smem:$0x3F90] =	sst lr;
	_ =	strace $0xD0000000  }
0x3: {  	_ = 	snop  }
0x4: {  	_ = 	snop  }
0x5: {  	_ = 	snop  }
0x6: {  	_ = 	snop  }
0x7: {  	_ = 	snop  }
__scs_overlays_trampoline_lowered:
0x8: {  	[smem:$0x3F9F] =	sst s0  }
0x9: {  	[smem:$0x3FA0] =	sst s1  }
0xa: {  	[smem:$0x3FA1] =	sst s2  }
0xb: {  	[smem:$0x3FA2] =	sst s3  }
0xc: {  	[smem:$0x3FA3] =	sst s4  }
0xd: {  	[smem:$0x3FA4] =	sst s5  }
0xe: {  	[smem:$0x3FA5] =	sst s6  }
0xf: {  	[smem:$0x3FA6] =	sst s7  }
0x10: {  	[smem:$0x3FA7] =	sst s8  }
0x11: {  	[smem:$0x3FA8] =	sst s9;
	s0 =	simm.s32 @!p0 $0x0  }
0x12: {  	s1 =	sld [smem:$0x3F8E];
	s0 =	simm.s32 @p0 $0x1  }
0x13: {  	[smem:$0x3FA9] =	sst s0;
	s0 =	simm.s32 @!p1 $0x0  }
0x14: {  	s2 =	sld [smem:$0x3F8D];
	s0 =	simm.s32 @p1 $0x1  }
0x15: {  	[smem:$0x3FAA] =	sst s0;
	s0 =	simm.s32 @!p2 $0x0  }
0x16: {  	s3 =	sld [smem:$0x3FDB];
	s0 =	simm.s32 @p2 $0x1  }
0x17: {  	s4 =	simm.s32 $0x1BF5;
	[smem:$0x3FAC] =	sst s0  }
0x18: {  	s0 =	sld [smem:$0x3F8F];
	_ =	swait.ge [sflag:s4], $0x0  }
0x19: {  	s7 =	sld [smem:$0x3F90]  }
0x1a: {  	s8 =	sadd.s32 $0xFFFFE003, lr  }
0x1b: {  	s9 =	sadd.s32 $0xFFFFFEF7, lr;
	s5 =	simm.s32 $0xFFFFFFFF;
	p2 =	slt.u32 s8, $0xFFFFF086  }
0x1c: {  	p1 =	slt.u32 s9, $0xF7A;
	s5 =	simm.s32 @!p2 $0x0  }
0x1d: {  	s5 =	simm.s32 @p1 $0x1;
	p0 =	seq.s32 s7, s2  }
0x1e: {  	s7 =	smul.u32 @!p0 $0xF7A, s2;
	p2 =	seq.s32 @!p0 s5, $0x0  }
0x1f: {  	s9 =	smul.u32 $0xF7A, s1;
	s8 =	simm.s32 @!p0 $0x1BF5;
	p2 =	por !p2, p0  }
0x20: {  	[sflag:s8] =	ssyncset.s32 @!p0 $0xFFFFF086;
	s6 =	sadd.s32 @!p0 s3, s7;
	s7 =	simm.s32 @!p0 $0x108  }
0x21: {  	s3 =	sadd.s32 s3, s9;
	s6 =	sadd.s32 @!p0 $0x88, s6;
	s7 =	simm.s32 @p2 $0x1082  }
0x22: {  	[simem:s7], [sflag:s8] =	dma.local @!p0 [hbm:s6], $0xF7A  }
0x23: {  	s9 =	sor.u32 $0xD0000000, s2;
	s6 =	simm.s32 $0x108;
	_ =	swait.ge @!p0 [sflag:s8], $0x0  }
0x24: {  	s3 =	sadd.s32 $0x88, s3;
	s6 =	simm.s32 @!p1 $0x1082;
	[sflag:s4] =	ssyncset.s32 $0xFFFFF086  }
0x25: {  	[simem:s6], [sflag:s4] =	dma.local [hbm:s3], $0xF7A  }
0x26: {  	[smem:$0x3F90] =	sst s1;
	(tag) =	ssettag s2;
	_ =	strace s9  }
0x27: {  	s1 =	sld [smem:$0x3FA0]  }
0x28: {  	s2 =	sld [smem:$0x3FA1]  }
0x29: {  	s4 =	sld [smem:$0x3FA3]  }
0x2a: {  	p0 =	seq.s32 s5, $0x0;
	s5 =	sld [smem:$0x3FA4]  }
0x2b: {  	s6 =	sld [smem:$0x3FA5]  }
0x2c: {  	s7 =	sld [smem:$0x3FA6]  }
0x2d: {  	s3 =	simm.s32 $0x108;
	s8 =	sld [smem:$0x3FA7]  }
0x2e: {  	s3 =	simm.s32 @!p0 $0x1082;
	s9 =	sld [smem:$0x3FA8]  }
0x2f: {  	lr =	sadd.s32 s0, s3;
	s0 =	sld [smem:$0x3F9F]  }
0x30: {  	s3 =	sld [smem:$0x3FA2]  }
0x31: {  	[smem:$0x3FAB] =	sst s10  }
0x32: {  	s10 =	sld [smem:$0x3FA9];
	_ =	sdelay $0x3  }
0x33: {  	p0 =	seq.s32 s10, $0x1;
	s10 =	sld [smem:$0x3FAB];
	_ =	sdelay $0x3  }
0x34: {  	[smem:$0x3FAB] =	sst s10  }
0x35: {  	s10 =	sld [smem:$0x3FAA];
	_ =	sdelay $0x3  }
0x36: {  	p1 =	seq.s32 s10, $0x1;
	s10 =	sld [smem:$0x3FAB];
	_ =	sdelay $0x3  }
0x37: {  	[smem:$0x3FAB] =	sst s10  }
0x38: {  	s10 =	sld [smem:$0x3FAC]  }
0x39: {  	_ = 	snop;
	(pc) =	sbr.ind lr, $3  }
0x3a: {  	_ = 	snop  }
0x3b: {  	_ = 	snop  }
0x3c: {  	p2 =	seq.s32 s10, $0x1;
	s10 =	sld [smem:$0x3FAB]  }
0x3d: {  	_ =	shalt  }
0x3e: {  	_ =	shalt  }
0x3f: {  	_ =	shalt  }
0x40: {  	_ =	shalt  }
0x41: {  	_ =	shalt  }
0x42: {  	_ =	shalt  }
0x43: {  	_ =	shalt  }
0x44: {  	_ =	shalt  }
0x45: {  	_ =	shalt  }
0x46: {  	_ =	shalt  }
0x47: {  	_ =	shalt  }
0x48: {  	_ =	shalt  }
0x49: {  	_ =	shalt  }
0x4a: {  	_ =	shalt  }
0x4b: {  	_ =	shalt  }
0x4c: {  	_ =	shalt  }
0x4d: {  	_ =	shalt  }
0x4e: {  	_ =	shalt  }
0x4f: {  	_ =	shalt  }
0x50: {  	_ =	shalt  }
0x51: {  	_ =	shalt  }
0x52: {  	_ =	shalt  }
0x53: {  	_ =	shalt  }
0x54: {  	_ =	shalt  }
0x55: {  	_ =	shalt  }
0x56: {  	_ =	shalt  }
0x57: {  	_ =	shalt  }
0x58: {  	_ =	shalt  }
0x59: {  	_ =	shalt  }
0x5a: {  	_ =	shalt  }
0x5b: {  	_ =	shalt  }
0x5c: {  	_ =	shalt  }
0x5d: {  	_ =	shalt  }
0x5e: {  	_ =	shalt  }
0x5f: {  	_ =	shalt  }
0x60: {  	_ =	shalt  }
0x61: {  	_ =	shalt  }
0x62: {  	_ =	shalt  }
0x63: {  	_ =	shalt  }
0x64: {  	_ =	shalt  }
0x65: {  	_ =	shalt  }
0x66: {  	_ =	shalt  }
0x67: {  	_ =	shalt  }
0x68: {  	_ =	shalt  }
0x69: {  	_ =	shalt  }
0x6a: {  	_ =	shalt  }
0x6b: {  	_ =	shalt  }
0x6c: {  	_ =	shalt  }
0x6d: {  	_ =	shalt  }
0x6e: {  	_ =	shalt  }
0x6f: {  	_ =	shalt  }
0x70: {  	_ =	shalt  }
0x71: {  	_ =	shalt  }
0x72: {  	_ =	shalt  }
0x73: {  	_ =	shalt  }
0x74: {  	_ =	shalt  }
0x75: {  	_ =	shalt  }
0x76: {  	_ =	shalt  }
0x77: {  	_ =	shalt  }
0x78: {  	_ =	shalt  }
0x79: {  	_ =	shalt  }
0x7a: {  	_ =	shalt  }
0x7b: {  	_ =	shalt  }
0x7c: {  	_ =	shalt  }
0x7d: {  	_ =	shalt  }
0x7e: {  	_ =	shalt  }
0x7f: {  	_ =	shalt  }
0x80: {  	_ =	shalt  }
0x81: {  	_ =	shalt  }
0x82: {  	_ =	shalt  }
0x83: {  	_ =	shalt  }
0x84: {  	_ =	shalt  }
0x85: {  	_ =	shalt  }
0x86: {  	_ =	shalt  }
0x87: {  	_ =	shalt  }
.Lfunc_end0:
.L_simem_size_0:
called_computation_lowered:
.L_overlay_start_0:
0x88: {  	s2 =	sld [smem:$0x3FD9]  }
0x89: {  	s3 =	sld [smem:$0x3FFE];
	_ =	sdelay $0x1  }
0x8a: {  	s1 =	srdreg.scid  }
0x8b: {  	s0 =	sand.u32 $0x1, s1  }
0x8c: {  	s17 =	sshll.u32 s0, $0xA;
	s2 =	sadd.s32 s3, s2  }
0x8d: {  	s2 =	sadd.s32 s2, s17  }
0x8e: {  	[smem:$0x3FB7] =	sst s2  }
0x8f: {  	_ = 	snop  }
0x90: {  	s2 =	sld [smem:$0x3FC9]  }
0x91: {  	s18 =	sld [smem:$0x3FC8]  }
0x92: {  	s4 =	sld [smem:$0x3FC6]  }
0x93: {  	s5 =	sld [smem:$0x3FC5];
	(tm) =	ssettm $0x1  }
0x94: {  	s6 =	sld [smem:$0x3FFB];
	_ =	sdelay $0x3  }
0x95: {  	_ =	strace s6  }
0x96: {  	s6 =	sld [smem:$0x3FFC];
	_ =	sdelay $0x3  }
0x97: {  	_ =	strace s6  }
0x98: {  	s6 =	sld [smem:$0x3FFD];
	_ =	sdelay $0x3  }
0x99: {  	_ =	strace s6  }
0x9a: {  	_ =	strace $0x8FFFFFFF  }
0x9b: {  	s19 =	sld [smem:$0x3FDB];
	_ =	sdelay $0x1  }
0x9c: {  	s7 =	simm.s32 $_scs_section_size  }
0x9d: {  	s8 =	simm.s32 $_size__tile_overlayer_lowered;
	s9 =	simm.s32 $_tile_overlayer_lowered  }
0x9e: {  	s22 =	simm.s32 $0x1BFF;
	s21 =	sshll.u32 s9, $0x1;
	s6 =	sadd.s32 s7, s19  }
0x9f: {  	s10 =	simm.s32 $0x0;
	s20 =	sshll.u32 s8, $0x1;
	s8 =	sadd.s32 s21, s6  }
0xa0: {  	[timem:s10], [sflag:s22] =	dma.local [hbm:s8], s20  }
0xa1: {  	_ =	swait.ge [sflag:s22], s20  }
0xa2: {  	s7 =	ssub.s32 $0x0, s20;
	[sflag:s22] =	ssyncset.done $0x0  }
0xa3: {  	[sflag:s22] =	ssyncadd.s32 s7;
	_ =	sdelay $0x1  }
0xa4: {  	s23 =	simm.s32 $0x1B8B  }
0xa5: {  	_ =	swait.ge [sflag:s23], $0x1  }
0xa6: {  	[sflag:s23] =	ssyncset.done $0x0  }
0xa7: {  	s25 =	simm.s32 $0x1B8E;
	s24 =	sld [smem:$0x3FFE];
	[sflag:s23] =	ssyncadd.s32 $0xFFFFFFFF  }
0xa8: {  	s26 =	simm.s32 $execute0_lowered;
	[smem:$0x3FD2] =	sst s25  }
0xa9: {  	s8 =	sshll.u32 s26, $0x1;
	_ =	strace $0x80000046;
	[dreg:$0x1] =	wrdreg $0xFFFFFFFF  }
0xaa: {  	s28 =	simm.s32 $_size_execute0_lowered;
	s6 =	sadd.s32 s6, s8;
	[dreg:$0x0] =	wrdreg $0x0  }
0xab: {  	s8 =	sshll.u32 s28, $0x1;
	[dreg:$0x2] =	wrdreg s6  }
0xac: {  	[dreg:$0x3] =	wrdreg s8  }
0xad: {  	[dreg:$0x4] =	wrdreg $0xC0  }
0xae: {  	_ =	task [dreg:s10], $0x5FFFF  }
0xaf: {  	[dreg:$0x1] =	wrdreg $0xFFFFFFFF  }
0xb0: {  	[dreg:$0x0] =	wrdreg $0x60  }
0xb1: {  	[dreg:$0x2] =	wrdreg s2  }
0xb2: {  	[dreg:$0x3] =	wrdreg s18  }
0xb3: {  	[dreg:$0x4] =	wrdreg s24  }
0xb4: {  	[dreg:$0x5] =	wrdreg s4  }
0xb5: {  	[dreg:$0x6] =	wrdreg s5  }
0xb6: {  	[dreg:$0x7] =	wrdreg $0x9  }
0xb7: {  	_ =	task.clear_ibuf [dreg:s10], $0x8FFFF;
	_ =	strace $0x90000046  }
0xb8: {  	s29 =	simm.s32 $0x9;
	_ =	strace $0x80000048  }
0xb9: {  	_ =	swait.ge [sflag:s29], $0x1  }
0xba: {  	[sflag:s29] =	ssyncadd.s32 $0xFFFFFFFF  }
0xbb: {  	_ =	strace $0x90000048  }
0xbc: {  	_ =	sfence  }
0xbd: {  	s30 =	sld [smem:$0x0];
	_ =	sdelay $0x2  }
0xbe: {  	s31 =	sshll.u32 s1, $0xD;
	s1 =	sshrl.u32 s1, $0x2  }
0xbf: {  	s3 =	sand.u32 $0x4000, s31;
	s1 =	sadd.s32 s1, s30  }
0xc0: {  	s0 =	sor.u32 s3, s0;
	s1 =	sshll.u32 s1, $0x11  }
0xc1: {  	s0 =	sor.u32 s1, s0  }
0xc2: {  	s0 =	sadd.s32 $0x8F2B, s0  }
0xc3: {  	[sflag:s0] =	ssyncadd.remote.s32 $0x1  }
0xc4: {  	_ =	sfence.sel $0xFFFF  }
0xc5: {  	[dreg:$0x0] =	wrdreg $0xFFFFFFFF;
	(pc) =	sbr.abs _section_cstart, $3  }
0xc6: {  	[dreg:$0x1] =	wrdreg $0xFFFFFFFF  }
0xc7: {  	_ =	task.clear_ibuf [dreg:s10], $0x2FFFF;
	_ =	strace $0x9FFFFFFF  }
0xc8: {  	(tm) =	ssettm $0x7FFFFFFF  }
0xc9: {  	_ =	shalt  }
tec
execute0_lowered:
.L_overlay_start_1:
0x0: {  	(tag) =	ssettag $0x1  }
0x1: {  	s0 =	rddreg [dreg:$0x0]  }
0x2: {  	s1 =	rddreg [dreg:$0x1]  }
0x3: {  	s2 =	rddreg [dreg:$0x2]  }
0x4: {  	s3 =	rddreg [dreg:$0x4]  }
0x5: {  	s4 =	srdreg.scid;
	s6 =	stileid.u32;
	s12 =	simm.s32 $0x7  }
0x6: {  	s18 =	simm.s32 $0x32;
	s28 =	simm.s32 $0x17100;
	s5 =	sand.u32 $0x1, s4  }
0x7: {  	s4 =	simm.s32 $0x0;
	s6 =	sshll.u32 s6, $0x8;
	s7 =	sshll.u32 s5, $0x7  }
0x8: {  	s29 =	simm.s32 $0x4;
	[smem:$0x7FF] =	sst s4;
	s6 =	sor.u32 s7, s6  }
0x9: {  	s5 =	ssub.s32 $0x2, s5;
	s7 =	sshll.u32 s6, $0x4;
	s6 =	sshrl.u32 s6, $0x3  }
0xa: {  	_ =	strace $0x80000047;
	s20 =	sshrl.u32 s5, $0x1;
	s0 =	sadd.s32 s0, s6  }
0xb: {  	s5 =	ssub.s32 s5, s20;
	s21 =	sadd.s32 s1, s6;
	[dreg:$0x6] =	wrdreg s0  }
0xc: {  	s2 =	sadd.s32 s7, s2;
	s26 =	smax.u32 s5, $0x1;
	[dreg:$0x7] =	wrdreg s21  }
0xd: {  	s30 =	simm.s32 $0x5;
	s22 =	sadd.s32 $0x2000, s2;
	[dreg:$0xc] =	wrdreg s26  }
0xe: {  	s31 =	simm.s32 $0x6;
	s23 =	sadd.s32 $0x12000, s2;
	[dreg:$0x8] =	wrdreg s22  }
0xf: {  	s6 =	simm.s32 $0x4100;
	s24 =	sadd.s32 $0x22000, s2;
	[dreg:$0x9] =	wrdreg s23  }
0x10: {  	v1 =	vlaneseq.u32;
	s7 =	simm.s32 $0x8100;
	s25 =	sadd.s32 $0x32000, s2;
	[dreg:$0xa] =	wrdreg s24  }
0x11: {  	v0 =	vimm.f32 $0.0e+00;
	v1 =	vmul.u32 $0x11, v1;
	s26 =	simm.s32 $0x3;
	s2 =	simm.s32 $0x0;
	[dreg:$0xb] =	wrdreg s25  }
.LBB2_1:
0x12: {  	s0 =	rddreg [dreg:$0x6]  }
0x13: {  	[tilespmem:s4], [sflag:$0x7] =	stream.linear.gather [hbm4b:s0+s4], $0x80, $0x38;
	[tilespmem:$0x17600] =	vst v63  }
0x14: {  	_ =	swait.ge [sflag:s12], $0x80  }
0x15: {  	[sflag:s12] =	ssyncset.done $0x0  }
0x16: {  	s1 =	simm.s32 $0x80;
	s14 =	rddreg [dreg:$0x7];
	[sflag:s12] =	ssyncadd.s32 $0xFFFFFF80  }
0x17: {  	[tilespmem:s1], [sflag:$0x7] =	stream.linear.gather [hbm4b:s14+s4], $0x80, $0x38;
	[tilespmem:$0x17600] =	vst v63  }
0x18: {  	_ =	swait.ge [sflag:s12], $0x80  }
0x19: {  	[sflag:s12] =	ssyncset.done $0x0  }
0x1a: {  	s5 =	simm.s32 $0x100;
	s15 =	rddreg [dreg:$0x8];
	[sflag:s12] =	ssyncadd.s32 $0xFFFFFF80  }
0x1b: {  	[tilespmem:s5], [sflag:$0x7] =	stream.linear.gather [hbm4b:s15+s4], $0x4000, $0x38;
	[tilespmem:$0x17600] =	vst v63  }
0x1c: {  	_ =	swait.ge [sflag:s12], $0x4000  }
0x1d: {  	[sflag:s12] =	ssyncset.done $0x0  }
0x1e: {  	[sflag:s12] =	ssyncadd.s32 $0xFFFFC000  }
0x1f: {  	s16 =	rddreg [dreg:$0x3]  }
0x20: {  	[tilespmem:s6], [sflag:$0x1] =	stream.indirect.gather [hbm4b:s16+s1], $0x80, s4, s1, $0xb8;
	[tilespmem:$0x17600] =	vst v63  }
0x21: {  	s17 =	simm.s32 $0x2  }
0x22: {  	[tilespmem:s7], [sflag:$0x2] =	stream.indirect.gather [hbm4b:s3+s1], $0x80, s1, s1, $0xb8;
	[tilespmem:$0x17600] =	vst v63  }
0x23: {  	_ =	swait.ge [sflag:s17], $0x4000  }
0x24: {  	[sflag:s17] =	ssyncset.done $0x0  }
0x25: {  	s19 =	simm.s32 $0xC100;
	[sflag:s17] =	ssyncadd.s32 $0xFFFFC000  }
0x26: {  	[tilespmem:s19], [sflag:$0x3] =	stream.indirect.gather [hbm4b:s3+s18], $0x80, s5, s18, $0xb8;
	[tilespmem:$0x17600] =	vst v63  }
0x27: {  	s20 =	simm.s32 $0x180;
	s21 =	simm.s32 $0xDD00  }
0x28: {  	[tilespmem:s21], [sflag:$0x4] =	stream.indirect.gather [hbm4b:s3+s18], $0x80, s20, s18, $0xb8;
	[tilespmem:$0x17600] =	vst v63  }
0x29: {  	s22 =	simm.s32 $0x200;
	s23 =	simm.s32 $0xF900  }
0x2a: {  	[tilespmem:s23], [sflag:$0x5] =	stream.indirect.gather [hbm4b:s3+s18], $0x80, s22, s18, $0xb8;
	[tilespmem:$0x17600] =	vst v63  }
0x2b: {  	s24 =	simm.s32 $0x280;
	s25 =	simm.s32 $0x11500  }
0x2c: {  	[tilespmem:s25], [sflag:$0x6] =	stream.indirect.gather [hbm4b:s3+s18], $0x80, s24, s18, $0xb8;
	[tilespmem:$0x17600] =	vst v63  }
0x2d: {  	[tilespmem:$0x17452] =	vst v0  }
0x2e: {  	[tilespmem:$0x17463] =	vst v0  }
0x2f: {  	[tilespmem:$0x17474] =	vst v0  }
0x30: {  	[tilespmem:$0x17485] =	vst v0  }
0x31: {  	[tilespmem:$0x17496] =	vst v0  }
0x32: {  	[tilespmem:$0x174A7] =	vst v0  }
0x33: {  	[tilespmem:$0x174B8] =	vst v0  }
0x34: {  	[tilespmem:$0x174C9] =	vst v0  }
0x35: {  	[tilespmem:$0x174DA] =	vst v0  }
0x36: {  	[tilespmem:$0x174EB] =	vst v0  }
0x37: {  	[tilespmem:$0x174FC] =	vst v0  }
0x38: {  	[tilespmem:$0x1750D] =	vst v0  }
0x39: {  	[tilespmem:$0x1751E] =	vst v0  }
0x3a: {  	s19 =	simm.s32 $0x0;
	[tilespmem:$0x1752F] =	vst v0  }
.LBB2_2:
0x3b: {  	_ =	swait.ge [sflag:s26], $0x1900  }
0x3c: {  	s1 =	sshll.u32 s19, $0xB;
	p0 =	seq.s32 s19, $0x1F;
	s20 =	sshll.u32 s19, $0x9  }
0x3d: {  	[sflag:s26] =	ssyncset.done $0x0;
	s21 =	sshrl.u32 @!p0 s1, $0x2;
	s5 =	simm.s32 @!p0 $0x32  }
0x3e: {  	s6 =	simm.s32 @!p0 $0xC100;
	[sflag:s26] =	ssyncadd.s32 $0xFFFFE700;
	s1 =	sadd.s32 @!p0 $0x300, s21  }
0x3f: {  	[tilespmem:s6], [sflag:$0x3] =	stream.indirect.gather @!p0 [hbm4b:s3+s5], $0x80, s1, s5, $0xb8;
	[tilespmem:$0x17600] =	vst v63  }
0x40: {  	v2 =	vld [tilespmem:s20+$0x8100]  }
0x41: {  	v3 =	vld [tilespmem:s20+$0x8110]  }
0x42: {  	v4 =	vld [tilespmem:s20+$0x8120]  }
0x43: {  	v9 =	vld [tilespmem:s20+$0x8130]  }
0x44: {  	v5 =	vld [tilespmem:s20+$0x8140]  }
0x45: {  	v6 =	vld [tilespmem:s20+$0x8150]  }
0x46: {  	v7 =	vld [tilespmem:s20+$0x8160]  }
0x47: {  	s8 =	simm.s32 $0xC240;
	v8 =	vld [tilespmem:s20+$0x8170]  }
0x48: {  	v10 =	vld [tilespmem:s8+$0xC0]  }
0x49: {  	v11 =	vld [tilespmem:s8+$0xD0]  }
0x4a: {  	v12 =	vld [tilespmem:s8+$0xE0]  }
0x4b: {  	v13 =	vld [tilespmem:s8+$0xF0]  }
0x4c: {  	v14 =	vld [tilespmem:s8+$0x100]  }
0x4d: {  	v15 =	vld [tilespmem:s8+$0x110]  }
0x4e: {  	v16 =	vld [tilespmem:s8+$0x120]  }
0x4f: {  	v17 =	vld [tilespmem:s8+$0x130]  }
0x50: {  	v18 =	vld [tilespmem:s8+$0xFFFFFED0]  }
0x51: {  	v19 =	vld [tilespmem:s8+$0xFFFFFEE0]  }
0x52: {  	v20 =	vld [tilespmem:s8+$0xFFFFFEF0]  }
0x53: {  	v21 =	vld [tilespmem:s8+$0xFFFFFF00]  }
0x54: {  	v22 =	vld [tilespmem:s8+$0xFFFFFF10]  }
0x55: {  	v23 =	vld [tilespmem:s8+$0xFFFFFF20]  }
0x56: {  	v24 =	vld [tilespmem:s8+$0xFFFFFF30]  }
0x57: {  	v25 =	vld [tilespmem:s8+$0xFFFFFF40]  }
0x58: {  	v28 =	vld [tilespmem:s8+$0xFFFFFF70]  }
0x59: {  	v26 =	vld [tilespmem:s8+$0xFFFFFF50];
	v10 =	vmul.f32 v10, v2;
	v11 =	vmul.f32 v11, v3  }
0x5a: {  	v27 =	vld [tilespmem:s8+$0xFFFFFF60];
	v12 =	vmul.f32 v12, v4;
	v13 =	vmul.f32 v13, v9  }
0x5b: {  	v29 =	vld [tilespmem:s8+$0xFFFFFF80];
	v14 =	vmul.f32 v14, v5;
	v15 =	vmul.f32 v15, v6  }
0x5c: {  	v30 =	vld [tilespmem:s8+$0xFFFFFF90];
	v16 =	vmul.f32 v16, v7;
	v17 =	vmul.f32 v17, v8  }
0x5d: {  	v54 =	vld [tilespmem:s8+$0xFFFFFFF0];
	v55 =	vmul.f32 v28, v9;
	v10 =	vadd.f32 v11, v10;
	v11 =	vadd.f32 v13, v12  }
0x5e: {  	v56 =	vld [tilespmem:s8+$0x0];
	v13 =	vadd.f32 v15, v14;
	v14 =	vadd.f32 v17, v16;
	v16 =	vmul.f32 v19, v4  }
0x5f: {  	v12 =	vld [tilespmem:s8+$0xFFFFFFA0];
	v17 =	vmul.f32 v20, v9;
	v20 =	vmul.f32 v21, v5  }
0x60: {  	v15 =	vld [tilespmem:s8+$0xFFFFFFB0];
	v11 =	vadd.f32 v11, v10;
	v13 =	vadd.f32 v14, v13;
	v14 =	vmul.f32 v22, v6  }
0x61: {  	v59 =	vld [tilespmem:s8+$0x10];
	v10 =	vadd.f32 v17, v16;
	v16 =	vmul.f32 v23, v7;
	v17 =	vmul.f32 v24, v8  }
0x62: {  	v58 =	vmul.f32 v30, v6;
	v19 =	vld [tilespmem:s8+$0xFFFFFFC0];
	v23 =	vmul.f32 v26, v3  }
0x63: {  	v21 =	vld [tilespmem:s8+$0xFFFFFFD0];
	v14 =	vadd.f32 v14, v20;
	v20 =	vmul.f32 v25, v2;
	v16 =	vadd.f32 v17, v16  }
0x64: {  	v22 =	vld [tilespmem:s8+$0xFFFFFFE0];
	v17 =	vmul.f32 v27, v4;
	v57 =	vadd.f32 v13, v11;
	v13 =	vmul.f32 v29, v5  }
0x65: {  	v12 =	vmul.f32 v12, v7;
	v11 =	vadd.f32 v16, v14;
	v14 =	vmul.f32 v15, v8;
	v15 =	vld [tilespmem:s8+$0x20]  }
0x66: {  	v16 =	vadd.f32 v23, v20;
	v17 =	vadd.f32 v55, v17;
	v20 =	vld [tilespmem:s8+$0x30]  }
0x67: {  	v13 =	vadd.f32 v58, v13;
	v23 =	vld [tilespmem:s8+$0x40];
	v12 =	vadd.f32 v14, v12  }
0x68: {  	v14 =	vadd.f32 v17, v16;
	v16 =	vmul.f32 v19, v2;
	v17 =	vmul.f32 v21, v3;
	v19 =	vld [tilespmem:s8+$0x50]  }
0x69: {  	v60 =	vld [tilespmem:s8+$0x60];
	v61 =	vmul.f32 v59, v6;
	v21 =	vmul.f32 v22, v4;
	v12 =	vadd.f32 v12, v13  }
0x6a: {  	v62 =	vld [tilespmem:s8+$0x70];
	v22 =	vmul.f32 v54, v9;
	v17 =	vadd.f32 v17, v16;
	v16 =	vmul.f32 v56, v5  }
0x6b: {  	v13 =	vld [tilespmem:s8+$0x80];
	v63 =	vadd.f32 v12, v14;
	v12 =	vmul.f32 v15, v7;
	v15 =	vmul.f32 v20, v8  }
0x6c: {  	s7 =	simm.s32 $0x0;
	s16 =	simm.s32 $0x17580;
	s25 =	sor.u32 $0x20, s20;
	v23 =	vmul.f32 v23, v2;
	v20 =	vadd.f32 v22, v21;
	v14 =	vld [tilespmem:s8+$0x90]  }
0x6d: {  	s22 =	sor.u32 $0x30, s20;
	s24 =	sor.u32 $0x40, s20;
	s5 =	simm.s32 $0x17122;
	v21 =	vadd.f32 v61, v16;
	v16 =	vld [tilespmem:s8+$0xA0];
	v19 =	vmul.f32 v19, v3;
	v22 =	vadd.f32 v15, v12  }
0x6e: {  	s23 =	sor.u32 $0x50, s20;
	s14 =	sor.u32 $0x60, s20;
	s15 =	sor.u32 $0x70, s20;
	[tilespmem:s5+$0x22] =	vst v57;
	v12 =	vmul.f32 v18, v3;
	v15 =	vadd.f32 v20, v17;
	v17 =	vld [tilespmem:s8+$0xB0];
	v20 =	vmul.f32 v60, v4  }
0x6f: {  	s1 =	sor.u32 $0x10, s20;
	s6 =	simm.s32 $0xF;
	[tilespmem:s5+$0xFFFFFFEF] =	vst v63;
	v18 =	vld [tilespmem:s8+$0xFFFFFEC0];
	s8 =	simm.s32 $0xC4C0;
	v19 =	vadd.f32 v19, v23;
	v21 =	vadd.f32 v22, v21;
	v22 =	vmul.f32 v62, v9  }
.LBB2_3:
0x70: {  	v23 =	vld [tilespmem:s8+$0xC0];
	v13 =	vmul.f32 v13, v5  }
0x71: {  	v24 =	vld [tilespmem:s8+$0xD0];
	v15 =	vadd.f32 v21, v15;
	v14 =	vmul.f32 v14, v6;
	v20 =	vadd.f32 v22, v20  }
0x72: {  	v21 =	vld [tilespmem:s8+$0xE0];
	v16 =	vmul.f32 v16, v7  }
0x73: {  	v22 =	vld [tilespmem:s8+$0xF0];
	[tilespmem:s5+$0x0] =	vst v15;
	v15 =	vmul.f32 v17, v8;
	v13 =	vadd.f32 v14, v13;
	v14 =	vadd.f32 v20, v19  }
0x74: {  	v17 =	vld [tilespmem:s8+$0x100];
	v18 =	vmul.f32 v18, v2  }
0x75: {  	v19 =	vld [tilespmem:s8+$0x110];
	v15 =	vadd.f32 v15, v16  }
0x76: {  	v16 =	vld [tilespmem:s8+$0x120];
	v12 =	vadd.f32 v12, v18  }
0x77: {  	s7 =	sadd.s32 $0x5, s7;
	v18 =	vld [tilespmem:s8+$0x130];
	v13 =	vadd.f32 v15, v13  }
0x78: {  	p1 =	slt.u32 s7, $0x2D;
	v15 =	vld [tilespmem:s8+$0xFFFFFED0];
	v10 =	vadd.f32 v10, v12  }
0x79: {  	v23 =	vmul.f32 v23, v2;
	v24 =	vmul.f32 v24, v3;
	v20 =	vld [tilespmem:s8+$0xFFFFFEE0];
	v12 =	vadd.f32 v13, v14  }
0x7a: {  	v14 =	vmul.f32 v21, v4;
	v21 =	vmul.f32 v22, v9;
	v13 =	vld [tilespmem:s8+$0xFFFFFEF0];
	v10 =	vadd.f32 v11, v10  }
0x7b: {  	v17 =	vmul.f32 v17, v5;
	v19 =	vmul.f32 v19, v6;
	v11 =	vld [tilespmem:s8+$0xFFFFFF00];
	[tilespmem:s5+$0x11] =	vst v12  }
0x7c: {  	v16 =	vmul.f32 v16, v7;
	v22 =	vld [tilespmem:s8+$0xFFFFFF10];
	v18 =	vmul.f32 v18, v8;
	[tilespmem:s5+$0xFFFFFFDE] =	vst v10  }
0x7d: {  	v14 =	vadd.f32 v21, v14;
	v10 =	vadd.f32 v24, v23;
	v25 =	vld [tilespmem:s8+$0xFFFFFF20];
	v12 =	vmul.f32 v15, v3  }
0x7e: {  	v17 =	vadd.f32 v19, v17;
	v15 =	vld [tilespmem:s8+$0xFFFFFF30];
	v20 =	vmul.f32 v20, v4;
	v16 =	vadd.f32 v18, v16  }
0x7f: {  	v13 =	vmul.f32 v13, v9;
	v18 =	vld [tilespmem:s8+$0xFFFFFF40]  }
0x80: {  	v14 =	vadd.f32 v14, v10;
	v11 =	vmul.f32 v11, v5;
	v19 =	vld [tilespmem:s8+$0xFFFFFF50];
	v16 =	vadd.f32 v16, v17  }
0x81: {  	v17 =	vmul.f32 v22, v6;
	v10 =	vadd.f32 v13, v20;
	v13 =	vld [tilespmem:s8+$0xFFFFFF60]  }
0x82: {  	v20 =	vmul.f32 v25, v7;
	v21 =	vld [tilespmem:s8+$0xFFFFFF70];
	v14 =	vadd.f32 v16, v14  }
0x83: {  	s5 =	sadd.s32 $0x55, s5;
	v15 =	vmul.f32 v15, v8;
	v11 =	vadd.f32 v17, v11;
	v16 =	vld [tilespmem:s8+$0xFFFFFF80]  }
0x84: {  	v17 =	vld [tilespmem:s8+$0xFFFFFF90];
	v18 =	vmul.f32 v18, v2;
	[tilespmem:s5+$0x22] =	vst v14  }
0x85: {  	v14 =	vadd.f32 v15, v20;
	v15 =	vld [tilespmem:s8+$0xFFFFFFA0];
	v19 =	vmul.f32 v19, v3  }
0x86: {  	v20 =	vld [tilespmem:s8+$0xFFFFFFB0];
	v13 =	vmul.f32 v13, v4  }
0x87: {  	v11 =	vadd.f32 v14, v11;
	v14 =	vmul.f32 v21, v9;
	v18 =	vadd.f32 v19, v18;
	v19 =	vld [tilespmem:s8+$0xFFFFFFC0]  }
0x88: {  	v16 =	vmul.f32 v16, v5;
	v21 =	vld [tilespmem:s8+$0xFFFFFFD0]  }
0x89: {  	v17 =	vmul.f32 v17, v6;
	v13 =	vadd.f32 v14, v13;
	v14 =	vld [tilespmem:s8+$0xFFFFFFE0]  }
0x8a: {  	v15 =	vmul.f32 v15, v7;
	v22 =	vld [tilespmem:s8+$0xFFFFFFF0]  }
0x8b: {  	v20 =	vmul.f32 v20, v8;
	v16 =	vadd.f32 v17, v16;
	v13 =	vadd.f32 v13, v18;
	v17 =	vld [tilespmem:s8+$0x0]  }
0x8c: {  	v18 =	vld [tilespmem:s8+$0x10];
	v19 =	vmul.f32 v19, v2  }
0x8d: {  	v15 =	vadd.f32 v20, v15;
	v20 =	vld [tilespmem:s8+$0x20];
	v21 =	vmul.f32 v21, v3  }
0x8e: {  	v23 =	vld [tilespmem:s8+$0x30];
	v14 =	vmul.f32 v14, v4  }
0x8f: {  	v15 =	vadd.f32 v15, v16;
	v16 =	vmul.f32 v22, v9;
	v19 =	vadd.f32 v21, v19;
	v21 =	vld [tilespmem:s8+$0x40]  }
0x90: {  	v17 =	vmul.f32 v17, v5;
	v22 =	vld [tilespmem:s8+$0x50]  }
0x91: {  	v13 =	vadd.f32 v15, v13;
	v15 =	vmul.f32 v18, v6;
	v14 =	vadd.f32 v16, v14;
	v18 =	vld [tilespmem:s8+$0x60]  }
0x92: {  	v16 =	vmul.f32 v20, v7;
	v24 =	vld [tilespmem:s8+$0x70]  }
.Ltmp0:
0x93: {  	[tilespmem:s5+$0xFFFFFFEF] =	vst v13;
	v20 =	vmul.f32 v23, v8;
	v23 =	vadd.f32 v15, v17;
	v15 =	vadd.f32 v14, v19;
	v13 =	vld [tilespmem:s8+$0x80];
	(pc) =	sbr.rel @p1 .LBB2_3-.Ltmp0, $4  }
0x94: {  	v14 =	vld [tilespmem:s8+$0x90];
	v19 =	vmul.f32 v21, v2  }
0x95: {  	v21 =	vadd.f32 v20, v16;
	v16 =	vld [tilespmem:s8+$0xA0];
	v25 =	vmul.f32 v22, v3  }
0x96: {  	v17 =	vld [tilespmem:s8+$0xB0];
	v20 =	vmul.f32 v18, v4  }
0x97: {  	v18 =	vld [tilespmem:s8+$0xFFFFFEC0];
	v21 =	vadd.f32 v21, v23;
	v22 =	vmul.f32 v24, v9;
	v19 =	vadd.f32 v25, v19;
	s8 =	sadd.s32 $0x280, s8  }
0x98: {  	_ =	sdelay $0x1  }
0x99: {  	v3 =	vmul.f32 v13, v5;
	v4 =	vmul.f32 v14, v6  }
0x9a: {  	v5 =	vmul.f32 v16, v7;
	v6 =	vmul.f32 v17, v8  }
0x9b: {  	v7 =	vadd.f32 v22, v20;
	v2 =	vmul.f32 v18, v2  }
0x9c: {  	v3 =	vadd.f32 v4, v3;
	v4 =	vadd.f32 v6, v5  }
0x9d: {  	v2 =	vadd.f32 v12, v2  }
0x9e: {  	v5 =	vadd.f32 v7, v19;
	v3 =	vadd.f32 v4, v3  }
0x9f: {  	s13 =	simm.s32 $0x7;
	v6 =	vadd.s32 s6, v1;
	v4 =	vadd.f32 v21, v15;
	v2 =	vadd.f32 v10, v2  }
0xa0: {  	v7 =	vadd.s32 s13, v1;
	s6 =	simm.s32 $0x5;
	v3 =	vadd.f32 v3, v5  }
0xa1: {  	s7 =	simm.s32 $0x0;
	v19 =	vadd.s32 s6, v1;
	[tilespmem:s5+$0x0] =	vst v4;
	v2 =	vadd.f32 v11, v2  }
0xa2: {  	s9 =	simm.s32 $0xB;
	v5 =	vadd.s32 s7, v1;
	[tilespmem:s5+$0x11] =	vst v3  }
0xa3: {  	s10 =	simm.s32 $0xE;
	v4 =	vadd.s32 s9, v1;
	[tilespmem:s5+$0xFFFFFFDE] =	vst v2  }
0xa4: {  	s11 =	simm.s32 $0x6;
	v3 =	vadd.s32 s10, v1;
	v8 =	vld.idx.msk [tilespmem:v6+s28+$0x0], $0xffff  }
0xa5: {  	s10 =	simm.s32 $0x9;
	v2 =	vadd.s32 s11, v1;
	v7 =	vld.idx.msk [tilespmem:v7+s28+$0x0], $0xffff  }
0xa6: {  	s17 =	simm.s32 $0x8;
	v9 =	vadd.s32 s10, v1;
	v19 =	vld.idx.msk [tilespmem:v19+s28+$0x0], $0xffff  }
0xa7: {  	s11 =	simm.s32 $0x4;
	v6 =	vadd.s32 s17, v1;
	v10 =	vld.idx.msk [tilespmem:v5+s28+$0x0], $0xffff  }
0xa8: {  	s7 =	simm.s32 $0x1;
	v13 =	vadd.s32 s11, v1;
	v11 =	vld.idx.msk [tilespmem:v4+s28+$0x0], $0xffff  }
0xa9: {  	s0 =	simm.s32 $0xD;
	v4 =	vadd.s32 s7, v1;
	v14 =	vld.idx.msk [tilespmem:v3+s28+$0x0], $0xffff  }
0xaa: {  	s8 =	simm.s32 $0x2;
	v5 =	vadd.s32 s0, v1;
	v12 =	vld.idx.msk [tilespmem:v2+s28+$0x0], $0xffff  }
0xab: {  	s9 =	simm.s32 $0x3;
	v3 =	vadd.s32 s8, v1;
	v20 =	vld.idx.msk [tilespmem:v9+s28+$0x0], $0xffff  }
0xac: {  	s10 =	simm.s32 $0x116;
	v2 =	vadd.s32 s9, v1;
	v6 =	vld.idx.msk [tilespmem:v6+s28+$0x0], $0xffff  }
0xad: {  	s13 =	simm.s32 $0xA;
	v24 =	vadd.s32 s10, v1;
	v21 =	vld.idx.msk [tilespmem:v13+s28+$0x0], $0xffff  }
0xae: {  	s17 =	simm.s32 $0x11F;
	v15 =	vld.idx.msk [tilespmem:v4+s28+$0x0], $0xffff;
	v4 =	vadd.s32 s13, v1  }
0xaf: {  	s0 =	simm.s32 $0xC;
	v16 =	vld.idx.msk [tilespmem:v5+s28+$0x0], $0xffff;
	v5 =	vadd.s32 s17, v1  }
0xb0: {  	s7 =	simm.s32 $0x110;
	v17 =	vld.idx.msk [tilespmem:v3+s28+$0x0], $0xffff;
	v3 =	vadd.s32 s0, v1  }
0xb1: {  	s8 =	simm.s32 $0x11B;
	v9 =	vadd.s32 s7, v1;
	v18 =	vld.idx.msk [tilespmem:v2+s28+$0x0], $0xffff  }
0xb2: {  	s9 =	simm.s32 $0x11E;
	v13 =	vadd.s32 s8, v1;
	v30 =	vadd.f32 v7, v12;
	v12 =	vld.idx.msk [tilespmem:v24+s28+$0x0], $0xffff  }
0xb3: {  	s11 =	simm.s32 $0x117;
	v23 =	vadd.s32 s9, v1;
	v22 =	vld.idx.msk [tilespmem:v4+s28+$0x0], $0xffff  }
0xb4: {  	v26 =	vadd.s32 s11, v1;
	s8 =	simm.s32 $0x11D;
	v2 =	vld.idx.msk [tilespmem:v5+s28+$0x0], $0xffff  }
0xb5: {  	s13 =	simm.s32 $0x118;
	v29 =	vadd.s32 s8, v1;
	s0 =	simm.s32 $0x111;
	v25 =	vld.idx.msk [tilespmem:v3+s28+$0x0], $0xffff  }
0xb6: {  	s10 =	simm.s32 $0x114;
	v27 =	vadd.s32 s13, v1;
	v28 =	vadd.s32 s0, v1;
	v4 =	vld.idx.msk [tilespmem:v9+s28+$0x0], $0xffff  }
0xb7: {  	s11 =	simm.s32 $0x115;
	v7 =	vadd.s32 s10, v1;
	v20 =	vadd.f32 v20, v6;
	v19 =	vadd.f32 v19, v21;
	v5 =	vld.idx.msk [tilespmem:v13+s28+$0x0], $0xffff  }
0xb8: {  	s7 =	simm.s32 $0x112;
	v6 =	vadd.s32 s11, v1;
	v31 =	vadd.f32 v15, v10;
	v15 =	vld.idx.msk [tilespmem:v23+s28+$0x0], $0xffff;
	v23 =	vadd.f32 v8, v14  }
0xb9: {  	s9 =	simm.s32 $0x113;
	v9 =	vadd.s32 s7, v1;
	v13 =	vld.idx.msk [tilespmem:v26+s28+$0x0], $0xffff;
	v19 =	vadd.f32 v30, v19;
	v17 =	vadd.f32 v18, v17  }
0xba: {  	s17 =	simm.s32 $0x11C;
	s13 =	simm.s32 $0x119;
	v10 =	vadd.s32 s9, v1;
	v8 =	vld.idx.msk [tilespmem:v29+s28+$0x0], $0xffff;
	v22 =	vadd.f32 v11, v22;
	v16 =	vadd.f32 v16, v25  }
0xbb: {  	v3 =	vadd.s32 s17, v1;
	s17 =	simm.s32 $0x11A;
	v18 =	vadd.s32 s13, v1;
	v11 =	vld.idx.msk [tilespmem:v27+s28+$0x0], $0xffff;
	v14 =	vadd.f32 v17, v31  }
0xbc: {  	s6 =	simm.s32 $0x22F;
	s5 =	simm.s32 $0x17590;
	v17 =	vadd.s32 s17, v1;
	v20 =	vadd.f32 v22, v20;
	v21 =	vadd.f32 v23, v16;
	v16 =	vld.idx.msk [tilespmem:v28+s28+$0x0], $0xffff  }
.LBB2_5:
0xbd: {  	s7 =	sadd.s32 $0xFFFFFFF1, s6  }
0xbe: {  	s8 =	sadd.s32 $0xFFFFFFF7, s6;
	s9 =	sadd.s32 $0xFFFFFFFD, s6;
	v22 =	vadd.s32 s6, v1;
	v23 =	vld.idx.msk [tilespmem:v9+s28+$0x0], $0xffff;
	v20 =	vadd.f32 v21, v20;
	v21 =	vmov v15;
	s10 =	smov.u32 s6  }
0xbf: {  	s11 =	sadd.s32 $0xFFFFFFF8, s6;
	v15 =	vadd.s32 s7, v1;
	s7 =	sadd.s32 $0xFFFFFFF2, s6;
	v24 =	vadd.s32 s9, v1;
	s9 =	sadd.s32 $0xFFFFFFFF, s6;
	v25 =	vld.idx.msk [tilespmem:v10+s28+$0x0], $0xffff;
	v10 =	vadd.f32 v19, v14  }
0xc0: {  	s13 =	sadd.s32 $0xFFFFFFFE, s6;
	v26 =	vadd.s32 s11, v1;
	s11 =	sadd.s32 $0xFFFFFFFC, s6;
	v19 =	vadd.s32 s7, v1;
	s7 =	sadd.s32 $0xFFFFFFF3, s6;
	v27 =	vadd.s32 s9, v1;
	v14 =	vld.idx.msk [tilespmem:v18+s28+$0x0], $0xffff  }
0xc1: {  	s17 =	sadd.s32 $0xFFFFFFFB, s6;
	v28 =	vadd.s32 s13, v1;
	s9 =	sadd.s32 $0xFFFFFFF9, s6;
	v9 =	vadd.s32 s7, v1;
	s7 =	sadd.s32 $0xFFFFFFF4, s6;
	v29 =	vld.idx.msk [tilespmem:v7+s28+$0x0], $0xffff;
	v18 =	vadd.f32 v20, v10  }
0xc2: {  	v30 =	vadd.s32 s11, v1;
	s11 =	sadd.s32 $0x110, s6;
	v20 =	vadd.s32 s9, v1;
	s9 =	sadd.s32 $0xFFFFFFFA, s10;
	v10 =	vadd.s32 s7, v1;
	s7 =	sadd.s32 $0xFFFFFFF5, s10;
	v17 =	vld.idx.msk [tilespmem:v17+s28+$0x0], $0xffff  }
0xc3: {  	p1 =	sne.s32 s6, $0x33F;
	v31 =	vadd.s32 s8, v1;
	v32 =	vadd.f32 v13, v12;
	v7 =	vadd.s32 s7, v1;
	s7 =	sadd.s32 $0xFFFFFFF6, s10;
	v22 =	vld.idx.msk [tilespmem:v22+s28+$0x0], $0xffff;
	[tilespmem:s16+$0x0] =	vst v18;
	s16 =	smov.u32 s5  }
0xc4: {  	v13 =	vadd.f32 v16, v4;
	v12 =	vadd.s32 s7, v1;
	v18 =	vld.idx.msk [tilespmem:v3+s28+$0x0], $0xffff;
	v3 =	vmov v24  }
0xc5: {  	v23 =	vadd.f32 v25, v23;
	v16 =	vld.idx.msk [tilespmem:v6+s28+$0x0], $0xffff;
	v6 =	vmov v12  }
0xc6: {  	v24 =	vadd.f32 v14, v11;
	v4 =	vld.idx.msk [tilespmem:v15+s28+$0x0], $0xffff  }
0xc7: {  	v14 =	vadd.f32 v23, v13;
	v25 =	vld.idx.msk [tilespmem:v30+s28+$0x0], $0xffff  }
0xc8: {  	v5 =	vadd.f32 v5, v17;
	v15 =	vld.idx.msk [tilespmem:v27+s28+$0x0], $0xffff  }
.Ltmp1:
0xc9: {  	v12 =	vld.idx.msk [tilespmem:v31+s28+$0x0], $0xffff;
	(pc) =	sbr.rel @p1 .LBB2_5-.Ltmp1, $4  }
0xca: {  	v21 =	vadd.f32 v2, v21;
	v2 =	vmov v22;
	v17 =	vadd.f32 v8, v18;
	v13 =	vld.idx.msk [tilespmem:v26+s28+$0x0], $0xffff  }
0xcb: {  	v18 =	vadd.s32 s9, v1;
	v22 =	vadd.f32 v16, v29;
	v11 =	vld.idx.msk [tilespmem:v20+s28+$0x0], $0xffff  }
0xcc: {  	v20 =	vadd.f32 v5, v24;
	v21 =	vadd.f32 v21, v17;
	v8 =	vld.idx.msk [tilespmem:v28+s28+$0x0], $0xffff  }
0xcd: {  	s6 =	smov.u32 s11;
	s5 =	sadd.s32 $0x10, s5;
	v17 =	vadd.s32 s17, v1;
	v5 =	vmov v25;
	v16 =	vld.idx.msk [tilespmem:v19+s28+$0x0], $0xffff;
	v19 =	vadd.f32 v32, v22  }
0xce: {  	_ =	sdelay $0x3  }
0xcf: {  	v9 =	vld.idx.msk [tilespmem:v9+s28+$0x0], $0xffff  }
0xd0: {  	v10 =	vld.idx.msk [tilespmem:v10+s28+$0x0], $0xffff  }
0xd1: {  	v18 =	vld.idx.msk [tilespmem:v18+s28+$0x0], $0xffff  }
0xd2: {  	v7 =	vld.idx.msk [tilespmem:v7+s28+$0x0], $0xffff  }
0xd3: {  	v17 =	vld.idx.msk [tilespmem:v17+s28+$0x0], $0xffff  }
0xd4: {  	v3 =	vld.idx.msk [tilespmem:v3+s28+$0x0], $0xffff  }
0xd5: {  	v6 =	vld.idx.msk [tilespmem:v6+s28+$0x0], $0xffff;
	_ =	sdelay $0x1  }
0xd6: {  	v2 =	vadd.f32 v2, v15;
	v12 =	vadd.f32 v13, v12  }
0xd7: {  	v4 =	vadd.f32 v16, v4;
	v9 =	vadd.f32 v10, v9  }
0xd8: {  	v10 =	vadd.f32 v18, v11;
	v5 =	vadd.f32 v5, v17  }
0xd9: {  	v3 =	vadd.f32 v8, v3;
	v6 =	vadd.f32 v6, v7  }
0xda: {  	v4 =	vadd.f32 v9, v4;
	v5 =	vadd.f32 v5, v10  }
0xdb: {  	v2 =	vadd.f32 v2, v3;
	v3 =	vadd.f32 v12, v6  }
0xdc: {  	v7 =	vadd.f32 v19, v14;
	v6 =	vadd.f32 v21, v20  }
0xdd: {  	v2 =	vadd.f32 v2, v5;
	v3 =	vadd.f32 v3, v4  }
0xde: {  	v4 =	vadd.f32 v6, v7  }
0xdf: {  	v2 =	vadd.f32 v2, v3  }
0xe0: {  	[tilespmem:s16+$0x0] =	vst v4  }
0xe1: {  	s7 =	simm.s32 $0xC240;
	[tilespmem:s5+$0x0] =	vst v2  }
0xe2: {  	v4 =	vld [tilespmem:s7+$0xC0]  }
0xe3: {  	v5 =	vld [tilespmem:s7+$0xD0]  }
0xe4: {  	v7 =	vld [tilespmem:s7+$0xE0]  }
0xe5: {  	v8 =	vld [tilespmem:s7+$0xF0]  }
0xe6: {  	v9 =	vld [tilespmem:s7+$0x100]  }
0xe7: {  	s5 =	simm.s32 $0x17582;
	v10 =	vld [tilespmem:s7+$0x110]  }
0xe8: {  	v2 =	vld.msk [tilespmem:s5+$0x2 ss:$0x0], $0xffff  }
0xe9: {  	v11 =	vld [tilespmem:s7+$0x40]  }
0xea: {  	v12 =	vld [tilespmem:s7+$0x50]  }
0xeb: {  	v13 =	vld [tilespmem:s7+$0x60]  }
0xec: {  	v14 =	vld [tilespmem:s7+$0x70]  }
0xed: {  	v15 =	vld [tilespmem:s7+$0x80]  }
0xee: {  	v16 =	vld [tilespmem:s7+$0x90]  }
0xef: {  	v3 =	vld.msk [tilespmem:s5+$0x1 ss:$0x0], $0xffff  }
0xf0: {  	v17 =	vld [tilespmem:s7+$0xFFFFFFC0]  }
0xf1: {  	v18 =	vld [tilespmem:s7+$0xFFFFFFD0]  }
0xf2: {  	v19 =	vld [tilespmem:s7+$0xFFFFFFE0]  }
0xf3: {  	v20 =	vld [tilespmem:s7+$0xFFFFFFF0]  }
0xf4: {  	v6 =	vld.msk [tilespmem:s5+$0x0 ss:$0x0], $0xffff  }
0xf5: {  	v21 =	vld [tilespmem:s7+$0xFFFFFF40]  }
0xf6: {  	v22 =	vld [tilespmem:s7+$0xFFFFFF50]  }
0xf7: {  	v24 =	vld.msk [tilespmem:s5+$0xFFFFFFFF ss:$0x0], $0xffff;
	v23 =	vmul.f32 v4, v2  }
0xf8: {  	v26 =	vld [tilespmem:s7+$0xFFFFFEC0];
	v25 =	vmul.f32 v5, v2;
	v27 =	vmul.f32 v7, v2  }
0xf9: {  	v29 =	vld [tilespmem:s7+$0xFFFFFED0];
	v28 =	vmul.f32 v8, v2;
	v5 =	vmul.f32 v9, v2  }
0xfa: {  	v4 =	vmul.f32 v10, v2;
	v9 =	vld.msk [tilespmem:s5+$0xFFFFFFFE ss:$0x0], $0xffff;
	v10 =	vmul.f32 v11, v3  }
0xfb: {  	v11 =	vmul.f32 v12, v3;
	v12 =	vld [tilespmem:s7+$0xFFFFFEE0];
	v13 =	vmul.f32 v13, v3  }
0xfc: {  	v30 =	vld [tilespmem:s7+$0xFFFFFEF0];
	v14 =	vmul.f32 v14, v3;
	v8 =	vmul.f32 v15, v3  }
0xfd: {  	v7 =	vmul.f32 v16, v3;
	v15 =	vld [tilespmem:s7+$0xFFFFFF60];
	v16 =	vmul.f32 v17, v6  }
0xfe: {  	v31 =	vmul.f32 v18, v6;
	v17 =	vld [tilespmem:s7+$0xFFFFFF70];
	v18 =	vmul.f32 v21, v24  }
0xff: {  	v32 =	vld [tilespmem:s7+$0x10];
	v21 =	vmul.f32 v22, v24;
	v26 =	vmul.f32 v26, v9  }
0x100: {  	v33 =	vimm.f32 $0.0e+00;
	v22 =	vld [tilespmem:s7+$0x0];
	v29 =	vmul.f32 v29, v9;
	v12 =	vmul.f32 v12, v9  }
0x101: {  	v34 =	vld [tilespmem:s7+$0xFFFFFF80];
	v19 =	vmul.f32 v19, v6;
	v30 =	vmul.f32 v30, v9;
	v26 =	vadd.f32 v26, v33  }
0x102: {  	v35 =	vld [tilespmem:s7+$0xFFFFFF90];
	v15 =	vmul.f32 v15, v24;
	v29 =	vadd.f32 v29, v33;
	v12 =	vadd.f32 v12, v33  }
0x103: {  	v36 =	vld [tilespmem:s7+$0xFFFFFF00];
	v37 =	vmul.f32 v17, v24;
	v30 =	vadd.f32 v30, v33;
	v26 =	vadd.f32 v18, v26  }
0x104: {  	v38 =	vld [tilespmem:s7+$0xFFFFFF10];
	v20 =	vmul.f32 v20, v6;
	v21 =	vadd.f32 v21, v29;
	v12 =	vadd.f32 v15, v12  }
0x105: {  	v17 =	vmul.f32 v22, v6;
	v22 =	vld [tilespmem:s7+$0xFFFFFF20];
	v15 =	vadd.f32 v37, v30;
	v16 =	vadd.f32 v16, v26  }
0x106: {  	v58 =	vld [tilespmem:s7+$0xFFFFFF30];
	v59 =	vmul.f32 v34, v24;
	v21 =	vadd.f32 v31, v21;
	v12 =	vadd.f32 v19, v12  }
0x107: {  	v62 =	vld [tilespmem:s7+$0xFFFFFFB0];
	v60 =	vmul.f32 v35, v24;
	v15 =	vadd.f32 v20, v15;
	v10 =	vadd.f32 v10, v16  }
0x108: {  	v61 =	vmul.f32 v36, v9;
	v26 =	vld [tilespmem:s7+$0xFFFFFFA0];
	v11 =	vadd.f32 v11, v21;
	v13 =	vadd.f32 v13, v12  }
0x109: {  	v63 =	vld [tilespmem:s7+$0x20];
	v16 =	vmul.f32 v38, v9;
	v14 =	vadd.f32 v14, v15;
	v12 =	vadd.f32 v23, v10  }
0x10a: {  	v19 =	vld [tilespmem:s7+$0x30];
	v15 =	vmul.f32 v22, v9;
	v11 =	vadd.f32 v25, v11;
	v10 =	vadd.f32 v27, v13  }
0x10b: {  	v20 =	vld [tilespmem:s7+$0xA0];
	v22 =	vmul.f32 v58, v9;
	v9 =	vadd.f32 v28, v14;
	v25 =	vadd.f32 v61, v33  }
0x10c: {  	v18 =	vmul.f32 v32, v6;
	v16 =	vadd.f32 v16, v33;
	v13 =	vld [tilespmem:s7+$0xB0];
	v23 =	vadd.f32 v15, v33  }
0x10d: {  	v22 =	vadd.f32 v22, v33;
	v14 =	vld [tilespmem:s7+$0x120];
	v21 =	vmul.f32 v26, v24;
	v24 =	vmul.f32 v62, v24  }
0x10e: {  	s6 =	simm.s32 $0x0;
	v15 =	vld [tilespmem:s7+$0x130];
	s7 =	simm.s32 $0xC4C0;
	v26 =	vadd.f32 v59, v25;
	v25 =	vadd.f32 v60, v16;
	v16 =	vmul.f32 v63, v6  }
.LBB2_7:
0x10f: {  	v27 =	vld [tilespmem:s7+$0xC0];
	v21 =	vadd.f32 v21, v23;
	v22 =	vadd.f32 v24, v22;
	v6 =	vmul.f32 v19, v6  }
0x110: {  	v19 =	vld [tilespmem:s7+$0xD0];
	v17 =	vadd.f32 v17, v26;
	v18 =	vadd.f32 v18, v25;
	v20 =	vmul.f32 v20, v3  }
0x111: {  	v23 =	vld [tilespmem:s7+$0xE0];
	v16 =	vadd.f32 v16, v21;
	v6 =	vadd.f32 v6, v22;
	v3 =	vmul.f32 v13, v3  }
0x112: {  	v21 =	vld [tilespmem:s7+$0xF0];
	v8 =	vadd.f32 v8, v17;
	v7 =	vadd.f32 v7, v18;
	v17 =	vmul.f32 v14, v2  }
0x113: {  	v18 =	vld [tilespmem:s7+$0x100];
	v16 =	vadd.f32 v20, v16;
	v3 =	vadd.f32 v3, v6;
	v6 =	vmul.f32 v15, v2  }
0x114: {  	s5 =	sadd.s32 $0x5, s5;
	v20 =	vld [tilespmem:s7+$0x110];
	v13 =	vadd.f32 v5, v8;
	v14 =	vadd.f32 v4, v7  }
0x115: {  	v2 =	vld.msk [tilespmem:s5+$0x2 ss:$0x0], $0xffff;
	v15 =	vadd.f32 v17, v16;
	v16 =	vadd.f32 v6, v3  }
0x116: {  	v7 =	vld [tilespmem:s7+$0x40]  }
0x117: {  	v8 =	vld [tilespmem:s7+$0x50]  }
0x118: {  	v17 =	vld [tilespmem:s7+$0x60]  }
0x119: {  	v22 =	vld [tilespmem:s7+$0x70]  }
0x11a: {  	v24 =	vld [tilespmem:s7+$0x80]  }
0x11b: {  	v25 =	vld [tilespmem:s7+$0x90]  }
0x11c: {  	v3 =	vld.msk [tilespmem:s5+$0x1 ss:$0x0], $0xffff  }
0x11d: {  	v26 =	vld [tilespmem:s7+$0xFFFFFFC0]  }
0x11e: {  	v28 =	vld [tilespmem:s7+$0xFFFFFFD0]  }
0x11f: {  	v29 =	vld [tilespmem:s7+$0xFFFFFFE0]  }
0x120: {  	v30 =	vld [tilespmem:s7+$0xFFFFFFF0]  }
0x121: {  	v6 =	vld.msk [tilespmem:s5+$0x0 ss:$0x0], $0xffff  }
0x122: {  	v31 =	vld [tilespmem:s7+$0xFFFFFF40]  }
0x123: {  	v32 =	vld [tilespmem:s7+$0xFFFFFF50]  }
0x124: {  	v27 =	vmul.f32 v27, v2;
	v34 =	vmul.f32 v19, v2;
	v33 =	vld.msk [tilespmem:s5+$0xFFFFFFFF ss:$0x0], $0xffff  }
0x125: {  	v23 =	vmul.f32 v23, v2;
	v21 =	vmul.f32 v21, v2;
	v19 =	vld [tilespmem:s7+$0xFFFFFEC0]  }
0x126: {  	v5 =	vmul.f32 v18, v2;
	v4 =	vmul.f32 v20, v2;
	v35 =	vld [tilespmem:s7+$0xFFFFFED0]  }
0x127: {  	v36 =	vmul.f32 v7, v3;
	v37 =	vmul.f32 v8, v3;
	v20 =	vld.msk [tilespmem:s5+$0xFFFFFFFE ss:$0x0], $0xffff  }
0x128: {  	v38 =	vmul.f32 v17, v3;
	v22 =	vmul.f32 v22, v3;
	v18 =	vld [tilespmem:s7+$0xFFFFFEE0]  }
0x129: {  	v8 =	vmul.f32 v24, v3;
	v7 =	vmul.f32 v25, v3;
	v17 =	vld [tilespmem:s7+$0xFFFFFEF0]  }
0x12a: {  	v25 =	vmul.f32 v26, v6;
	v26 =	vmul.f32 v28, v6;
	v24 =	vld [tilespmem:s7+$0xFFFFFF60]  }
0x12b: {  	v29 =	vmul.f32 v29, v6;
	v30 =	vmul.f32 v30, v6;
	v28 =	vld [tilespmem:s7+$0xFFFFFF70]  }
0x12c: {  	v31 =	vmul.f32 v31, v33;
	v32 =	vmul.f32 v32, v33;
	v39 =	vld [tilespmem:s7+$0x0]  }
0x12d: {  	v19 =	vmul.f32 v19, v20;
	v35 =	vmul.f32 v35, v20;
	v40 =	vld [tilespmem:s7+$0x10]  }
0x12e: {  	v18 =	vmul.f32 v18, v20;
	v17 =	vmul.f32 v17, v20;
	v41 =	vld [tilespmem:s7+$0xFFFFFF80]  }
0x12f: {  	v12 =	vadd.f32 v19, v12;
	v11 =	vadd.f32 v35, v11;
	v19 =	vld [tilespmem:s7+$0xFFFFFF90];
	v24 =	vmul.f32 v24, v33  }
0x130: {  	v10 =	vadd.f32 v18, v10;
	v35 =	vld [tilespmem:s7+$0xFFFFFF00];
	v9 =	vadd.f32 v17, v9;
	v18 =	vmul.f32 v28, v33  }
0x131: {  	v12 =	vadd.f32 v31, v12;
	v11 =	vadd.f32 v32, v11;
	v28 =	vld [tilespmem:s7+$0xFFFFFF10];
	v17 =	vmul.f32 v39, v6  }
0x132: {  	s6 =	sadd.s32 $0x5, s6;
	v10 =	vadd.f32 v24, v10;
	v31 =	vld [tilespmem:s7+$0xFFFFFF20];
	v9 =	vadd.f32 v18, v9;
	v18 =	vmul.f32 v40, v6  }
0x133: {  	p1 =	slt.u32 s6, $0x2D;
	v12 =	vadd.f32 v25, v12;
	v11 =	vadd.f32 v26, v11;
	v24 =	vld [tilespmem:s7+$0xFFFFFF30];
	v32 =	vmul.f32 v41, v33  }
0x134: {  	v10 =	vadd.f32 v29, v10;
	v25 =	vld [tilespmem:s7+$0xFFFFFFA0];
	v39 =	vmul.f32 v19, v33;
	v9 =	vadd.f32 v30, v9  }
0x135: {  	v12 =	vadd.f32 v36, v12;
	v11 =	vadd.f32 v37, v11;
	v26 =	vmul.f32 v35, v20;
	v29 =	vld [tilespmem:s7+$0xFFFFFFB0]  }
0x136: {  	v10 =	vadd.f32 v38, v10;
	v28 =	vmul.f32 v28, v20;
	v30 =	vld [tilespmem:s7+$0x20];
	v9 =	vadd.f32 v22, v9  }
.Ltmp2:
0x137: {  	v12 =	vadd.f32 v27, v12;
	v11 =	vadd.f32 v34, v11;
	v22 =	vmul.f32 v31, v20;
	v19 =	vld [tilespmem:s7+$0x30];
	(pc) =	sbr.rel @p1 .LBB2_7-.Ltmp2, $4  }
0x138: {  	v10 =	vadd.f32 v23, v10;
	v24 =	vmul.f32 v24, v20;
	v20 =	vld [tilespmem:s7+$0xA0];
	v9 =	vadd.f32 v21, v9  }
0x139: {  	v26 =	vadd.f32 v26, v13;
	v27 =	vadd.f32 v28, v14;
	v21 =	vmul.f32 v25, v33;
	v13 =	vld [tilespmem:s7+$0xB0]  }
0x13a: {  	v23 =	vadd.f32 v22, v15;
	v22 =	vadd.f32 v24, v16;
	v24 =	vmul.f32 v29, v33;
	v14 =	vld [tilespmem:s7+$0x120]  }
0x13b: {  	v26 =	vadd.f32 v32, v26;
	v25 =	vadd.f32 v39, v27;
	v16 =	vmul.f32 v30, v6;
	v15 =	vld [tilespmem:s7+$0x130];
	s7 =	sadd.s32 $0x280, s7  }
0x13c: {  	_ = 	snop  }
0x13d: {  	v21 =	vadd.f32 v21, v23;
	v17 =	vadd.f32 v17, v26  }
0x13e: {  	v22 =	vadd.f32 v24, v22;
	v6 =	vmul.f32 v19, v6;
	v18 =	vadd.f32 v18, v25  }
0x13f: {  	[tilespmem:s20+$0x13100] =	vst v12;
	v19 =	vmul.f32 v20, v3;
	v16 =	vadd.f32 v16, v21;
	v8 =	vadd.f32 v8, v17  }
0x140: {  	[tilespmem:s1+$0x13100] =	vst v11;
	v6 =	vadd.f32 v6, v22;
	v3 =	vmul.f32 v13, v3;
	v7 =	vadd.f32 v7, v18  }
0x141: {  	[tilespmem:s25+$0x13100] =	vst v10;
	v11 =	vmul.f32 v14, v2;
	v12 =	vadd.f32 v19, v16;
	v5 =	vadd.f32 v5, v8  }
0x142: {  	[tilespmem:s22+$0x13100] =	vst v9;
	v3 =	vadd.f32 v3, v6;
	v2 =	vmul.f32 v15, v2;
	v4 =	vadd.f32 v4, v7  }
0x143: {  	v6 =	vadd.f32 v11, v12;
	[tilespmem:s24+$0x13100] =	vst v5  }
0x144: {  	v2 =	vadd.f32 v2, v3;
	[tilespmem:s23+$0x13100] =	vst v4  }
0x145: {  	[tilespmem:s14+$0x13100] =	vst v6  }
0x146: {  	[tilespmem:s15+$0x13100] =	vst v2  }
0x147: {  	_ =	swait.ge [sflag:s29], $0x1900  }
0x148: {  	s5 =	simm.s32 @!p0 $0x32;
	[sflag:s29] =	ssyncset.done $0x0  }
0x149: {  	s6 =	simm.s32 @!p0 $0xDD00;
	s1 =	sadd.s32 @!p0 $0x380, s21;
	[sflag:s29] =	ssyncadd.s32 $0xFFFFE700  }
0x14a: {  	[tilespmem:s6], [sflag:$0x4] =	stream.indirect.gather @!p0 [hbm4b:s3+s5], $0x80, s1, s5, $0xb8;
	[tilespmem:$0x17600] =	vst v63  }
0x14b: {  	v2 =	vld [tilespmem:s20+$0x8180]  }
0x14c: {  	v3 =	vld [tilespmem:s20+$0x8190]  }
0x14d: {  	v4 =	vld [tilespmem:s20+$0x81A0]  }
0x14e: {  	v9 =	vld [tilespmem:s20+$0x81B0]  }
0x14f: {  	v5 =	vld [tilespmem:s20+$0x81C0]  }
0x150: {  	v6 =	vld [tilespmem:s20+$0x81D0]  }
0x151: {  	v7 =	vld [tilespmem:s20+$0x81E0]  }
0x152: {  	s17 =	simm.s32 $0xDE40;
	v8 =	vld [tilespmem:s20+$0x81F0]  }
0x153: {  	v10 =	vld [tilespmem:s17+$0xC0]  }
0x154: {  	v11 =	vld [tilespmem:s17+$0xD0]  }
0x155: {  	v12 =	vld [tilespmem:s17+$0xE0]  }
0x156: {  	v13 =	vld [tilespmem:s17+$0xF0]  }
0x157: {  	v14 =	vld [tilespmem:s17+$0x100]  }
0x158: {  	v15 =	vld [tilespmem:s17+$0x110]  }
0x159: {  	v16 =	vld [tilespmem:s17+$0x120]  }
0x15a: {  	v17 =	vld [tilespmem:s17+$0x130]  }
0x15b: {  	v18 =	vld [tilespmem:s17+$0xFFFFFED0]  }
0x15c: {  	v19 =	vld [tilespmem:s17+$0xFFFFFEE0]  }
0x15d: {  	v20 =	vld [tilespmem:s17+$0xFFFFFEF0]  }
0x15e: {  	v21 =	vld [tilespmem:s17+$0xFFFFFF00]  }
0x15f: {  	v22 =	vld [tilespmem:s17+$0xFFFFFF10]  }
0x160: {  	v23 =	vld [tilespmem:s17+$0xFFFFFF20]  }
0x161: {  	v48 =	vld [tilespmem:s17+$0xFFFFFF30]  }
0x162: {  	v49 =	vld [tilespmem:s17+$0xFFFFFF40]  }
0x163: {  	v28 =	vld [tilespmem:s17+$0xFFFFFF70]  }
0x164: {  	v30 =	vld [tilespmem:s17+$0xFFFFFF90];
	v10 =	vmul.f32 v10, v2  }
0x165: {  	v50 =	vld [tilespmem:s17+$0xFFFFFF50];
	v11 =	vmul.f32 v11, v3;
	v12 =	vmul.f32 v12, v4  }
0x166: {  	v27 =	vld [tilespmem:s17+$0xFFFFFF60];
	v13 =	vmul.f32 v13, v9;
	v14 =	vmul.f32 v14, v5  }
0x167: {  	v29 =	vld [tilespmem:s17+$0xFFFFFF80];
	v15 =	vmul.f32 v15, v6;
	v16 =	vmul.f32 v16, v7  }
0x168: {  	v51 =	vld [tilespmem:s17+$0xFFFFFFE0];
	v17 =	vmul.f32 v17, v8;
	v53 =	vmul.f32 v28, v9  }
0x169: {  	v52 =	vld [tilespmem:s17+$0xFFFFFFF0];
	v55 =	vmul.f32 v30, v6;
	v10 =	vadd.f32 v11, v10;
	v12 =	vadd.f32 v13, v12  }
0x16a: {  	v11 =	vld [tilespmem:s17+$0xFFFFFFA0];
	v13 =	vadd.f32 v15, v14;
	v15 =	vmul.f32 v19, v4;
	v16 =	vadd.f32 v17, v16  }
0x16b: {  	v14 =	vld [tilespmem:s17+$0xFFFFFFB0];
	v17 =	vmul.f32 v20, v9;
	v20 =	vmul.f32 v21, v5  }
0x16c: {  	v54 =	vld [tilespmem:s17+$0x0];
	v21 =	vmul.f32 v22, v6;
	v12 =	vadd.f32 v12, v10;
	v13 =	vadd.f32 v16, v13  }
0x16d: {  	v19 =	vld [tilespmem:s17+$0xFFFFFFC0];
	v16 =	vmul.f32 v23, v7;
	v23 =	vmul.f32 v48, v8;
	v10 =	vadd.f32 v17, v15  }
0x16e: {  	v22 =	vld [tilespmem:s17+$0xFFFFFFD0];
	v15 =	vmul.f32 v49, v2;
	v17 =	vmul.f32 v50, v3;
	v20 =	vadd.f32 v21, v20  }
0x16f: {  	v56 =	vld [tilespmem:s17+$0x10];
	v21 =	vmul.f32 v29, v5;
	v12 =	vadd.f32 v13, v12;
	v13 =	vmul.f32 v27, v4  }
0x170: {  	v23 =	vadd.f32 v23, v16;
	v16 =	vld [tilespmem:s17+$0x20];
	v11 =	vmul.f32 v11, v7;
	v14 =	vmul.f32 v14, v8  }
0x171: {  	v15 =	vadd.f32 v17, v15;
	v17 =	vld [tilespmem:s17+$0x30];
	v13 =	vadd.f32 v53, v13  }
0x172: {  	v57 =	vld [tilespmem:s17+$0x40];
	v21 =	vadd.f32 v55, v21;
	v11 =	vadd.f32 v14, v11  }
0x173: {  	v14 =	vmul.f32 v19, v2;
	v19 =	vld [tilespmem:s17+$0x50];
	v13 =	vadd.f32 v13, v15;
	v15 =	vmul.f32 v22, v3  }
0x174: {  	v58 =	vld [tilespmem:s17+$0x60];
	v59 =	vmul.f32 v56, v6;
	v22 =	vmul.f32 v51, v4;
	v11 =	vadd.f32 v11, v21  }
0x175: {  	v60 =	vld [tilespmem:s17+$0x70];
	v21 =	vmul.f32 v52, v9;
	v15 =	vadd.f32 v15, v14;
	v14 =	vmul.f32 v54, v5  }
0x176: {  	v16 =	vmul.f32 v16, v7;
	v17 =	vmul.f32 v17, v8;
	v61 =	vadd.f32 v11, v13;
	v13 =	vld [tilespmem:s17+$0x80]  }
0x177: {  	s16 =	sor.u32 $0xF0, s20;
	s6 =	simm.s32 $0x17122;
	v62 =	vmul.f32 v57, v2;
	v21 =	vadd.f32 v21, v22;
	v22 =	vadd.f32 v59, v14;
	v14 =	vld [tilespmem:s17+$0x90]  }
0x178: {  	s7 =	simm.s32 $0x0;
	s8 =	simm.s32 $0xE0C0;
	s25 =	sor.u32 $0xD0, s20;
	[tilespmem:s6+$0x22] =	vst v12;
	v12 =	vadd.f32 v23, v20;
	v63 =	vadd.f32 v17, v16;
	v16 =	vld [tilespmem:s17+$0xA0];
	v19 =	vmul.f32 v19, v3  }
0x179: {  	s22 =	sor.u32 $0xB0, s20;
	s24 =	sor.u32 $0xA0, s20;
	s23 =	sor.u32 $0x90, s20;
	v20 =	vmul.f32 v58, v4;
	v11 =	vmul.f32 v18, v3;
	v17 =	vld [tilespmem:s17+$0xB0];
	v15 =	vadd.f32 v21, v15  }
0x17a: {  	s14 =	sor.u32 $0xC0, s20;
	s15 =	sor.u32 $0x80, s20;
	s1 =	sor.u32 $0xE0, s20;
	v18 =	vld [tilespmem:s17+$0xFFFFFEC0];
	[tilespmem:s6+$0xFFFFFFEF] =	vst v61;
	v21 =	vadd.f32 v63, v22;
	v22 =	vmul.f32 v60, v9;
	v19 =	vadd.f32 v19, v62  }
.LBB2_9:
0x17b: {  	v23 =	vld [tilespmem:s8+$0xC0];
	v13 =	vmul.f32 v13, v5  }
0x17c: {  	v24 =	vld [tilespmem:s8+$0xD0];
	v15 =	vadd.f32 v21, v15;
	v14 =	vmul.f32 v14, v6;
	v20 =	vadd.f32 v22, v20  }
0x17d: {  	v21 =	vld [tilespmem:s8+$0xE0];
	v16 =	vmul.f32 v16, v7  }
0x17e: {  	v22 =	vld [tilespmem:s8+$0xF0];
	[tilespmem:s6+$0x0] =	vst v15;
	v15 =	vmul.f32 v17, v8;
	v13 =	vadd.f32 v14, v13;
	v14 =	vadd.f32 v20, v19  }
0x17f: {  	v17 =	vld [tilespmem:s8+$0x100];
	v18 =	vmul.f32 v18, v2  }
0x180: {  	v19 =	vld [tilespmem:s8+$0x110];
	v15 =	vadd.f32 v15, v16  }
0x181: {  	v16 =	vld [tilespmem:s8+$0x120];
	v11 =	vadd.f32 v11, v18  }
0x182: {  	s7 =	sadd.s32 $0x5, s7;
	v18 =	vld [tilespmem:s8+$0x130];
	v13 =	vadd.f32 v15, v13  }
0x183: {  	p1 =	slt.u32 s7, $0x2D;
	v15 =	vld [tilespmem:s8+$0xFFFFFED0];
	v10 =	vadd.f32 v10, v11  }
0x184: {  	v23 =	vmul.f32 v23, v2;
	v24 =	vmul.f32 v24, v3;
	v20 =	vld [tilespmem:s8+$0xFFFFFEE0];
	v11 =	vadd.f32 v13, v14  }
0x185: {  	v14 =	vmul.f32 v21, v4;
	v21 =	vmul.f32 v22, v9;
	v13 =	vld [tilespmem:s8+$0xFFFFFEF0];
	v10 =	vadd.f32 v12, v10  }
0x186: {  	v17 =	vmul.f32 v17, v5;
	v19 =	vmul.f32 v19, v6;
	v12 =	vld [tilespmem:s8+$0xFFFFFF00];
	[tilespmem:s6+$0x11] =	vst v11  }
0x187: {  	v16 =	vmul.f32 v16, v7;
	v22 =	vld [tilespmem:s8+$0xFFFFFF10];
	v18 =	vmul.f32 v18, v8;
	[tilespmem:s6+$0xFFFFFFDE] =	vst v10  }
0x188: {  	v14 =	vadd.f32 v21, v14;
	v10 =	vadd.f32 v24, v23;
	v25 =	vld [tilespmem:s8+$0xFFFFFF20];
	v11 =	vmul.f32 v15, v3  }
0x189: {  	v17 =	vadd.f32 v19, v17;
	v15 =	vld [tilespmem:s8+$0xFFFFFF30];
	v20 =	vmul.f32 v20, v4;
	v16 =	vadd.f32 v18, v16  }
0x18a: {  	v13 =	vmul.f32 v13, v9;
	v18 =	vld [tilespmem:s8+$0xFFFFFF40]  }
0x18b: {  	v14 =	vadd.f32 v14, v10;
	v12 =	vmul.f32 v12, v5;
	v19 =	vld [tilespmem:s8+$0xFFFFFF50];
	v16 =	vadd.f32 v16, v17  }
0x18c: {  	v17 =	vmul.f32 v22, v6;
	v10 =	vadd.f32 v13, v20;
	v13 =	vld [tilespmem:s8+$0xFFFFFF60]  }
0x18d: {  	v20 =	vmul.f32 v25, v7;
	v21 =	vld [tilespmem:s8+$0xFFFFFF70];
	v14 =	vadd.f32 v16, v14  }
0x18e: {  	s6 =	sadd.s32 $0x55, s6;
	v15 =	vmul.f32 v15, v8;
	v12 =	vadd.f32 v17, v12;
	v16 =	vld [tilespmem:s8+$0xFFFFFF80]  }
0x18f: {  	s9 =	simm.s32 $0xF;
	s5 =	simm.s32 $0x17580;
	v17 =	vld [tilespmem:s8+$0xFFFFFF90];
	v18 =	vmul.f32 v18, v2;
	[tilespmem:s6+$0x22] =	vst v14  }
0x190: {  	v14 =	vadd.f32 v15, v20;
	v15 =	vld [tilespmem:s8+$0xFFFFFFA0];
	v19 =	vmul.f32 v19, v3  }
0x191: {  	v20 =	vld [tilespmem:s8+$0xFFFFFFB0];
	v13 =	vmul.f32 v13, v4  }
0x192: {  	v12 =	vadd.f32 v14, v12;
	v14 =	vmul.f32 v21, v9;
	v18 =	vadd.f32 v19, v18;
	v19 =	vld [tilespmem:s8+$0xFFFFFFC0]  }
0x193: {  	v16 =	vmul.f32 v16, v5;
	v21 =	vld [tilespmem:s8+$0xFFFFFFD0]  }
0x194: {  	v17 =	vmul.f32 v17, v6;
	v13 =	vadd.f32 v14, v13;
	v14 =	vld [tilespmem:s8+$0xFFFFFFE0]  }
0x195: {  	v15 =	vmul.f32 v15, v7;
	v22 =	vld [tilespmem:s8+$0xFFFFFFF0]  }
0x196: {  	v20 =	vmul.f32 v20, v8;
	v16 =	vadd.f32 v17, v16;
	v13 =	vadd.f32 v13, v18;
	v17 =	vld [tilespmem:s8+$0x0]  }
0x197: {  	v18 =	vld [tilespmem:s8+$0x10];
	v19 =	vmul.f32 v19, v2  }
0x198: {  	v15 =	vadd.f32 v20, v15;
	v20 =	vld [tilespmem:s8+$0x20];
	v21 =	vmul.f32 v21, v3  }
0x199: {  	v23 =	vld [tilespmem:s8+$0x30];
	v14 =	vmul.f32 v14, v4  }
0x19a: {  	v15 =	vadd.f32 v15, v16;
	v16 =	vmul.f32 v22, v9;
	v19 =	vadd.f32 v21, v19;
	v21 =	vld [tilespmem:s8+$0x40]  }
0x19b: {  	v17 =	vmul.f32 v17, v5;
	v22 =	vld [tilespmem:s8+$0x50]  }
0x19c: {  	v13 =	vadd.f32 v15, v13;
	v15 =	vmul.f32 v18, v6;
	v14 =	vadd.f32 v16, v14;
	v18 =	vld [tilespmem:s8+$0x60]  }
0x19d: {  	v16 =	vmul.f32 v20, v7;
	v24 =	vld [tilespmem:s8+$0x70]  }
.Ltmp3:
0x19e: {  	[tilespmem:s6+$0xFFFFFFEF] =	vst v13;
	v20 =	vmul.f32 v23, v8;
	v23 =	vadd.f32 v15, v17;
	v15 =	vadd.f32 v14, v19;
	v13 =	vld [tilespmem:s8+$0x80];
	(pc) =	sbr.rel @p1 .LBB2_9-.Ltmp3, $4  }
0x19f: {  	v14 =	vld [tilespmem:s8+$0x90];
	v19 =	vmul.f32 v21, v2  }
0x1a0: {  	v21 =	vadd.f32 v20, v16;
	v16 =	vld [tilespmem:s8+$0xA0];
	v25 =	vmul.f32 v22, v3  }
0x1a1: {  	v17 =	vld [tilespmem:s8+$0xB0];
	v20 =	vmul.f32 v18, v4  }
0x1a2: {  	v18 =	vld [tilespmem:s8+$0xFFFFFEC0];
	v21 =	vadd.f32 v21, v23;
	v22 =	vmul.f32 v24, v9;
	v19 =	vadd.f32 v25, v19;
	s8 =	sadd.s32 $0x280, s8  }
0x1a3: {  	_ =	sdelay $0x1  }
0x1a4: {  	v3 =	vmul.f32 v13, v5;
	v4 =	vmul.f32 v14, v6  }
0x1a5: {  	v5 =	vmul.f32 v16, v7;
	v6 =	vmul.f32 v17, v8  }
0x1a6: {  	v7 =	vadd.f32 v22, v20;
	v2 =	vmul.f32 v18, v2  }
0x1a7: {  	v3 =	vadd.f32 v4, v3;
	v4 =	vadd.f32 v6, v5  }
0x1a8: {  	v2 =	vadd.f32 v11, v2  }
0x1a9: {  	v5 =	vadd.f32 v7, v19;
	v3 =	vadd.f32 v4, v3  }
0x1aa: {  	s10 =	simm.s32 $0x7;
	v6 =	vadd.s32 s9, v1;
	v4 =	vadd.f32 v21, v15;
	v2 =	vadd.f32 v10, v2  }
0x1ab: {  	s7 =	simm.s32 $0x0;
	v7 =	vadd.s32 s10, v1;
	v3 =	vadd.f32 v3, v5  }
0x1ac: {  	s0 =	simm.s32 $0xB;
	v5 =	vadd.s32 s7, v1;
	[tilespmem:s6+$0x0] =	vst v4;
	v2 =	vadd.f32 v12, v2  }
0x1ad: {  	s8 =	simm.s32 $0xE;
	v4 =	vadd.s32 s0, v1;
	[tilespmem:s6+$0x11] =	vst v3  }
0x1ae: {  	s9 =	simm.s32 $0x6;
	v3 =	vadd.s32 s8, v1;
	[tilespmem:s6+$0xFFFFFFDE] =	vst v2  }
0x1af: {  	s8 =	simm.s32 $0x9;
	v2 =	vadd.s32 s9, v1;
	v8 =	vld.idx.msk [tilespmem:v6+s28+$0x0], $0xffff  }
0x1b0: {  	s11 =	simm.s32 $0x8;
	v9 =	vadd.s32 s8, v1;
	v7 =	vld.idx.msk [tilespmem:v7+s28+$0x0], $0xffff  }
0x1b1: {  	s9 =	simm.s32 $0x4;
	v6 =	vadd.s32 s11, v1;
	v10 =	vld.idx.msk [tilespmem:v5+s28+$0x0], $0xffff  }
0x1b2: {  	s13 =	simm.s32 $0xD;
	v13 =	vadd.s32 s9, v1;
	v11 =	vld.idx.msk [tilespmem:v4+s28+$0x0], $0xffff  }
0x1b3: {  	s17 =	simm.s32 $0x1;
	v5 =	vadd.s32 s13, v1;
	v14 =	vld.idx.msk [tilespmem:v3+s28+$0x0], $0xffff  }
0x1b4: {  	v4 =	vadd.s32 s17, v1;
	s17 =	simm.s32 $0x5;
	v12 =	vld.idx.msk [tilespmem:v2+s28+$0x0], $0xffff  }
0x1b5: {  	s0 =	simm.s32 $0x2;
	v19 =	vadd.s32 s17, v1;
	v20 =	vld.idx.msk [tilespmem:v9+s28+$0x0], $0xffff  }
0x1b6: {  	s7 =	simm.s32 $0x3;
	v3 =	vadd.s32 s0, v1;
	v6 =	vld.idx.msk [tilespmem:v6+s28+$0x0], $0xffff  }
0x1b7: {  	s9 =	simm.s32 $0x116;
	v2 =	vadd.s32 s7, v1;
	v21 =	vld.idx.msk [tilespmem:v13+s28+$0x0], $0xffff  }
0x1b8: {  	s10 =	simm.s32 $0xA;
	v24 =	vadd.s32 s9, v1;
	v16 =	vld.idx.msk [tilespmem:v5+s28+$0x0], $0xffff  }
0x1b9: {  	s11 =	simm.s32 $0x11F;
	v15 =	vld.idx.msk [tilespmem:v4+s28+$0x0], $0xffff;
	v4 =	vadd.s32 s10, v1  }
0x1ba: {  	s13 =	simm.s32 $0xC;
	v5 =	vadd.s32 s11, v1;
	v19 =	vld.idx.msk [tilespmem:v19+s28+$0x0], $0xffff  }
0x1bb: {  	s0 =	simm.s32 $0x110;
	v17 =	vld.idx.msk [tilespmem:v3+s28+$0x0], $0xffff;
	v3 =	vadd.s32 s13, v1  }
0x1bc: {  	v9 =	vadd.s32 s0, v1;
	s7 =	simm.s32 $0x11B;
	v18 =	vld.idx.msk [tilespmem:v2+s28+$0x0], $0xffff  }
0x1bd: {  	s8 =	simm.s32 $0x11E;
	v13 =	vadd.s32 s7, v1;
	v30 =	vadd.f32 v7, v12;
	v12 =	vld.idx.msk [tilespmem:v24+s28+$0x0], $0xffff  }
0x1be: {  	v23 =	vadd.s32 s8, v1;
	s0 =	simm.s32 $0x11D;
	v22 =	vld.idx.msk [tilespmem:v4+s28+$0x0], $0xffff  }
0x1bf: {  	v29 =	vadd.s32 s0, v1;
	s10 =	simm.s32 $0x117;
	v2 =	vld.idx.msk [tilespmem:v5+s28+$0x0], $0xffff  }
0x1c0: {  	s17 =	simm.s32 $0x111;
	s11 =	simm.s32 $0x118;
	v26 =	vadd.s32 s10, v1;
	v25 =	vld.idx.msk [tilespmem:v3+s28+$0x0], $0xffff  }
0x1c1: {  	v28 =	vadd.s32 s17, v1;
	v27 =	vadd.s32 s11, v1;
	s10 =	simm.s32 $0x114;
	s11 =	simm.s32 $0x115;
	v4 =	vld.idx.msk [tilespmem:v9+s28+$0x0], $0xffff  }
0x1c2: {  	s8 =	simm.s32 $0x112;
	v7 =	vadd.s32 s10, v1;
	v20 =	vadd.f32 v20, v6;
	v6 =	vadd.s32 s11, v1;
	v5 =	vld.idx.msk [tilespmem:v13+s28+$0x0], $0xffff  }
0x1c3: {  	s9 =	simm.s32 $0x113;
	v9 =	vadd.s32 s8, v1;
	v31 =	vadd.f32 v15, v10;
	v15 =	vld.idx.msk [tilespmem:v23+s28+$0x0], $0xffff;
	v23 =	vadd.f32 v8, v14  }
0x1c4: {  	s13 =	simm.s32 $0x11C;
	v10 =	vadd.s32 s9, v1;
	v8 =	vld.idx.msk [tilespmem:v29+s28+$0x0], $0xffff;
	v19 =	vadd.f32 v19, v21;
	v17 =	vadd.f32 v18, v17  }
0x1c5: {  	v13 =	vld.idx.msk [tilespmem:v26+s28+$0x0], $0xffff;
	v3 =	vadd.s32 s13, v1;
	s13 =	simm.s32 $0x119;
	v22 =	vadd.f32 v11, v22;
	v16 =	vadd.f32 v16, v25  }
0x1c6: {  	s17 =	simm.s32 $0x11A;
	v18 =	vadd.s32 s13, v1;
	v19 =	vadd.f32 v30, v19;
	v11 =	vld.idx.msk [tilespmem:v27+s28+$0x0], $0xffff;
	v14 =	vadd.f32 v17, v31  }
0x1c7: {  	s6 =	simm.s32 $0x17590;
	s7 =	simm.s32 $0x22F;
	v17 =	vadd.s32 s17, v1;
	v20 =	vadd.f32 v22, v20;
	v21 =	vadd.f32 v23, v16;
	v16 =	vld.idx.msk [tilespmem:v28+s28+$0x0], $0xffff  }
.LBB2_11:
0x1c8: {  	s8 =	sadd.s32 $0xFFFFFFF1, s7  }
0x1c9: {  	s9 =	sadd.s32 $0xFFFFFFF7, s7;
	s10 =	sadd.s32 $0xFFFFFFFD, s7;
	v22 =	vadd.s32 s7, v1;
	v23 =	vld.idx.msk [tilespmem:v9+s28+$0x0], $0xffff;
	v20 =	vadd.f32 v21, v20;
	v21 =	vmov v15;
	s11 =	smov.u32 s7  }
0x1ca: {  	s13 =	sadd.s32 $0xFFFFFFF8, s7;
	v15 =	vadd.s32 s8, v1;
	s8 =	sadd.s32 $0xFFFFFFF2, s7;
	v24 =	vadd.s32 s10, v1;
	s10 =	sadd.s32 $0xFFFFFFFF, s7;
	v25 =	vld.idx.msk [tilespmem:v10+s28+$0x0], $0xffff;
	v10 =	vadd.f32 v19, v14  }
0x1cb: {  	s17 =	sadd.s32 $0xFFFFFFFE, s7;
	v26 =	vadd.s32 s13, v1;
	s13 =	sadd.s32 $0xFFFFFFFC, s7;
	v19 =	vadd.s32 s8, v1;
	s8 =	sadd.s32 $0xFFFFFFF3, s7;
	v27 =	vadd.s32 s10, v1;
	v14 =	vld.idx.msk [tilespmem:v18+s28+$0x0], $0xffff  }
0x1cc: {  	s0 =	sadd.s32 $0xFFFFFFFB, s7;
	v28 =	vadd.s32 s17, v1;
	s10 =	sadd.s32 $0xFFFFFFF9, s7;
	v9 =	vadd.s32 s8, v1;
	s8 =	sadd.s32 $0xFFFFFFF4, s7;
	v29 =	vld.idx.msk [tilespmem:v7+s28+$0x0], $0xffff;
	v18 =	vadd.f32 v20, v10  }
0x1cd: {  	v30 =	vadd.s32 s13, v1;
	s13 =	sadd.s32 $0x110, s7;
	v20 =	vadd.s32 s10, v1;
	s10 =	sadd.s32 $0xFFFFFFFA, s11;
	v10 =	vadd.s32 s8, v1;
	s8 =	sadd.s32 $0xFFFFFFF5, s11;
	v17 =	vld.idx.msk [tilespmem:v17+s28+$0x0], $0xffff  }
0x1ce: {  	p1 =	sne.s32 s7, $0x33F;
	v31 =	vadd.s32 s9, v1;
	v32 =	vadd.f32 v13, v12;
	v7 =	vadd.s32 s8, v1;
	s8 =	sadd.s32 $0xFFFFFFF6, s11;
	v22 =	vld.idx.msk [tilespmem:v22+s28+$0x0], $0xffff;
	[tilespmem:s5+$0x0] =	vst v18;
	s5 =	smov.u32 s6  }
0x1cf: {  	v13 =	vadd.f32 v16, v4;
	v12 =	vadd.s32 s8, v1;
	v18 =	vld.idx.msk [tilespmem:v3+s28+$0x0], $0xffff;
	v3 =	vmov v24  }
0x1d0: {  	v23 =	vadd.f32 v25, v23;
	v16 =	vld.idx.msk [tilespmem:v6+s28+$0x0], $0xffff;
	v6 =	vmov v12  }
0x1d1: {  	v24 =	vadd.f32 v14, v11;
	v4 =	vld.idx.msk [tilespmem:v15+s28+$0x0], $0xffff  }
0x1d2: {  	v14 =	vadd.f32 v23, v13;
	v25 =	vld.idx.msk [tilespmem:v30+s28+$0x0], $0xffff  }
0x1d3: {  	v5 =	vadd.f32 v5, v17;
	v15 =	vld.idx.msk [tilespmem:v27+s28+$0x0], $0xffff  }
.Ltmp4:
0x1d4: {  	v12 =	vld.idx.msk [tilespmem:v31+s28+$0x0], $0xffff;
	(pc) =	sbr.rel @p1 .LBB2_11-.Ltmp4, $4  }
0x1d5: {  	v21 =	vadd.f32 v2, v21;
	v2 =	vmov v22;
	v17 =	vadd.f32 v8, v18;
	v13 =	vld.idx.msk [tilespmem:v26+s28+$0x0], $0xffff  }
0x1d6: {  	v18 =	vadd.s32 s10, v1;
	v22 =	vadd.f32 v16, v29;
	v11 =	vld.idx.msk [tilespmem:v20+s28+$0x0], $0xffff  }
0x1d7: {  	v20 =	vadd.f32 v5, v24;
	v21 =	vadd.f32 v21, v17;
	v8 =	vld.idx.msk [tilespmem:v28+s28+$0x0], $0xffff  }
0x1d8: {  	s7 =	smov.u32 s13;
	s6 =	sadd.s32 $0x10, s6;
	v17 =	vadd.s32 s0, v1;
	v5 =	vmov v25;
	v16 =	vld.idx.msk [tilespmem:v19+s28+$0x0], $0xffff;
	v19 =	vadd.f32 v32, v22  }
0x1d9: {  	_ =	sdelay $0x3  }
0x1da: {  	v9 =	vld.idx.msk [tilespmem:v9+s28+$0x0], $0xffff  }
0x1db: {  	v10 =	vld.idx.msk [tilespmem:v10+s28+$0x0], $0xffff  }
0x1dc: {  	v18 =	vld.idx.msk [tilespmem:v18+s28+$0x0], $0xffff  }
0x1dd: {  	v7 =	vld.idx.msk [tilespmem:v7+s28+$0x0], $0xffff  }
0x1de: {  	v17 =	vld.idx.msk [tilespmem:v17+s28+$0x0], $0xffff  }
0x1df: {  	v3 =	vld.idx.msk [tilespmem:v3+s28+$0x0], $0xffff  }
0x1e0: {  	v6 =	vld.idx.msk [tilespmem:v6+s28+$0x0], $0xffff;
	_ =	sdelay $0x1  }
0x1e1: {  	v2 =	vadd.f32 v2, v15;
	v12 =	vadd.f32 v13, v12  }
0x1e2: {  	v4 =	vadd.f32 v16, v4;
	v9 =	vadd.f32 v10, v9  }
0x1e3: {  	v10 =	vadd.f32 v18, v11;
	v5 =	vadd.f32 v5, v17  }
0x1e4: {  	v3 =	vadd.f32 v8, v3;
	v6 =	vadd.f32 v6, v7  }
0x1e5: {  	v4 =	vadd.f32 v9, v4;
	v5 =	vadd.f32 v5, v10  }
0x1e6: {  	v2 =	vadd.f32 v2, v3;
	v3 =	vadd.f32 v12, v6  }
0x1e7: {  	v7 =	vadd.f32 v19, v14;
	v6 =	vadd.f32 v21, v20  }
0x1e8: {  	v2 =	vadd.f32 v2, v5;
	v3 =	vadd.f32 v3, v4  }
0x1e9: {  	v4 =	vadd.f32 v6, v7  }
0x1ea: {  	v2 =	vadd.f32 v2, v3  }
0x1eb: {  	[tilespmem:s5+$0x0] =	vst v4  }
0x1ec: {  	s7 =	simm.s32 $0xDE40;
	[tilespmem:s6+$0x0] =	vst v2  }
0x1ed: {  	v4 =	vld [tilespmem:s7+$0xC0]  }
0x1ee: {  	v5 =	vld [tilespmem:s7+$0xD0]  }
0x1ef: {  	v7 =	vld [tilespmem:s7+$0xE0]  }
0x1f0: {  	v8 =	vld [tilespmem:s7+$0xF0]  }
0x1f1: {  	v9 =	vld [tilespmem:s7+$0x100]  }
0x1f2: {  	s5 =	simm.s32 $0x17582;
	v10 =	vld [tilespmem:s7+$0x110]  }
0x1f3: {  	v2 =	vld.msk [tilespmem:s5+$0x2 ss:$0x0], $0xffff  }
0x1f4: {  	v11 =	vld [tilespmem:s7+$0x40]  }
0x1f5: {  	v12 =	vld [tilespmem:s7+$0x50]  }
0x1f6: {  	v13 =	vld [tilespmem:s7+$0x60]  }
0x1f7: {  	v14 =	vld [tilespmem:s7+$0x70]  }
0x1f8: {  	v15 =	vld [tilespmem:s7+$0x80]  }
0x1f9: {  	v16 =	vld [tilespmem:s7+$0x90]  }
0x1fa: {  	v3 =	vld.msk [tilespmem:s5+$0x1 ss:$0x0], $0xffff  }
0x1fb: {  	v17 =	vld [tilespmem:s7+$0xFFFFFFC0]  }
0x1fc: {  	v18 =	vld [tilespmem:s7+$0xFFFFFFD0]  }
0x1fd: {  	v19 =	vld [tilespmem:s7+$0xFFFFFFE0]  }
0x1fe: {  	v20 =	vld [tilespmem:s7+$0xFFFFFFF0]  }
0x1ff: {  	v6 =	vld.msk [tilespmem:s5+$0x0 ss:$0x0], $0xffff  }
0x200: {  	v21 =	vld [tilespmem:s7+$0xFFFFFF40]  }
0x201: {  	v22 =	vld [tilespmem:s7+$0xFFFFFF50]  }
0x202: {  	v24 =	vld.msk [tilespmem:s5+$0xFFFFFFFF ss:$0x0], $0xffff;
	v23 =	vmul.f32 v4, v2  }
0x203: {  	v26 =	vld [tilespmem:s7+$0xFFFFFEC0];
	v25 =	vmul.f32 v5, v2;
	v27 =	vmul.f32 v7, v2  }
0x204: {  	v29 =	vld [tilespmem:s7+$0xFFFFFED0];
	v28 =	vmul.f32 v8, v2;
	v5 =	vmul.f32 v9, v2  }
0x205: {  	v4 =	vmul.f32 v10, v2;
	v9 =	vld.msk [tilespmem:s5+$0xFFFFFFFE ss:$0x0], $0xffff;
	v10 =	vmul.f32 v11, v3  }
0x206: {  	v11 =	vmul.f32 v12, v3;
	v12 =	vld [tilespmem:s7+$0xFFFFFEE0];
	v13 =	vmul.f32 v13, v3  }
0x207: {  	v30 =	vld [tilespmem:s7+$0xFFFFFEF0];
	v14 =	vmul.f32 v14, v3;
	v8 =	vmul.f32 v15, v3  }
0x208: {  	v7 =	vmul.f32 v16, v3;
	v15 =	vld [tilespmem:s7+$0xFFFFFF60];
	v16 =	vmul.f32 v17, v6  }
0x209: {  	v31 =	vmul.f32 v18, v6;
	v17 =	vld [tilespmem:s7+$0xFFFFFF70];
	v18 =	vmul.f32 v21, v24  }
0x20a: {  	v32 =	vld [tilespmem:s7+$0x10];
	v21 =	vmul.f32 v22, v24;
	v26 =	vmul.f32 v26, v9  }
0x20b: {  	v33 =	vimm.f32 $0.0e+00;
	v22 =	vld [tilespmem:s7+$0x0];
	v29 =	vmul.f32 v29, v9;
	v12 =	vmul.f32 v12, v9  }
0x20c: {  	v34 =	vld [tilespmem:s7+$0xFFFFFF80];
	v19 =	vmul.f32 v19, v6;
	v30 =	vmul.f32 v30, v9;
	v26 =	vadd.f32 v26, v33  }
0x20d: {  	v35 =	vld [tilespmem:s7+$0xFFFFFF90];
	v15 =	vmul.f32 v15, v24;
	v29 =	vadd.f32 v29, v33;
	v12 =	vadd.f32 v12, v33  }
0x20e: {  	v36 =	vld [tilespmem:s7+$0xFFFFFF00];
	v37 =	vmul.f32 v17, v24;
	v30 =	vadd.f32 v30, v33;
	v26 =	vadd.f32 v18, v26  }
0x20f: {  	v38 =	vld [tilespmem:s7+$0xFFFFFF10];
	v20 =	vmul.f32 v20, v6;
	v21 =	vadd.f32 v21, v29;
	v12 =	vadd.f32 v15, v12  }
0x210: {  	v17 =	vmul.f32 v22, v6;
	v22 =	vld [tilespmem:s7+$0xFFFFFF20];
	v15 =	vadd.f32 v37, v30;
	v16 =	vadd.f32 v16, v26  }
0x211: {  	v58 =	vld [tilespmem:s7+$0xFFFFFF30];
	v59 =	vmul.f32 v34, v24;
	v21 =	vadd.f32 v31, v21;
	v12 =	vadd.f32 v19, v12  }
0x212: {  	v62 =	vld [tilespmem:s7+$0xFFFFFFB0];
	v60 =	vmul.f32 v35, v24;
	v15 =	vadd.f32 v20, v15;
	v10 =	vadd.f32 v10, v16  }
0x213: {  	v61 =	vmul.f32 v36, v9;
	v26 =	vld [tilespmem:s7+$0xFFFFFFA0];
	v11 =	vadd.f32 v11, v21;
	v13 =	vadd.f32 v13, v12  }
0x214: {  	v63 =	vld [tilespmem:s7+$0x20];
	v16 =	vmul.f32 v38, v9;
	v14 =	vadd.f32 v14, v15;
	v12 =	vadd.f32 v23, v10  }
0x215: {  	v19 =	vld [tilespmem:s7+$0x30];
	v15 =	vmul.f32 v22, v9;
	v11 =	vadd.f32 v25, v11;
	v10 =	vadd.f32 v27, v13  }
0x216: {  	v20 =	vld [tilespmem:s7+$0xA0];
	v22 =	vmul.f32 v58, v9;
	v9 =	vadd.f32 v28, v14;
	v25 =	vadd.f32 v61, v33  }
0x217: {  	v18 =	vmul.f32 v32, v6;
	v16 =	vadd.f32 v16, v33;
	v13 =	vld [tilespmem:s7+$0xB0];
	v23 =	vadd.f32 v15, v33  }
0x218: {  	v22 =	vadd.f32 v22, v33;
	v14 =	vld [tilespmem:s7+$0x120];
	v21 =	vmul.f32 v26, v24;
	v24 =	vmul.f32 v62, v24  }
0x219: {  	s6 =	simm.s32 $0x0;
	v15 =	vld [tilespmem:s7+$0x130];
	s7 =	simm.s32 $0xE0C0;
	v26 =	vadd.f32 v59, v25;
	v25 =	vadd.f32 v60, v16;
	v16 =	vmul.f32 v63, v6  }
.LBB2_13:
0x21a: {  	v27 =	vld [tilespmem:s7+$0xC0];
	v21 =	vadd.f32 v21, v23;
	v22 =	vadd.f32 v24, v22;
	v6 =	vmul.f32 v19, v6  }
0x21b: {  	v19 =	vld [tilespmem:s7+$0xD0];
	v17 =	vadd.f32 v17, v26;
	v18 =	vadd.f32 v18, v25;
	v20 =	vmul.f32 v20, v3  }
0x21c: {  	v23 =	vld [tilespmem:s7+$0xE0];
	v16 =	vadd.f32 v16, v21;
	v6 =	vadd.f32 v6, v22;
	v3 =	vmul.f32 v13, v3  }
0x21d: {  	v21 =	vld [tilespmem:s7+$0xF0];
	v8 =	vadd.f32 v8, v17;
	v7 =	vadd.f32 v7, v18;
	v17 =	vmul.f32 v14, v2  }
0x21e: {  	v18 =	vld [tilespmem:s7+$0x100];
	v16 =	vadd.f32 v20, v16;
	v3 =	vadd.f32 v3, v6;
	v6 =	vmul.f32 v15, v2  }
0x21f: {  	s5 =	sadd.s32 $0x5, s5;
	v20 =	vld [tilespmem:s7+$0x110];
	v13 =	vadd.f32 v5, v8;
	v14 =	vadd.f32 v4, v7  }
0x220: {  	v2 =	vld.msk [tilespmem:s5+$0x2 ss:$0x0], $0xffff;
	v15 =	vadd.f32 v17, v16;
	v16 =	vadd.f32 v6, v3  }
0x221: {  	v7 =	vld [tilespmem:s7+$0x40]  }
0x222: {  	v8 =	vld [tilespmem:s7+$0x50]  }
0x223: {  	v17 =	vld [tilespmem:s7+$0x60]  }
0x224: {  	v22 =	vld [tilespmem:s7+$0x70]  }
0x225: {  	v24 =	vld [tilespmem:s7+$0x80]  }
0x226: {  	v25 =	vld [tilespmem:s7+$0x90]  }
0x227: {  	v3 =	vld.msk [tilespmem:s5+$0x1 ss:$0x0], $0xffff  }
0x228: {  	v26 =	vld [tilespmem:s7+$0xFFFFFFC0]  }
0x229: {  	v28 =	vld [tilespmem:s7+$0xFFFFFFD0]  }
0x22a: {  	v29 =	vld [tilespmem:s7+$0xFFFFFFE0]  }
0x22b: {  	v30 =	vld [tilespmem:s7+$0xFFFFFFF0]  }
0x22c: {  	v6 =	vld.msk [tilespmem:s5+$0x0 ss:$0x0], $0xffff  }
0x22d: {  	v31 =	vld [tilespmem:s7+$0xFFFFFF40]  }
0x22e: {  	v32 =	vld [tilespmem:s7+$0xFFFFFF50]  }
0x22f: {  	v27 =	vmul.f32 v27, v2;
	v34 =	vmul.f32 v19, v2;
	v33 =	vld.msk [tilespmem:s5+$0xFFFFFFFF ss:$0x0], $0xffff  }
0x230: {  	v23 =	vmul.f32 v23, v2;
	v21 =	vmul.f32 v21, v2;
	v19 =	vld [tilespmem:s7+$0xFFFFFEC0]  }
0x231: {  	v5 =	vmul.f32 v18, v2;
	v4 =	vmul.f32 v20, v2;
	v35 =	vld [tilespmem:s7+$0xFFFFFED0]  }
0x232: {  	v36 =	vmul.f32 v7, v3;
	v37 =	vmul.f32 v8, v3;
	v20 =	vld.msk [tilespmem:s5+$0xFFFFFFFE ss:$0x0], $0xffff  }
0x233: {  	v38 =	vmul.f32 v17, v3;
	v22 =	vmul.f32 v22, v3;
	v18 =	vld [tilespmem:s7+$0xFFFFFEE0]  }
0x234: {  	v8 =	vmul.f32 v24, v3;
	v7 =	vmul.f32 v25, v3;
	v17 =	vld [tilespmem:s7+$0xFFFFFEF0]  }
0x235: {  	v25 =	vmul.f32 v26, v6;
	v26 =	vmul.f32 v28, v6;
	v24 =	vld [tilespmem:s7+$0xFFFFFF60]  }
0x236: {  	v29 =	vmul.f32 v29, v6;
	v30 =	vmul.f32 v30, v6;
	v28 =	vld [tilespmem:s7+$0xFFFFFF70]  }
0x237: {  	v31 =	vmul.f32 v31, v33;
	v32 =	vmul.f32 v32, v33;
	v39 =	vld [tilespmem:s7+$0x0]  }
0x238: {  	v19 =	vmul.f32 v19, v20;
	v35 =	vmul.f32 v35, v20;
	v40 =	vld [tilespmem:s7+$0x10]  }
0x239: {  	v18 =	vmul.f32 v18, v20;
	v17 =	vmul.f32 v17, v20;
	v41 =	vld [tilespmem:s7+$0xFFFFFF80]  }
0x23a: {  	v12 =	vadd.f32 v19, v12;
	v11 =	vadd.f32 v35, v11;
	v19 =	vld [tilespmem:s7+$0xFFFFFF90];
	v24 =	vmul.f32 v24, v33  }
0x23b: {  	v10 =	vadd.f32 v18, v10;
	v35 =	vld [tilespmem:s7+$0xFFFFFF00];
	v9 =	vadd.f32 v17, v9;
	v18 =	vmul.f32 v28, v33  }
0x23c: {  	v12 =	vadd.f32 v31, v12;
	v11 =	vadd.f32 v32, v11;
	v28 =	vld [tilespmem:s7+$0xFFFFFF10];
	v17 =	vmul.f32 v39, v6  }
0x23d: {  	s6 =	sadd.s32 $0x5, s6;
	v10 =	vadd.f32 v24, v10;
	v31 =	vld [tilespmem:s7+$0xFFFFFF20];
	v9 =	vadd.f32 v18, v9;
	v18 =	vmul.f32 v40, v6  }
0x23e: {  	p1 =	slt.u32 s6, $0x2D;
	v12 =	vadd.f32 v25, v12;
	v11 =	vadd.f32 v26, v11;
	v24 =	vld [tilespmem:s7+$0xFFFFFF30];
	v32 =	vmul.f32 v41, v33  }
0x23f: {  	v10 =	vadd.f32 v29, v10;
	v25 =	vld [tilespmem:s7+$0xFFFFFFA0];
	v39 =	vmul.f32 v19, v33;
	v9 =	vadd.f32 v30, v9  }
0x240: {  	v12 =	vadd.f32 v36, v12;
	v11 =	vadd.f32 v37, v11;
	v26 =	vmul.f32 v35, v20;
	v29 =	vld [tilespmem:s7+$0xFFFFFFB0]  }
0x241: {  	v10 =	vadd.f32 v38, v10;
	v28 =	vmul.f32 v28, v20;
	v30 =	vld [tilespmem:s7+$0x20];
	v9 =	vadd.f32 v22, v9  }
.Ltmp5:
0x242: {  	v12 =	vadd.f32 v27, v12;
	v11 =	vadd.f32 v34, v11;
	v22 =	vmul.f32 v31, v20;
	v19 =	vld [tilespmem:s7+$0x30];
	(pc) =	sbr.rel @p1 .LBB2_13-.Ltmp5, $4  }
0x243: {  	v10 =	vadd.f32 v23, v10;
	v24 =	vmul.f32 v24, v20;
	v20 =	vld [tilespmem:s7+$0xA0];
	v9 =	vadd.f32 v21, v9  }
0x244: {  	v26 =	vadd.f32 v26, v13;
	v27 =	vadd.f32 v28, v14;
	v21 =	vmul.f32 v25, v33;
	v13 =	vld [tilespmem:s7+$0xB0]  }
0x245: {  	v23 =	vadd.f32 v22, v15;
	v22 =	vadd.f32 v24, v16;
	v24 =	vmul.f32 v29, v33;
	v14 =	vld [tilespmem:s7+$0x120]  }
0x246: {  	v26 =	vadd.f32 v32, v26;
	v25 =	vadd.f32 v39, v27;
	v16 =	vmul.f32 v30, v6;
	v15 =	vld [tilespmem:s7+$0x130];
	s7 =	sadd.s32 $0x280, s7  }
0x247: {  	_ = 	snop  }
0x248: {  	v21 =	vadd.f32 v21, v23;
	v17 =	vadd.f32 v17, v26  }
0x249: {  	v22 =	vadd.f32 v24, v22;
	v6 =	vmul.f32 v19, v6;
	v18 =	vadd.f32 v18, v25  }
0x24a: {  	[tilespmem:s15+$0x13100] =	vst v12;
	v19 =	vmul.f32 v20, v3;
	v16 =	vadd.f32 v16, v21;
	v8 =	vadd.f32 v8, v17  }
0x24b: {  	[tilespmem:s23+$0x13100] =	vst v11;
	v6 =	vadd.f32 v6, v22;
	v3 =	vmul.f32 v13, v3;
	v7 =	vadd.f32 v7, v18  }
0x24c: {  	[tilespmem:s24+$0x13100] =	vst v10;
	v11 =	vmul.f32 v14, v2;
	v12 =	vadd.f32 v19, v16;
	v5 =	vadd.f32 v5, v8  }
0x24d: {  	[tilespmem:s22+$0x13100] =	vst v9;
	v3 =	vadd.f32 v3, v6;
	v2 =	vmul.f32 v15, v2;
	v4 =	vadd.f32 v4, v7  }
0x24e: {  	v6 =	vadd.f32 v11, v12;
	[tilespmem:s14+$0x13100] =	vst v5  }
0x24f: {  	v2 =	vadd.f32 v2, v3;
	[tilespmem:s25+$0x13100] =	vst v4  }
0x250: {  	[tilespmem:s1+$0x13100] =	vst v6  }
0x251: {  	[tilespmem:s16+$0x13100] =	vst v2  }
0x252: {  	_ =	swait.ge [sflag:s30], $0x1900  }
0x253: {  	s0 =	sadd.s32 @!p0 $0x400, s21;
	[sflag:s30] =	ssyncset.done $0x0  }
0x254: {  	s5 =	simm.s32 @!p0 $0xF900;
	s1 =	simm.s32 @!p0 $0x32;
	[sflag:s30] =	ssyncadd.s32 $0xFFFFE700  }
0x255: {  	[tilespmem:s5], [sflag:$0x5] =	stream.indirect.gather @!p0 [hbm4b:s3+s1], $0x80, s0, s1, $0xb8;
	[tilespmem:$0x17600] =	vst v63  }
0x256: {  	v2 =	vld [tilespmem:s20+$0x8200]  }
0x257: {  	v3 =	vld [tilespmem:s20+$0x8210]  }
0x258: {  	v4 =	vld [tilespmem:s20+$0x8220]  }
0x259: {  	v9 =	vld [tilespmem:s20+$0x8230]  }
0x25a: {  	v5 =	vld [tilespmem:s20+$0x8240]  }
0x25b: {  	v6 =	vld [tilespmem:s20+$0x8250]  }
0x25c: {  	v7 =	vld [tilespmem:s20+$0x8260]  }
0x25d: {  	s17 =	simm.s32 $0xFA40;
	v8 =	vld [tilespmem:s20+$0x8270]  }
0x25e: {  	v10 =	vld [tilespmem:s17+$0xC0]  }
0x25f: {  	v11 =	vld [tilespmem:s17+$0xD0]  }
0x260: {  	v12 =	vld [tilespmem:s17+$0xE0]  }
0x261: {  	v13 =	vld [tilespmem:s17+$0xF0]  }
0x262: {  	v14 =	vld [tilespmem:s17+$0x100]  }
0x263: {  	v15 =	vld [tilespmem:s17+$0x110]  }
0x264: {  	v16 =	vld [tilespmem:s17+$0x120]  }
0x265: {  	v17 =	vld [tilespmem:s17+$0x130]  }
0x266: {  	v18 =	vld [tilespmem:s17+$0xFFFFFED0]  }
0x267: {  	v19 =	vld [tilespmem:s17+$0xFFFFFEE0]  }
0x268: {  	v20 =	vld [tilespmem:s17+$0xFFFFFEF0]  }
0x269: {  	v21 =	vld [tilespmem:s17+$0xFFFFFF00]  }
0x26a: {  	v22 =	vld [tilespmem:s17+$0xFFFFFF10]  }
0x26b: {  	v23 =	vld [tilespmem:s17+$0xFFFFFF20]  }
0x26c: {  	v48 =	vld [tilespmem:s17+$0xFFFFFF30]  }
0x26d: {  	v49 =	vld [tilespmem:s17+$0xFFFFFF40]  }
0x26e: {  	v28 =	vld [tilespmem:s17+$0xFFFFFF70]  }
0x26f: {  	v30 =	vld [tilespmem:s17+$0xFFFFFF90];
	v10 =	vmul.f32 v10, v2  }
0x270: {  	v50 =	vld [tilespmem:s17+$0xFFFFFF50];
	v11 =	vmul.f32 v11, v3;
	v12 =	vmul.f32 v12, v4  }
0x271: {  	v27 =	vld [tilespmem:s17+$0xFFFFFF60];
	v13 =	vmul.f32 v13, v9;
	v14 =	vmul.f32 v14, v5  }
0x272: {  	v29 =	vld [tilespmem:s17+$0xFFFFFF80];
	v15 =	vmul.f32 v15, v6;
	v16 =	vmul.f32 v16, v7  }
0x273: {  	v51 =	vld [tilespmem:s17+$0xFFFFFFE0];
	v17 =	vmul.f32 v17, v8;
	v53 =	vmul.f32 v28, v9  }
0x274: {  	v52 =	vld [tilespmem:s17+$0xFFFFFFF0];
	v55 =	vmul.f32 v30, v6;
	v10 =	vadd.f32 v11, v10;
	v12 =	vadd.f32 v13, v12  }
0x275: {  	v11 =	vld [tilespmem:s17+$0xFFFFFFA0];
	v13 =	vadd.f32 v15, v14;
	v15 =	vmul.f32 v19, v4;
	v16 =	vadd.f32 v17, v16  }
0x276: {  	v14 =	vld [tilespmem:s17+$0xFFFFFFB0];
	v17 =	vmul.f32 v20, v9;
	v20 =	vmul.f32 v21, v5  }
0x277: {  	v54 =	vld [tilespmem:s17+$0x0];
	v21 =	vmul.f32 v22, v6;
	v12 =	vadd.f32 v12, v10;
	v13 =	vadd.f32 v16, v13  }
0x278: {  	v19 =	vld [tilespmem:s17+$0xFFFFFFC0];
	v16 =	vmul.f32 v23, v7;
	v23 =	vmul.f32 v48, v8;
	v10 =	vadd.f32 v17, v15  }
0x279: {  	v22 =	vld [tilespmem:s17+$0xFFFFFFD0];
	v15 =	vmul.f32 v49, v2;
	v17 =	vmul.f32 v50, v3;
	v20 =	vadd.f32 v21, v20  }
0x27a: {  	v56 =	vld [tilespmem:s17+$0x10];
	v21 =	vmul.f32 v29, v5;
	v12 =	vadd.f32 v13, v12;
	v13 =	vmul.f32 v27, v4  }
0x27b: {  	v23 =	vadd.f32 v23, v16;
	v16 =	vld [tilespmem:s17+$0x20];
	v11 =	vmul.f32 v11, v7;
	v14 =	vmul.f32 v14, v8  }
0x27c: {  	v15 =	vadd.f32 v17, v15;
	v17 =	vld [tilespmem:s17+$0x30];
	v13 =	vadd.f32 v53, v13  }
0x27d: {  	v57 =	vld [tilespmem:s17+$0x40];
	v21 =	vadd.f32 v55, v21;
	v11 =	vadd.f32 v14, v11  }
0x27e: {  	v14 =	vmul.f32 v19, v2;
	v19 =	vld [tilespmem:s17+$0x50];
	v13 =	vadd.f32 v13, v15;
	v15 =	vmul.f32 v22, v3  }
0x27f: {  	v58 =	vld [tilespmem:s17+$0x60];
	v59 =	vmul.f32 v56, v6;
	v22 =	vmul.f32 v51, v4;
	v11 =	vadd.f32 v11, v21  }
0x280: {  	v60 =	vld [tilespmem:s17+$0x70];
	v21 =	vmul.f32 v52, v9;
	v15 =	vadd.f32 v15, v14;
	v14 =	vmul.f32 v54, v5  }
0x281: {  	v16 =	vmul.f32 v16, v7;
	v17 =	vmul.f32 v17, v8;
	v61 =	vadd.f32 v11, v13;
	v13 =	vld [tilespmem:s17+$0x80]  }
0x282: {  	s15 =	sor.u32 $0x100, s20;
	s6 =	simm.s32 $0x17122;
	v62 =	vmul.f32 v57, v2;
	v21 =	vadd.f32 v21, v22;
	v22 =	vadd.f32 v59, v14;
	v14 =	vld [tilespmem:s17+$0x90]  }
0x283: {  	s7 =	simm.s32 $0x0;
	s8 =	simm.s32 $0xFCC0;
	s23 =	sor.u32 $0x120, s20;
	[tilespmem:s6+$0x22] =	vst v12;
	v12 =	vadd.f32 v23, v20;
	v63 =	vadd.f32 v17, v16;
	v16 =	vld [tilespmem:s17+$0xA0];
	v19 =	vmul.f32 v19, v3  }
0x284: {  	s24 =	sor.u32 $0x150, s20;
	s22 =	sor.u32 $0x130, s20;
	s14 =	sor.u32 $0x140, s20;
	v20 =	vmul.f32 v58, v4;
	v11 =	vmul.f32 v18, v3;
	v17 =	vld [tilespmem:s17+$0xB0];
	v15 =	vadd.f32 v21, v15  }
0x285: {  	s25 =	sor.u32 $0x160, s20;
	s16 =	sor.u32 $0x170, s20;
	s1 =	sor.u32 $0x110, s20;
	v18 =	vld [tilespmem:s17+$0xFFFFFEC0];
	[tilespmem:s6+$0xFFFFFFEF] =	vst v61;
	v21 =	vadd.f32 v63, v22;
	v22 =	vmul.f32 v60, v9;
	v19 =	vadd.f32 v19, v62  }
.LBB2_15:
0x286: {  	v23 =	vld [tilespmem:s8+$0xC0];
	v13 =	vmul.f32 v13, v5  }
0x287: {  	v24 =	vld [tilespmem:s8+$0xD0];
	v15 =	vadd.f32 v21, v15;
	v14 =	vmul.f32 v14, v6;
	v20 =	vadd.f32 v22, v20  }
0x288: {  	v21 =	vld [tilespmem:s8+$0xE0];
	v16 =	vmul.f32 v16, v7  }
0x289: {  	v22 =	vld [tilespmem:s8+$0xF0];
	[tilespmem:s6+$0x0] =	vst v15;
	v15 =	vmul.f32 v17, v8;
	v13 =	vadd.f32 v14, v13;
	v14 =	vadd.f32 v20, v19  }
0x28a: {  	v17 =	vld [tilespmem:s8+$0x100];
	v18 =	vmul.f32 v18, v2  }
0x28b: {  	v19 =	vld [tilespmem:s8+$0x110];
	v15 =	vadd.f32 v15, v16  }
0x28c: {  	v16 =	vld [tilespmem:s8+$0x120];
	v11 =	vadd.f32 v11, v18  }
0x28d: {  	s7 =	sadd.s32 $0x5, s7;
	v18 =	vld [tilespmem:s8+$0x130];
	v13 =	vadd.f32 v15, v13  }
0x28e: {  	p1 =	slt.u32 s7, $0x2D;
	v15 =	vld [tilespmem:s8+$0xFFFFFED0];
	v10 =	vadd.f32 v10, v11  }
0x28f: {  	v23 =	vmul.f32 v23, v2;
	v24 =	vmul.f32 v24, v3;
	v20 =	vld [tilespmem:s8+$0xFFFFFEE0];
	v11 =	vadd.f32 v13, v14  }
0x290: {  	v14 =	vmul.f32 v21, v4;
	v21 =	vmul.f32 v22, v9;
	v13 =	vld [tilespmem:s8+$0xFFFFFEF0];
	v10 =	vadd.f32 v12, v10  }
0x291: {  	v17 =	vmul.f32 v17, v5;
	v19 =	vmul.f32 v19, v6;
	v12 =	vld [tilespmem:s8+$0xFFFFFF00];
	[tilespmem:s6+$0x11] =	vst v11  }
0x292: {  	v16 =	vmul.f32 v16, v7;
	v22 =	vld [tilespmem:s8+$0xFFFFFF10];
	v18 =	vmul.f32 v18, v8;
	[tilespmem:s6+$0xFFFFFFDE] =	vst v10  }
0x293: {  	v14 =	vadd.f32 v21, v14;
	v10 =	vadd.f32 v24, v23;
	v25 =	vld [tilespmem:s8+$0xFFFFFF20];
	v11 =	vmul.f32 v15, v3  }
0x294: {  	v17 =	vadd.f32 v19, v17;
	v15 =	vld [tilespmem:s8+$0xFFFFFF30];
	v20 =	vmul.f32 v20, v4;
	v16 =	vadd.f32 v18, v16  }
0x295: {  	v13 =	vmul.f32 v13, v9;
	v18 =	vld [tilespmem:s8+$0xFFFFFF40]  }
0x296: {  	v14 =	vadd.f32 v14, v10;
	v12 =	vmul.f32 v12, v5;
	v19 =	vld [tilespmem:s8+$0xFFFFFF50];
	v16 =	vadd.f32 v16, v17  }
0x297: {  	v17 =	vmul.f32 v22, v6;
	v10 =	vadd.f32 v13, v20;
	v13 =	vld [tilespmem:s8+$0xFFFFFF60]  }
0x298: {  	v20 =	vmul.f32 v25, v7;
	v21 =	vld [tilespmem:s8+$0xFFFFFF70];
	v14 =	vadd.f32 v16, v14  }
0x299: {  	s6 =	sadd.s32 $0x55, s6;
	v15 =	vmul.f32 v15, v8;
	v12 =	vadd.f32 v17, v12;
	v16 =	vld [tilespmem:s8+$0xFFFFFF80]  }
0x29a: {  	s9 =	simm.s32 $0xF;
	s5 =	simm.s32 $0x17580;
	v17 =	vld [tilespmem:s8+$0xFFFFFF90];
	v18 =	vmul.f32 v18, v2;
	[tilespmem:s6+$0x22] =	vst v14  }
0x29b: {  	v14 =	vadd.f32 v15, v20;
	v15 =	vld [tilespmem:s8+$0xFFFFFFA0];
	v19 =	vmul.f32 v19, v3  }
0x29c: {  	v20 =	vld [tilespmem:s8+$0xFFFFFFB0];
	v13 =	vmul.f32 v13, v4  }
0x29d: {  	v12 =	vadd.f32 v14, v12;
	v14 =	vmul.f32 v21, v9;
	v18 =	vadd.f32 v19, v18;
	v19 =	vld [tilespmem:s8+$0xFFFFFFC0]  }
0x29e: {  	v16 =	vmul.f32 v16, v5;
	v21 =	vld [tilespmem:s8+$0xFFFFFFD0]  }
0x29f: {  	v17 =	vmul.f32 v17, v6;
	v13 =	vadd.f32 v14, v13;
	v14 =	vld [tilespmem:s8+$0xFFFFFFE0]  }
0x2a0: {  	v15 =	vmul.f32 v15, v7;
	v22 =	vld [tilespmem:s8+$0xFFFFFFF0]  }
0x2a1: {  	v20 =	vmul.f32 v20, v8;
	v16 =	vadd.f32 v17, v16;
	v13 =	vadd.f32 v13, v18;
	v17 =	vld [tilespmem:s8+$0x0]  }
0x2a2: {  	v18 =	vld [tilespmem:s8+$0x10];
	v19 =	vmul.f32 v19, v2  }
0x2a3: {  	v15 =	vadd.f32 v20, v15;
	v20 =	vld [tilespmem:s8+$0x20];
	v21 =	vmul.f32 v21, v3  }
0x2a4: {  	v23 =	vld [tilespmem:s8+$0x30];
	v14 =	vmul.f32 v14, v4  }
0x2a5: {  	v15 =	vadd.f32 v15, v16;
	v16 =	vmul.f32 v22, v9;
	v19 =	vadd.f32 v21, v19;
	v21 =	vld [tilespmem:s8+$0x40]  }
0x2a6: {  	v17 =	vmul.f32 v17, v5;
	v22 =	vld [tilespmem:s8+$0x50]  }
0x2a7: {  	v13 =	vadd.f32 v15, v13;
	v15 =	vmul.f32 v18, v6;
	v14 =	vadd.f32 v16, v14;
	v18 =	vld [tilespmem:s8+$0x60]  }
0x2a8: {  	v16 =	vmul.f32 v20, v7;
	v24 =	vld [tilespmem:s8+$0x70]  }
.Ltmp6:
0x2a9: {  	[tilespmem:s6+$0xFFFFFFEF] =	vst v13;
	v20 =	vmul.f32 v23, v8;
	v23 =	vadd.f32 v15, v17;
	v15 =	vadd.f32 v14, v19;
	v13 =	vld [tilespmem:s8+$0x80];
	(pc) =	sbr.rel @p1 .LBB2_15-.Ltmp6, $4  }
0x2aa: {  	v14 =	vld [tilespmem:s8+$0x90];
	v19 =	vmul.f32 v21, v2  }
0x2ab: {  	v21 =	vadd.f32 v20, v16;
	v16 =	vld [tilespmem:s8+$0xA0];
	v25 =	vmul.f32 v22, v3  }
0x2ac: {  	v17 =	vld [tilespmem:s8+$0xB0];
	v20 =	vmul.f32 v18, v4  }
0x2ad: {  	v18 =	vld [tilespmem:s8+$0xFFFFFEC0];
	v21 =	vadd.f32 v21, v23;
	v22 =	vmul.f32 v24, v9;
	v19 =	vadd.f32 v25, v19;
	s8 =	sadd.s32 $0x280, s8  }
0x2ae: {  	_ =	sdelay $0x1  }
0x2af: {  	v3 =	vmul.f32 v13, v5;
	v4 =	vmul.f32 v14, v6  }
0x2b0: {  	v5 =	vmul.f32 v16, v7;
	v6 =	vmul.f32 v17, v8  }
0x2b1: {  	v7 =	vadd.f32 v22, v20;
	v2 =	vmul.f32 v18, v2  }
0x2b2: {  	v3 =	vadd.f32 v4, v3;
	v4 =	vadd.f32 v6, v5  }
0x2b3: {  	v2 =	vadd.f32 v11, v2  }
0x2b4: {  	v5 =	vadd.f32 v7, v19;
	v3 =	vadd.f32 v4, v3  }
0x2b5: {  	s10 =	simm.s32 $0x7;
	v6 =	vadd.s32 s9, v1;
	v4 =	vadd.f32 v21, v15;
	v2 =	vadd.f32 v10, v2  }
0x2b6: {  	s0 =	simm.s32 $0x0;
	v7 =	vadd.s32 s10, v1;
	v3 =	vadd.f32 v3, v5  }
0x2b7: {  	s8 =	simm.s32 $0xB;
	v5 =	vadd.s32 s0, v1;
	[tilespmem:s6+$0x0] =	vst v4;
	v2 =	vadd.f32 v12, v2  }
0x2b8: {  	v4 =	vadd.s32 s8, v1;
	s8 =	simm.s32 $0x9;
	[tilespmem:s6+$0x11] =	vst v3  }
0x2b9: {  	s7 =	simm.s32 $0xE;
	v9 =	vadd.s32 s8, v1;
	[tilespmem:s6+$0xFFFFFFDE] =	vst v2  }
0x2ba: {  	s9 =	simm.s32 $0x6;
	v3 =	vadd.s32 s7, v1;
	v8 =	vld.idx.msk [tilespmem:v6+s28+$0x0], $0xffff  }
0x2bb: {  	s11 =	simm.s32 $0x8;
	v2 =	vadd.s32 s9, v1;
	v7 =	vld.idx.msk [tilespmem:v7+s28+$0x0], $0xffff  }
0x2bc: {  	s9 =	simm.s32 $0x4;
	v6 =	vadd.s32 s11, v1;
	v10 =	vld.idx.msk [tilespmem:v5+s28+$0x0], $0xffff  }
0x2bd: {  	s13 =	simm.s32 $0xD;
	v13 =	vadd.s32 s9, v1;
	v11 =	vld.idx.msk [tilespmem:v4+s28+$0x0], $0xffff  }
0x2be: {  	s17 =	simm.s32 $0x1;
	v5 =	vadd.s32 s13, v1;
	v20 =	vld.idx.msk [tilespmem:v9+s28+$0x0], $0xffff  }
0x2bf: {  	v4 =	vadd.s32 s17, v1;
	s17 =	simm.s32 $0x5;
	v14 =	vld.idx.msk [tilespmem:v3+s28+$0x0], $0xffff  }
0x2c0: {  	s6 =	simm.s32 $0x2;
	v19 =	vadd.s32 s17, v1;
	v12 =	vld.idx.msk [tilespmem:v2+s28+$0x0], $0xffff  }
0x2c1: {  	s7 =	simm.s32 $0x3;
	v3 =	vadd.s32 s6, v1;
	v6 =	vld.idx.msk [tilespmem:v6+s28+$0x0], $0xffff  }
0x2c2: {  	s9 =	simm.s32 $0x116;
	v2 =	vadd.s32 s7, v1;
	v21 =	vld.idx.msk [tilespmem:v13+s28+$0x0], $0xffff  }
0x2c3: {  	s10 =	simm.s32 $0xA;
	v24 =	vadd.s32 s9, v1;
	v16 =	vld.idx.msk [tilespmem:v5+s28+$0x0], $0xffff  }
0x2c4: {  	s11 =	simm.s32 $0x11F;
	v15 =	vld.idx.msk [tilespmem:v4+s28+$0x0], $0xffff;
	v4 =	vadd.s32 s10, v1  }
0x2c5: {  	s13 =	simm.s32 $0xC;
	v5 =	vadd.s32 s11, v1;
	v19 =	vld.idx.msk [tilespmem:v19+s28+$0x0], $0xffff  }
0x2c6: {  	s6 =	simm.s32 $0x110;
	v17 =	vld.idx.msk [tilespmem:v3+s28+$0x0], $0xffff;
	v3 =	vadd.s32 s13, v1  }
0x2c7: {  	v9 =	vadd.s32 s6, v1;
	s7 =	simm.s32 $0x11B;
	v18 =	vld.idx.msk [tilespmem:v2+s28+$0x0], $0xffff  }
0x2c8: {  	s8 =	simm.s32 $0x11E;
	v13 =	vadd.s32 s7, v1;
	v30 =	vadd.f32 v7, v12;
	v12 =	vld.idx.msk [tilespmem:v24+s28+$0x0], $0xffff  }
0x2c9: {  	v23 =	vadd.s32 s8, v1;
	s8 =	simm.s32 $0x11D;
	v22 =	vld.idx.msk [tilespmem:v4+s28+$0x0], $0xffff  }
0x2ca: {  	v29 =	vadd.s32 s8, v1;
	s10 =	simm.s32 $0x117;
	v2 =	vld.idx.msk [tilespmem:v5+s28+$0x0], $0xffff  }
0x2cb: {  	s17 =	simm.s32 $0x111;
	s11 =	simm.s32 $0x118;
	v26 =	vadd.s32 s10, v1;
	v25 =	vld.idx.msk [tilespmem:v3+s28+$0x0], $0xffff  }
0x2cc: {  	v28 =	vadd.s32 s17, v1;
	v27 =	vadd.s32 s11, v1;
	s10 =	simm.s32 $0x114;
	s11 =	simm.s32 $0x115;
	v4 =	vld.idx.msk [tilespmem:v9+s28+$0x0], $0xffff  }
0x2cd: {  	s7 =	simm.s32 $0x112;
	v7 =	vadd.s32 s10, v1;
	v20 =	vadd.f32 v20, v6;
	v6 =	vadd.s32 s11, v1;
	v5 =	vld.idx.msk [tilespmem:v13+s28+$0x0], $0xffff  }
0x2ce: {  	s9 =	simm.s32 $0x113;
	v9 =	vadd.s32 s7, v1;
	v31 =	vadd.f32 v15, v10;
	v15 =	vld.idx.msk [tilespmem:v23+s28+$0x0], $0xffff;
	v23 =	vadd.f32 v8, v14  }
0x2cf: {  	s13 =	simm.s32 $0x11C;
	v10 =	vadd.s32 s9, v1;
	v8 =	vld.idx.msk [tilespmem:v29+s28+$0x0], $0xffff;
	v19 =	vadd.f32 v19, v21;
	v17 =	vadd.f32 v18, v17  }
0x2d0: {  	v13 =	vld.idx.msk [tilespmem:v26+s28+$0x0], $0xffff;
	v3 =	vadd.s32 s13, v1;
	s13 =	simm.s32 $0x119;
	v22 =	vadd.f32 v11, v22;
	v16 =	vadd.f32 v16, v25  }
0x2d1: {  	s17 =	simm.s32 $0x11A;
	v18 =	vadd.s32 s13, v1;
	v19 =	vadd.f32 v30, v19;
	v11 =	vld.idx.msk [tilespmem:v27+s28+$0x0], $0xffff;
	v14 =	vadd.f32 v17, v31  }
0x2d2: {  	s6 =	simm.s32 $0x17590;
	s7 =	simm.s32 $0x22F;
	v17 =	vadd.s32 s17, v1;
	v20 =	vadd.f32 v22, v20;
	v21 =	vadd.f32 v23, v16;
	v16 =	vld.idx.msk [tilespmem:v28+s28+$0x0], $0xffff  }
.LBB2_17:
0x2d3: {  	s0 =	sadd.s32 $0xFFFFFFF1, s7  }
0x2d4: {  	s8 =	sadd.s32 $0xFFFFFFF7, s7;
	s9 =	sadd.s32 $0xFFFFFFFD, s7;
	v22 =	vadd.s32 s7, v1;
	v23 =	vld.idx.msk [tilespmem:v9+s28+$0x0], $0xffff;
	v20 =	vadd.f32 v21, v20;
	v21 =	vmov v15;
	s10 =	smov.u32 s7  }
0x2d5: {  	s11 =	sadd.s32 $0xFFFFFFF8, s7;
	v15 =	vadd.s32 s0, v1;
	s0 =	sadd.s32 $0xFFFFFFF2, s7;
	v24 =	vadd.s32 s9, v1;
	s9 =	sadd.s32 $0xFFFFFFFF, s7;
	v25 =	vld.idx.msk [tilespmem:v10+s28+$0x0], $0xffff;
	v10 =	vadd.f32 v19, v14  }
0x2d6: {  	s13 =	sadd.s32 $0xFFFFFFFE, s7;
	v26 =	vadd.s32 s11, v1;
	s11 =	sadd.s32 $0xFFFFFFFC, s7;
	v19 =	vadd.s32 s0, v1;
	s0 =	sadd.s32 $0xFFFFFFF3, s7;
	v27 =	vadd.s32 s9, v1;
	v14 =	vld.idx.msk [tilespmem:v18+s28+$0x0], $0xffff  }
0x2d7: {  	s17 =	sadd.s32 $0xFFFFFFFB, s7;
	v28 =	vadd.s32 s13, v1;
	s9 =	sadd.s32 $0xFFFFFFF9, s7;
	v9 =	vadd.s32 s0, v1;
	s0 =	sadd.s32 $0xFFFFFFF4, s7;
	v29 =	vld.idx.msk [tilespmem:v7+s28+$0x0], $0xffff;
	v18 =	vadd.f32 v20, v10  }
0x2d8: {  	v30 =	vadd.s32 s11, v1;
	s11 =	sadd.s32 $0x110, s7;
	v20 =	vadd.s32 s9, v1;
	s9 =	sadd.s32 $0xFFFFFFFA, s10;
	v10 =	vadd.s32 s0, v1;
	s0 =	sadd.s32 $0xFFFFFFF5, s10;
	v17 =	vld.idx.msk [tilespmem:v17+s28+$0x0], $0xffff  }
0x2d9: {  	p1 =	sne.s32 s7, $0x33F;
	v31 =	vadd.s32 s8, v1;
	v32 =	vadd.f32 v13, v12;
	v7 =	vadd.s32 s0, v1;
	s0 =	sadd.s32 $0xFFFFFFF6, s10;
	v22 =	vld.idx.msk [tilespmem:v22+s28+$0x0], $0xffff;
	[tilespmem:s5+$0x0] =	vst v18;
	s5 =	smov.u32 s6  }
0x2da: {  	v13 =	vadd.f32 v16, v4;
	v12 =	vadd.s32 s0, v1;
	v18 =	vld.idx.msk [tilespmem:v3+s28+$0x0], $0xffff;
	v3 =	vmov v24  }
0x2db: {  	v23 =	vadd.f32 v25, v23;
	v16 =	vld.idx.msk [tilespmem:v6+s28+$0x0], $0xffff;
	v6 =	vmov v12  }
0x2dc: {  	v24 =	vadd.f32 v14, v11;
	v4 =	vld.idx.msk [tilespmem:v15+s28+$0x0], $0xffff  }
0x2dd: {  	v14 =	vadd.f32 v23, v13;
	v25 =	vld.idx.msk [tilespmem:v30+s28+$0x0], $0xffff  }
0x2de: {  	v5 =	vadd.f32 v5, v17;
	v15 =	vld.idx.msk [tilespmem:v27+s28+$0x0], $0xffff  }
.Ltmp7:
0x2df: {  	v12 =	vld.idx.msk [tilespmem:v31+s28+$0x0], $0xffff;
	(pc) =	sbr.rel @p1 .LBB2_17-.Ltmp7, $4  }
0x2e0: {  	v21 =	vadd.f32 v2, v21;
	v2 =	vmov v22;
	v17 =	vadd.f32 v8, v18;
	v13 =	vld.idx.msk [tilespmem:v26+s28+$0x0], $0xffff  }
0x2e1: {  	v18 =	vadd.s32 s9, v1;
	v22 =	vadd.f32 v16, v29;
	v11 =	vld.idx.msk [tilespmem:v20+s28+$0x0], $0xffff  }
0x2e2: {  	v20 =	vadd.f32 v5, v24;
	v21 =	vadd.f32 v21, v17;
	v8 =	vld.idx.msk [tilespmem:v28+s28+$0x0], $0xffff  }
0x2e3: {  	s7 =	smov.u32 s11;
	s6 =	sadd.s32 $0x10, s6;
	v17 =	vadd.s32 s17, v1;
	v5 =	vmov v25;
	v16 =	vld.idx.msk [tilespmem:v19+s28+$0x0], $0xffff;
	v19 =	vadd.f32 v32, v22  }
0x2e4: {  	_ =	sdelay $0x3  }
0x2e5: {  	v9 =	vld.idx.msk [tilespmem:v9+s28+$0x0], $0xffff  }
0x2e6: {  	v10 =	vld.idx.msk [tilespmem:v10+s28+$0x0], $0xffff  }
0x2e7: {  	v18 =	vld.idx.msk [tilespmem:v18+s28+$0x0], $0xffff  }
0x2e8: {  	v7 =	vld.idx.msk [tilespmem:v7+s28+$0x0], $0xffff  }
0x2e9: {  	v17 =	vld.idx.msk [tilespmem:v17+s28+$0x0], $0xffff  }
0x2ea: {  	v3 =	vld.idx.msk [tilespmem:v3+s28+$0x0], $0xffff  }
0x2eb: {  	v6 =	vld.idx.msk [tilespmem:v6+s28+$0x0], $0xffff;
	_ =	sdelay $0x1  }
0x2ec: {  	v2 =	vadd.f32 v2, v15;
	v12 =	vadd.f32 v13, v12  }
0x2ed: {  	v4 =	vadd.f32 v16, v4;
	v9 =	vadd.f32 v10, v9  }
0x2ee: {  	v10 =	vadd.f32 v18, v11;
	v5 =	vadd.f32 v5, v17  }
0x2ef: {  	v3 =	vadd.f32 v8, v3;
	v6 =	vadd.f32 v6, v7  }
0x2f0: {  	v4 =	vadd.f32 v9, v4;
	v5 =	vadd.f32 v5, v10  }
0x2f1: {  	v2 =	vadd.f32 v2, v3;
	v3 =	vadd.f32 v12, v6  }
0x2f2: {  	v7 =	vadd.f32 v19, v14;
	v6 =	vadd.f32 v21, v20  }
0x2f3: {  	v2 =	vadd.f32 v2, v5;
	v3 =	vadd.f32 v3, v4  }
0x2f4: {  	v4 =	vadd.f32 v6, v7  }
0x2f5: {  	v2 =	vadd.f32 v2, v3  }
0x2f6: {  	[tilespmem:s5+$0x0] =	vst v4  }
0x2f7: {  	s7 =	simm.s32 $0xFA40;
	[tilespmem:s6+$0x0] =	vst v2  }
0x2f8: {  	v4 =	vld [tilespmem:s7+$0xC0]  }
0x2f9: {  	v5 =	vld [tilespmem:s7+$0xD0]  }
0x2fa: {  	v7 =	vld [tilespmem:s7+$0xE0]  }
0x2fb: {  	v8 =	vld [tilespmem:s7+$0xF0]  }
0x2fc: {  	v9 =	vld [tilespmem:s7+$0x100]  }
0x2fd: {  	s5 =	simm.s32 $0x17582;
	v10 =	vld [tilespmem:s7+$0x110]  }
0x2fe: {  	v2 =	vld.msk [tilespmem:s5+$0x2 ss:$0x0], $0xffff  }
0x2ff: {  	v11 =	vld [tilespmem:s7+$0x40]  }
0x300: {  	v12 =	vld [tilespmem:s7+$0x50]  }
0x301: {  	v13 =	vld [tilespmem:s7+$0x60]  }
0x302: {  	v14 =	vld [tilespmem:s7+$0x70]  }
0x303: {  	v15 =	vld [tilespmem:s7+$0x80]  }
0x304: {  	v16 =	vld [tilespmem:s7+$0x90]  }
0x305: {  	v3 =	vld.msk [tilespmem:s5+$0x1 ss:$0x0], $0xffff  }
0x306: {  	v17 =	vld [tilespmem:s7+$0xFFFFFFC0]  }
0x307: {  	v18 =	vld [tilespmem:s7+$0xFFFFFFD0]  }
0x308: {  	v19 =	vld [tilespmem:s7+$0xFFFFFFE0]  }
0x309: {  	v20 =	vld [tilespmem:s7+$0xFFFFFFF0]  }
0x30a: {  	v6 =	vld.msk [tilespmem:s5+$0x0 ss:$0x0], $0xffff  }
0x30b: {  	v21 =	vld [tilespmem:s7+$0xFFFFFF40]  }
0x30c: {  	v22 =	vld [tilespmem:s7+$0xFFFFFF50]  }
0x30d: {  	v24 =	vld.msk [tilespmem:s5+$0xFFFFFFFF ss:$0x0], $0xffff;
	v23 =	vmul.f32 v4, v2  }
0x30e: {  	v26 =	vld [tilespmem:s7+$0xFFFFFEC0];
	v25 =	vmul.f32 v5, v2;
	v27 =	vmul.f32 v7, v2  }
0x30f: {  	v29 =	vld [tilespmem:s7+$0xFFFFFED0];
	v28 =	vmul.f32 v8, v2;
	v5 =	vmul.f32 v9, v2  }
0x310: {  	v4 =	vmul.f32 v10, v2;
	v9 =	vld.msk [tilespmem:s5+$0xFFFFFFFE ss:$0x0], $0xffff;
	v10 =	vmul.f32 v11, v3  }
0x311: {  	v11 =	vmul.f32 v12, v3;
	v12 =	vld [tilespmem:s7+$0xFFFFFEE0];
	v13 =	vmul.f32 v13, v3  }
0x312: {  	v30 =	vld [tilespmem:s7+$0xFFFFFEF0];
	v14 =	vmul.f32 v14, v3;
	v8 =	vmul.f32 v15, v3  }
0x313: {  	v7 =	vmul.f32 v16, v3;
	v15 =	vld [tilespmem:s7+$0xFFFFFF60];
	v16 =	vmul.f32 v17, v6  }
0x314: {  	v31 =	vmul.f32 v18, v6;
	v17 =	vld [tilespmem:s7+$0xFFFFFF70];
	v18 =	vmul.f32 v21, v24  }
0x315: {  	v32 =	vld [tilespmem:s7+$0x10];
	v21 =	vmul.f32 v22, v24;
	v26 =	vmul.f32 v26, v9  }
0x316: {  	v33 =	vimm.f32 $0.0e+00;
	v22 =	vld [tilespmem:s7+$0x0];
	v29 =	vmul.f32 v29, v9;
	v12 =	vmul.f32 v12, v9  }
0x317: {  	v34 =	vld [tilespmem:s7+$0xFFFFFF80];
	v19 =	vmul.f32 v19, v6;
	v30 =	vmul.f32 v30, v9;
	v26 =	vadd.f32 v26, v33  }
0x318: {  	v35 =	vld [tilespmem:s7+$0xFFFFFF90];
	v15 =	vmul.f32 v15, v24;
	v29 =	vadd.f32 v29, v33;
	v12 =	vadd.f32 v12, v33  }
0x319: {  	v36 =	vld [tilespmem:s7+$0xFFFFFF00];
	v37 =	vmul.f32 v17, v24;
	v30 =	vadd.f32 v30, v33;
	v26 =	vadd.f32 v18, v26  }
0x31a: {  	v38 =	vld [tilespmem:s7+$0xFFFFFF10];
	v20 =	vmul.f32 v20, v6;
	v21 =	vadd.f32 v21, v29;
	v12 =	vadd.f32 v15, v12  }
0x31b: {  	v17 =	vmul.f32 v22, v6;
	v22 =	vld [tilespmem:s7+$0xFFFFFF20];
	v15 =	vadd.f32 v37, v30;
	v16 =	vadd.f32 v16, v26  }
0x31c: {  	v58 =	vld [tilespmem:s7+$0xFFFFFF30];
	v59 =	vmul.f32 v34, v24;
	v21 =	vadd.f32 v31, v21;
	v12 =	vadd.f32 v19, v12  }
0x31d: {  	v62 =	vld [tilespmem:s7+$0xFFFFFFB0];
	v60 =	vmul.f32 v35, v24;
	v15 =	vadd.f32 v20, v15;
	v10 =	vadd.f32 v10, v16  }
0x31e: {  	v61 =	vmul.f32 v36, v9;
	v26 =	vld [tilespmem:s7+$0xFFFFFFA0];
	v11 =	vadd.f32 v11, v21;
	v13 =	vadd.f32 v13, v12  }
0x31f: {  	v63 =	vld [tilespmem:s7+$0x20];
	v16 =	vmul.f32 v38, v9;
	v14 =	vadd.f32 v14, v15;
	v12 =	vadd.f32 v23, v10  }
0x320: {  	v19 =	vld [tilespmem:s7+$0x30];
	v15 =	vmul.f32 v22, v9;
	v11 =	vadd.f32 v25, v11;
	v10 =	vadd.f32 v27, v13  }
0x321: {  	v20 =	vld [tilespmem:s7+$0xA0];
	v22 =	vmul.f32 v58, v9;
	v9 =	vadd.f32 v28, v14;
	v25 =	vadd.f32 v61, v33  }
0x322: {  	v18 =	vmul.f32 v32, v6;
	v16 =	vadd.f32 v16, v33;
	v13 =	vld [tilespmem:s7+$0xB0];
	v23 =	vadd.f32 v15, v33  }
0x323: {  	v22 =	vadd.f32 v22, v33;
	v14 =	vld [tilespmem:s7+$0x120];
	v21 =	vmul.f32 v26, v24;
	v24 =	vmul.f32 v62, v24  }
0x324: {  	s6 =	simm.s32 $0x0;
	v15 =	vld [tilespmem:s7+$0x130];
	s7 =	simm.s32 $0xFCC0;
	v26 =	vadd.f32 v59, v25;
	v25 =	vadd.f32 v60, v16;
	v16 =	vmul.f32 v63, v6  }
.LBB2_19:
0x325: {  	v27 =	vld [tilespmem:s7+$0xC0];
	v21 =	vadd.f32 v21, v23;
	v22 =	vadd.f32 v24, v22;
	v6 =	vmul.f32 v19, v6  }
0x326: {  	v19 =	vld [tilespmem:s7+$0xD0];
	v17 =	vadd.f32 v17, v26;
	v18 =	vadd.f32 v18, v25;
	v20 =	vmul.f32 v20, v3  }
0x327: {  	v23 =	vld [tilespmem:s7+$0xE0];
	v16 =	vadd.f32 v16, v21;
	v6 =	vadd.f32 v6, v22;
	v3 =	vmul.f32 v13, v3  }
0x328: {  	v21 =	vld [tilespmem:s7+$0xF0];
	v8 =	vadd.f32 v8, v17;
	v7 =	vadd.f32 v7, v18;
	v17 =	vmul.f32 v14, v2  }
0x329: {  	v18 =	vld [tilespmem:s7+$0x100];
	v16 =	vadd.f32 v20, v16;
	v3 =	vadd.f32 v3, v6;
	v6 =	vmul.f32 v15, v2  }
0x32a: {  	s5 =	sadd.s32 $0x5, s5;
	v20 =	vld [tilespmem:s7+$0x110];
	v13 =	vadd.f32 v5, v8;
	v14 =	vadd.f32 v4, v7  }
0x32b: {  	v2 =	vld.msk [tilespmem:s5+$0x2 ss:$0x0], $0xffff;
	v15 =	vadd.f32 v17, v16;
	v16 =	vadd.f32 v6, v3  }
0x32c: {  	v7 =	vld [tilespmem:s7+$0x40]  }
0x32d: {  	v8 =	vld [tilespmem:s7+$0x50]  }
0x32e: {  	v17 =	vld [tilespmem:s7+$0x60]  }
0x32f: {  	v22 =	vld [tilespmem:s7+$0x70]  }
0x330: {  	v24 =	vld [tilespmem:s7+$0x80]  }
0x331: {  	v25 =	vld [tilespmem:s7+$0x90]  }
0x332: {  	v3 =	vld.msk [tilespmem:s5+$0x1 ss:$0x0], $0xffff  }
0x333: {  	v26 =	vld [tilespmem:s7+$0xFFFFFFC0]  }
0x334: {  	v28 =	vld [tilespmem:s7+$0xFFFFFFD0]  }
0x335: {  	v29 =	vld [tilespmem:s7+$0xFFFFFFE0]  }
0x336: {  	v30 =	vld [tilespmem:s7+$0xFFFFFFF0]  }
0x337: {  	v6 =	vld.msk [tilespmem:s5+$0x0 ss:$0x0], $0xffff  }
0x338: {  	v31 =	vld [tilespmem:s7+$0xFFFFFF40]  }
0x339: {  	v32 =	vld [tilespmem:s7+$0xFFFFFF50]  }
0x33a: {  	v27 =	vmul.f32 v27, v2;
	v34 =	vmul.f32 v19, v2;
	v33 =	vld.msk [tilespmem:s5+$0xFFFFFFFF ss:$0x0], $0xffff  }
0x33b: {  	v23 =	vmul.f32 v23, v2;
	v21 =	vmul.f32 v21, v2;
	v19 =	vld [tilespmem:s7+$0xFFFFFEC0]  }
0x33c: {  	v5 =	vmul.f32 v18, v2;
	v4 =	vmul.f32 v20, v2;
	v35 =	vld [tilespmem:s7+$0xFFFFFED0]  }
0x33d: {  	v36 =	vmul.f32 v7, v3;
	v37 =	vmul.f32 v8, v3;
	v20 =	vld.msk [tilespmem:s5+$0xFFFFFFFE ss:$0x0], $0xffff  }
0x33e: {  	v38 =	vmul.f32 v17, v3;
	v22 =	vmul.f32 v22, v3;
	v18 =	vld [tilespmem:s7+$0xFFFFFEE0]  }
0x33f: {  	v8 =	vmul.f32 v24, v3;
	v7 =	vmul.f32 v25, v3;
	v17 =	vld [tilespmem:s7+$0xFFFFFEF0]  }
0x340: {  	v25 =	vmul.f32 v26, v6;
	v26 =	vmul.f32 v28, v6;
	v24 =	vld [tilespmem:s7+$0xFFFFFF60]  }
0x341: {  	v29 =	vmul.f32 v29, v6;
	v30 =	vmul.f32 v30, v6;
	v28 =	vld [tilespmem:s7+$0xFFFFFF70]  }
0x342: {  	v31 =	vmul.f32 v31, v33;
	v32 =	vmul.f32 v32, v33;
	v39 =	vld [tilespmem:s7+$0x0]  }
0x343: {  	v19 =	vmul.f32 v19, v20;
	v35 =	vmul.f32 v35, v20;
	v40 =	vld [tilespmem:s7+$0x10]  }
0x344: {  	v18 =	vmul.f32 v18, v20;
	v17 =	vmul.f32 v17, v20;
	v41 =	vld [tilespmem:s7+$0xFFFFFF80]  }
0x345: {  	v12 =	vadd.f32 v19, v12;
	v11 =	vadd.f32 v35, v11;
	v19 =	vld [tilespmem:s7+$0xFFFFFF90];
	v24 =	vmul.f32 v24, v33  }
0x346: {  	v10 =	vadd.f32 v18, v10;
	v35 =	vld [tilespmem:s7+$0xFFFFFF00];
	v9 =	vadd.f32 v17, v9;
	v18 =	vmul.f32 v28, v33  }
0x347: {  	v12 =	vadd.f32 v31, v12;
	v11 =	vadd.f32 v32, v11;
	v28 =	vld [tilespmem:s7+$0xFFFFFF10];
	v17 =	vmul.f32 v39, v6  }
0x348: {  	s6 =	sadd.s32 $0x5, s6;
	v10 =	vadd.f32 v24, v10;
	v31 =	vld [tilespmem:s7+$0xFFFFFF20];
	v9 =	vadd.f32 v18, v9;
	v18 =	vmul.f32 v40, v6  }
0x349: {  	p1 =	slt.u32 s6, $0x2D;
	v12 =	vadd.f32 v25, v12;
	v11 =	vadd.f32 v26, v11;
	v24 =	vld [tilespmem:s7+$0xFFFFFF30];
	v32 =	vmul.f32 v41, v33  }
0x34a: {  	v10 =	vadd.f32 v29, v10;
	v25 =	vld [tilespmem:s7+$0xFFFFFFA0];
	v39 =	vmul.f32 v19, v33;
	v9 =	vadd.f32 v30, v9  }
0x34b: {  	v12 =	vadd.f32 v36, v12;
	v11 =	vadd.f32 v37, v11;
	v26 =	vmul.f32 v35, v20;
	v29 =	vld [tilespmem:s7+$0xFFFFFFB0]  }
0x34c: {  	v10 =	vadd.f32 v38, v10;
	v28 =	vmul.f32 v28, v20;
	v30 =	vld [tilespmem:s7+$0x20];
	v9 =	vadd.f32 v22, v9  }
.Ltmp8:
0x34d: {  	v12 =	vadd.f32 v27, v12;
	v11 =	vadd.f32 v34, v11;
	v22 =	vmul.f32 v31, v20;
	v19 =	vld [tilespmem:s7+$0x30];
	(pc) =	sbr.rel @p1 .LBB2_19-.Ltmp8, $4  }
0x34e: {  	v10 =	vadd.f32 v23, v10;
	v24 =	vmul.f32 v24, v20;
	v20 =	vld [tilespmem:s7+$0xA0];
	v9 =	vadd.f32 v21, v9  }
0x34f: {  	v26 =	vadd.f32 v26, v13;
	v27 =	vadd.f32 v28, v14;
	v21 =	vmul.f32 v25, v33;
	v13 =	vld [tilespmem:s7+$0xB0]  }
0x350: {  	v23 =	vadd.f32 v22, v15;
	v22 =	vadd.f32 v24, v16;
	v24 =	vmul.f32 v29, v33;
	v14 =	vld [tilespmem:s7+$0x120]  }
0x351: {  	v26 =	vadd.f32 v32, v26;
	v25 =	vadd.f32 v39, v27;
	v16 =	vmul.f32 v30, v6;
	v15 =	vld [tilespmem:s7+$0x130];
	s7 =	sadd.s32 $0x280, s7  }
0x352: {  	_ = 	snop  }
0x353: {  	v21 =	vadd.f32 v21, v23;
	v17 =	vadd.f32 v17, v26  }
0x354: {  	v22 =	vadd.f32 v24, v22;
	v6 =	vmul.f32 v19, v6;
	v18 =	vadd.f32 v18, v25  }
0x355: {  	[tilespmem:s15+$0x13100] =	vst v12;
	v19 =	vmul.f32 v20, v3;
	v16 =	vadd.f32 v16, v21;
	v8 =	vadd.f32 v8, v17  }
0x356: {  	[tilespmem:s1+$0x13100] =	vst v11;
	v6 =	vadd.f32 v6, v22;
	v3 =	vmul.f32 v13, v3;
	v7 =	vadd.f32 v7, v18  }
0x357: {  	[tilespmem:s23+$0x13100] =	vst v10;
	v11 =	vmul.f32 v14, v2;
	v12 =	vadd.f32 v19, v16;
	v5 =	vadd.f32 v5, v8  }
0x358: {  	[tilespmem:s22+$0x13100] =	vst v9;
	v3 =	vadd.f32 v3, v6;
	v2 =	vmul.f32 v15, v2;
	v4 =	vadd.f32 v4, v7  }
0x359: {  	v6 =	vadd.f32 v11, v12;
	[tilespmem:s14+$0x13100] =	vst v5  }
0x35a: {  	v2 =	vadd.f32 v2, v3;
	[tilespmem:s24+$0x13100] =	vst v4  }
0x35b: {  	[tilespmem:s25+$0x13100] =	vst v6  }
0x35c: {  	[tilespmem:s16+$0x13100] =	vst v2  }
0x35d: {  	_ =	swait.ge [sflag:s31], $0x1900  }
0x35e: {  	s0 =	sadd.s32 @!p0 $0x480, s21;
	[sflag:s31] =	ssyncset.done $0x0  }
0x35f: {  	s5 =	simm.s32 @!p0 $0x11500;
	s1 =	simm.s32 @!p0 $0x32;
	[sflag:s31] =	ssyncadd.s32 $0xFFFFE700  }
0x360: {  	[tilespmem:s5], [sflag:$0x6] =	stream.indirect.gather @!p0 [hbm4b:s3+s1], $0x80, s0, s1, $0xb8;
	[tilespmem:$0x17600] =	vst v63  }
0x361: {  	v2 =	vld [tilespmem:s20+$0x8280]  }
0x362: {  	v3 =	vld [tilespmem:s20+$0x8290]  }
0x363: {  	v4 =	vld [tilespmem:s20+$0x82A0]  }
0x364: {  	v9 =	vld [tilespmem:s20+$0x82B0]  }
0x365: {  	v5 =	vld [tilespmem:s20+$0x82C0]  }
0x366: {  	v6 =	vld [tilespmem:s20+$0x82D0]  }
0x367: {  	v7 =	vld [tilespmem:s20+$0x82E0]  }
0x368: {  	s25 =	simm.s32 $0x11640;
	v8 =	vld [tilespmem:s20+$0x82F0]  }
0x369: {  	v10 =	vld [tilespmem:s25+$0xC0]  }
0x36a: {  	v11 =	vld [tilespmem:s25+$0xD0]  }
0x36b: {  	v12 =	vld [tilespmem:s25+$0xE0]  }
0x36c: {  	v13 =	vld [tilespmem:s25+$0xF0]  }
0x36d: {  	v14 =	vld [tilespmem:s25+$0x100]  }
0x36e: {  	v15 =	vld [tilespmem:s25+$0x110]  }
0x36f: {  	v16 =	vld [tilespmem:s25+$0x120]  }
0x370: {  	v17 =	vld [tilespmem:s25+$0x130]  }
0x371: {  	v18 =	vld [tilespmem:s25+$0xFFFFFED0]  }
0x372: {  	v19 =	vld [tilespmem:s25+$0xFFFFFEE0]  }
0x373: {  	v20 =	vld [tilespmem:s25+$0xFFFFFEF0]  }
0x374: {  	v21 =	vld [tilespmem:s25+$0xFFFFFF00]  }
0x375: {  	v22 =	vld [tilespmem:s25+$0xFFFFFF10]  }
0x376: {  	v23 =	vld [tilespmem:s25+$0xFFFFFF20]  }
0x377: {  	v48 =	vld [tilespmem:s25+$0xFFFFFF30]  }
0x378: {  	v49 =	vld [tilespmem:s25+$0xFFFFFF40]  }
0x379: {  	v28 =	vld [tilespmem:s25+$0xFFFFFF70]  }
0x37a: {  	v30 =	vld [tilespmem:s25+$0xFFFFFF90];
	v10 =	vmul.f32 v10, v2  }
0x37b: {  	v50 =	vld [tilespmem:s25+$0xFFFFFF50];
	v11 =	vmul.f32 v11, v3;
	v12 =	vmul.f32 v12, v4  }
0x37c: {  	v27 =	vld [tilespmem:s25+$0xFFFFFF60];
	v13 =	vmul.f32 v13, v9;
	v14 =	vmul.f32 v14, v5  }
0x37d: {  	v29 =	vld [tilespmem:s25+$0xFFFFFF80];
	v15 =	vmul.f32 v15, v6;
	v16 =	vmul.f32 v16, v7  }
0x37e: {  	v51 =	vld [tilespmem:s25+$0xFFFFFFE0];
	v17 =	vmul.f32 v17, v8;
	v53 =	vmul.f32 v28, v9  }
0x37f: {  	v52 =	vld [tilespmem:s25+$0xFFFFFFF0];
	v55 =	vmul.f32 v30, v6;
	v10 =	vadd.f32 v11, v10;
	v12 =	vadd.f32 v13, v12  }
0x380: {  	v11 =	vld [tilespmem:s25+$0xFFFFFFA0];
	v13 =	vadd.f32 v15, v14;
	v15 =	vmul.f32 v19, v4;
	v16 =	vadd.f32 v17, v16  }
0x381: {  	v14 =	vld [tilespmem:s25+$0xFFFFFFB0];
	v17 =	vmul.f32 v20, v9;
	v20 =	vmul.f32 v21, v5  }
0x382: {  	v54 =	vld [tilespmem:s25+$0x0];
	v21 =	vmul.f32 v22, v6;
	v12 =	vadd.f32 v12, v10;
	v13 =	vadd.f32 v16, v13  }
0x383: {  	v19 =	vld [tilespmem:s25+$0xFFFFFFC0];
	v16 =	vmul.f32 v23, v7;
	v23 =	vmul.f32 v48, v8;
	v10 =	vadd.f32 v17, v15  }
0x384: {  	v22 =	vld [tilespmem:s25+$0xFFFFFFD0];
	v15 =	vmul.f32 v49, v2;
	v17 =	vmul.f32 v50, v3;
	v20 =	vadd.f32 v21, v20  }
0x385: {  	v56 =	vld [tilespmem:s25+$0x10];
	v21 =	vmul.f32 v29, v5;
	v12 =	vadd.f32 v13, v12;
	v13 =	vmul.f32 v27, v4  }
0x386: {  	v23 =	vadd.f32 v23, v16;
	v16 =	vld [tilespmem:s25+$0x20];
	v11 =	vmul.f32 v11, v7;
	v14 =	vmul.f32 v14, v8  }
0x387: {  	v15 =	vadd.f32 v17, v15;
	v17 =	vld [tilespmem:s25+$0x30];
	v13 =	vadd.f32 v53, v13  }
0x388: {  	v57 =	vld [tilespmem:s25+$0x40];
	v21 =	vadd.f32 v55, v21;
	v11 =	vadd.f32 v14, v11  }
0x389: {  	v14 =	vmul.f32 v19, v2;
	v19 =	vld [tilespmem:s25+$0x50];
	v13 =	vadd.f32 v13, v15;
	v15 =	vmul.f32 v22, v3  }
0x38a: {  	v58 =	vld [tilespmem:s25+$0x60];
	v59 =	vmul.f32 v56, v6;
	v22 =	vmul.f32 v51, v4;
	v11 =	vadd.f32 v11, v21  }
0x38b: {  	v60 =	vld [tilespmem:s25+$0x70];
	v21 =	vmul.f32 v52, v9;
	v15 =	vadd.f32 v15, v14;
	v14 =	vmul.f32 v54, v5  }
0x38c: {  	v16 =	vmul.f32 v16, v7;
	v17 =	vmul.f32 v17, v8;
	v61 =	vadd.f32 v11, v13;
	v13 =	vld [tilespmem:s25+$0x80]  }
0x38d: {  	s15 =	sor.u32 $0x180, s20;
	s6 =	simm.s32 $0x17122;
	v62 =	vmul.f32 v57, v2;
	v21 =	vadd.f32 v21, v22;
	v22 =	vadd.f32 v59, v14;
	v14 =	vld [tilespmem:s25+$0x90]  }
0x38e: {  	s21 =	sor.u32 $0x1B0, s20;
	s7 =	simm.s32 $0x0;
	s8 =	simm.s32 $0x118C0;
	[tilespmem:s6+$0x22] =	vst v12;
	v12 =	vadd.f32 v23, v20;
	v63 =	vadd.f32 v17, v16;
	v16 =	vld [tilespmem:s25+$0xA0];
	v19 =	vmul.f32 v19, v3  }
0x38f: {  	s23 =	sor.u32 $0x1A0, s20;
	s22 =	sor.u32 $0x1E0, s20;
	s14 =	sor.u32 $0x1C0, s20;
	v20 =	vmul.f32 v58, v4;
	v11 =	vmul.f32 v18, v3;
	v17 =	vld [tilespmem:s25+$0xB0];
	v15 =	vadd.f32 v21, v15  }
0x390: {  	s24 =	sor.u32 $0x1D0, s20;
	s1 =	sor.u32 $0x190, s20;
	s20 =	sor.u32 $0x1F0, s20;
	v18 =	vld [tilespmem:s25+$0xFFFFFEC0];
	[tilespmem:s6+$0xFFFFFFEF] =	vst v61;
	v21 =	vadd.f32 v63, v22;
	v22 =	vmul.f32 v60, v9;
	v19 =	vadd.f32 v19, v62  }
.LBB2_21:
0x391: {  	v23 =	vld [tilespmem:s8+$0xC0];
	v13 =	vmul.f32 v13, v5  }
0x392: {  	v24 =	vld [tilespmem:s8+$0xD0];
	v15 =	vadd.f32 v21, v15;
	v14 =	vmul.f32 v14, v6;
	v20 =	vadd.f32 v22, v20  }
0x393: {  	v21 =	vld [tilespmem:s8+$0xE0];
	v16 =	vmul.f32 v16, v7  }
0x394: {  	v22 =	vld [tilespmem:s8+$0xF0];
	[tilespmem:s6+$0x0] =	vst v15;
	v15 =	vmul.f32 v17, v8;
	v13 =	vadd.f32 v14, v13;
	v14 =	vadd.f32 v20, v19  }
0x395: {  	v17 =	vld [tilespmem:s8+$0x100];
	v18 =	vmul.f32 v18, v2  }
0x396: {  	v19 =	vld [tilespmem:s8+$0x110];
	v15 =	vadd.f32 v15, v16  }
0x397: {  	v16 =	vld [tilespmem:s8+$0x120];
	v11 =	vadd.f32 v11, v18  }
0x398: {  	s7 =	sadd.s32 $0x5, s7;
	v18 =	vld [tilespmem:s8+$0x130];
	v13 =	vadd.f32 v15, v13  }
0x399: {  	p0 =	slt.u32 s7, $0x2D;
	v15 =	vld [tilespmem:s8+$0xFFFFFED0];
	v10 =	vadd.f32 v10, v11  }
0x39a: {  	v23 =	vmul.f32 v23, v2;
	v24 =	vmul.f32 v24, v3;
	v20 =	vld [tilespmem:s8+$0xFFFFFEE0];
	v11 =	vadd.f32 v13, v14  }
0x39b: {  	v14 =	vmul.f32 v21, v4;
	v21 =	vmul.f32 v22, v9;
	v13 =	vld [tilespmem:s8+$0xFFFFFEF0];
	v10 =	vadd.f32 v12, v10  }
0x39c: {  	v17 =	vmul.f32 v17, v5;
	v19 =	vmul.f32 v19, v6;
	v12 =	vld [tilespmem:s8+$0xFFFFFF00];
	[tilespmem:s6+$0x11] =	vst v11  }
0x39d: {  	v16 =	vmul.f32 v16, v7;
	v22 =	vld [tilespmem:s8+$0xFFFFFF10];
	v18 =	vmul.f32 v18, v8;
	[tilespmem:s6+$0xFFFFFFDE] =	vst v10  }
0x39e: {  	v14 =	vadd.f32 v21, v14;
	v10 =	vadd.f32 v24, v23;
	v25 =	vld [tilespmem:s8+$0xFFFFFF20];
	v11 =	vmul.f32 v15, v3  }
0x39f: {  	v17 =	vadd.f32 v19, v17;
	v15 =	vld [tilespmem:s8+$0xFFFFFF30];
	v20 =	vmul.f32 v20, v4;
	v16 =	vadd.f32 v18, v16  }
0x3a0: {  	v13 =	vmul.f32 v13, v9;
	v18 =	vld [tilespmem:s8+$0xFFFFFF40]  }
0x3a1: {  	v14 =	vadd.f32 v14, v10;
	v12 =	vmul.f32 v12, v5;
	v19 =	vld [tilespmem:s8+$0xFFFFFF50];
	v16 =	vadd.f32 v16, v17  }
0x3a2: {  	v17 =	vmul.f32 v22, v6;
	v10 =	vadd.f32 v13, v20;
	v13 =	vld [tilespmem:s8+$0xFFFFFF60]  }
0x3a3: {  	v20 =	vmul.f32 v25, v7;
	v21 =	vld [tilespmem:s8+$0xFFFFFF70];
	v14 =	vadd.f32 v16, v14  }
0x3a4: {  	s6 =	sadd.s32 $0x55, s6;
	v15 =	vmul.f32 v15, v8;
	v12 =	vadd.f32 v17, v12;
	v16 =	vld [tilespmem:s8+$0xFFFFFF80]  }
0x3a5: {  	s9 =	simm.s32 $0xF;
	s5 =	simm.s32 $0x17580;
	v17 =	vld [tilespmem:s8+$0xFFFFFF90];
	v18 =	vmul.f32 v18, v2;
	[tilespmem:s6+$0x22] =	vst v14  }
0x3a6: {  	v14 =	vadd.f32 v15, v20;
	v15 =	vld [tilespmem:s8+$0xFFFFFFA0];
	v19 =	vmul.f32 v19, v3  }
0x3a7: {  	v20 =	vld [tilespmem:s8+$0xFFFFFFB0];
	v13 =	vmul.f32 v13, v4  }
0x3a8: {  	v12 =	vadd.f32 v14, v12;
	v14 =	vmul.f32 v21, v9;
	v18 =	vadd.f32 v19, v18;
	v19 =	vld [tilespmem:s8+$0xFFFFFFC0]  }
0x3a9: {  	v16 =	vmul.f32 v16, v5;
	v21 =	vld [tilespmem:s8+$0xFFFFFFD0]  }
0x3aa: {  	v17 =	vmul.f32 v17, v6;
	v13 =	vadd.f32 v14, v13;
	v14 =	vld [tilespmem:s8+$0xFFFFFFE0]  }
0x3ab: {  	v15 =	vmul.f32 v15, v7;
	v22 =	vld [tilespmem:s8+$0xFFFFFFF0]  }
0x3ac: {  	v20 =	vmul.f32 v20, v8;
	v16 =	vadd.f32 v17, v16;
	v13 =	vadd.f32 v13, v18;
	v17 =	vld [tilespmem:s8+$0x0]  }
0x3ad: {  	v18 =	vld [tilespmem:s8+$0x10];
	v19 =	vmul.f32 v19, v2  }
0x3ae: {  	v15 =	vadd.f32 v20, v15;
	v20 =	vld [tilespmem:s8+$0x20];
	v21 =	vmul.f32 v21, v3  }
0x3af: {  	v23 =	vld [tilespmem:s8+$0x30];
	v14 =	vmul.f32 v14, v4  }
0x3b0: {  	v15 =	vadd.f32 v15, v16;
	v16 =	vmul.f32 v22, v9;
	v19 =	vadd.f32 v21, v19;
	v21 =	vld [tilespmem:s8+$0x40]  }
0x3b1: {  	v17 =	vmul.f32 v17, v5;
	v22 =	vld [tilespmem:s8+$0x50]  }
0x3b2: {  	v13 =	vadd.f32 v15, v13;
	v15 =	vmul.f32 v18, v6;
	v14 =	vadd.f32 v16, v14;
	v18 =	vld [tilespmem:s8+$0x60]  }
0x3b3: {  	v16 =	vmul.f32 v20, v7;
	v24 =	vld [tilespmem:s8+$0x70]  }
.Ltmp9:
0x3b4: {  	[tilespmem:s6+$0xFFFFFFEF] =	vst v13;
	v20 =	vmul.f32 v23, v8;
	v23 =	vadd.f32 v15, v17;
	v15 =	vadd.f32 v14, v19;
	v13 =	vld [tilespmem:s8+$0x80];
	(pc) =	sbr.rel @p0 .LBB2_21-.Ltmp9, $4  }
0x3b5: {  	v14 =	vld [tilespmem:s8+$0x90];
	v19 =	vmul.f32 v21, v2  }
0x3b6: {  	v21 =	vadd.f32 v20, v16;
	v16 =	vld [tilespmem:s8+$0xA0];
	v25 =	vmul.f32 v22, v3  }
0x3b7: {  	v17 =	vld [tilespmem:s8+$0xB0];
	v20 =	vmul.f32 v18, v4  }
0x3b8: {  	v18 =	vld [tilespmem:s8+$0xFFFFFEC0];
	v21 =	vadd.f32 v21, v23;
	v22 =	vmul.f32 v24, v9;
	v19 =	vadd.f32 v25, v19;
	s8 =	sadd.s32 $0x280, s8  }
0x3b9: {  	_ =	sdelay $0x1  }
0x3ba: {  	v3 =	vmul.f32 v13, v5;
	v4 =	vmul.f32 v14, v6  }
0x3bb: {  	v5 =	vmul.f32 v16, v7;
	v6 =	vmul.f32 v17, v8  }
0x3bc: {  	v7 =	vadd.f32 v22, v20;
	v2 =	vmul.f32 v18, v2  }
0x3bd: {  	v3 =	vadd.f32 v4, v3;
	v4 =	vadd.f32 v6, v5  }
0x3be: {  	v2 =	vadd.f32 v11, v2  }
0x3bf: {  	v5 =	vadd.f32 v7, v19;
	v3 =	vadd.f32 v4, v3  }
0x3c0: {  	s8 =	simm.s32 $0x7;
	v6 =	vadd.s32 s9, v1;
	v4 =	vadd.f32 v21, v15;
	v2 =	vadd.f32 v10, v2  }
0x3c1: {  	s0 =	simm.s32 $0x0;
	v7 =	vadd.s32 s8, v1;
	v3 =	vadd.f32 v3, v5  }
0x3c2: {  	s17 =	simm.s32 $0xB;
	v5 =	vadd.s32 s0, v1;
	[tilespmem:s6+$0x0] =	vst v4;
	v2 =	vadd.f32 v12, v2  }
0x3c3: {  	v4 =	vadd.s32 s17, v1;
	s17 =	simm.s32 $0x9;
	[tilespmem:s6+$0x11] =	vst v3  }
0x3c4: {  	s7 =	simm.s32 $0xE;
	v9 =	vadd.s32 s17, v1;
	[tilespmem:s6+$0xFFFFFFDE] =	vst v2  }
0x3c5: {  	s25 =	simm.s32 $0x6;
	v3 =	vadd.s32 s7, v1;
	v8 =	vld.idx.msk [tilespmem:v6+s28+$0x0], $0xffff  }
0x3c6: {  	s9 =	simm.s32 $0x8;
	v2 =	vadd.s32 s25, v1;
	v7 =	vld.idx.msk [tilespmem:v7+s28+$0x0], $0xffff  }
0x3c7: {  	s25 =	simm.s32 $0x4;
	v6 =	vadd.s32 s9, v1;
	v10 =	vld.idx.msk [tilespmem:v5+s28+$0x0], $0xffff  }
0x3c8: {  	s10 =	simm.s32 $0xD;
	v13 =	vadd.s32 s25, v1;
	v11 =	vld.idx.msk [tilespmem:v4+s28+$0x0], $0xffff  }
0x3c9: {  	s11 =	simm.s32 $0x1;
	v5 =	vadd.s32 s10, v1;
	v20 =	vld.idx.msk [tilespmem:v9+s28+$0x0], $0xffff  }
0x3ca: {  	v4 =	vadd.s32 s11, v1;
	s10 =	simm.s32 $0x5;
	v14 =	vld.idx.msk [tilespmem:v3+s28+$0x0], $0xffff  }
0x3cb: {  	s13 =	simm.s32 $0x2;
	v19 =	vadd.s32 s10, v1;
	v12 =	vld.idx.msk [tilespmem:v2+s28+$0x0], $0xffff  }
0x3cc: {  	s16 =	simm.s32 $0x3;
	v3 =	vadd.s32 s13, v1;
	v6 =	vld.idx.msk [tilespmem:v6+s28+$0x0], $0xffff  }
0x3cd: {  	s17 =	simm.s32 $0x116;
	v2 =	vadd.s32 s16, v1;
	v21 =	vld.idx.msk [tilespmem:v13+s28+$0x0], $0xffff  }
0x3ce: {  	s7 =	simm.s32 $0xA;
	v24 =	vadd.s32 s17, v1;
	v16 =	vld.idx.msk [tilespmem:v5+s28+$0x0], $0xffff  }
0x3cf: {  	s8 =	simm.s32 $0x11F;
	v15 =	vld.idx.msk [tilespmem:v4+s28+$0x0], $0xffff;
	v4 =	vadd.s32 s7, v1  }
0x3d0: {  	s9 =	simm.s32 $0xC;
	v5 =	vadd.s32 s8, v1;
	v19 =	vld.idx.msk [tilespmem:v19+s28+$0x0], $0xffff  }
0x3d1: {  	s11 =	simm.s32 $0x110;
	v17 =	vld.idx.msk [tilespmem:v3+s28+$0x0], $0xffff;
	v3 =	vadd.s32 s9, v1  }
0x3d2: {  	v9 =	vadd.s32 s11, v1;
	s13 =	simm.s32 $0x11B;
	v18 =	vld.idx.msk [tilespmem:v2+s28+$0x0], $0xffff  }
0x3d3: {  	s16 =	simm.s32 $0x11E;
	v13 =	vadd.s32 s13, v1;
	v30 =	vadd.f32 v7, v12;
	v12 =	vld.idx.msk [tilespmem:v24+s28+$0x0], $0xffff  }
0x3d4: {  	s25 =	simm.s32 $0x117;
	v23 =	vadd.s32 s16, v1;
	v22 =	vld.idx.msk [tilespmem:v4+s28+$0x0], $0xffff  }
0x3d5: {  	v26 =	vadd.s32 s25, v1;
	s8 =	simm.s32 $0x11D;
	v2 =	vld.idx.msk [tilespmem:v5+s28+$0x0], $0xffff  }
0x3d6: {  	s6 =	simm.s32 $0x118;
	v29 =	vadd.s32 s8, v1;
	s9 =	simm.s32 $0x111;
	v25 =	vld.idx.msk [tilespmem:v3+s28+$0x0], $0xffff  }
0x3d7: {  	v27 =	vadd.s32 s6, v1;
	s13 =	simm.s32 $0x114;
	s16 =	simm.s32 $0x115;
	v28 =	vadd.s32 s9, v1;
	v4 =	vld.idx.msk [tilespmem:v9+s28+$0x0], $0xffff  }
0x3d8: {  	s10 =	simm.s32 $0x112;
	v7 =	vadd.s32 s13, v1;
	v20 =	vadd.f32 v20, v6;
	v6 =	vadd.s32 s16, v1;
	v5 =	vld.idx.msk [tilespmem:v13+s28+$0x0], $0xffff  }
0x3d9: {  	s11 =	simm.s32 $0x113;
	v9 =	vadd.s32 s10, v1;
	v31 =	vadd.f32 v15, v10;
	v15 =	vld.idx.msk [tilespmem:v23+s28+$0x0], $0xffff;
	v23 =	vadd.f32 v8, v14  }
0x3da: {  	s7 =	simm.s32 $0x11C;
	v10 =	vadd.s32 s11, v1;
	v13 =	vld.idx.msk [tilespmem:v26+s28+$0x0], $0xffff;
	v19 =	vadd.f32 v19, v21;
	v17 =	vadd.f32 v18, v17  }
0x3db: {  	s17 =	simm.s32 $0x119;
	v8 =	vld.idx.msk [tilespmem:v29+s28+$0x0], $0xffff;
	v3 =	vadd.s32 s7, v1;
	v22 =	vadd.f32 v11, v22;
	v16 =	vadd.f32 v16, v25  }
0x3dc: {  	s25 =	simm.s32 $0x11A;
	v18 =	vadd.s32 s17, v1;
	v19 =	vadd.f32 v30, v19;
	v11 =	vld.idx.msk [tilespmem:v27+s28+$0x0], $0xffff;
	v14 =	vadd.f32 v17, v31  }
0x3dd: {  	s6 =	simm.s32 $0x17590;
	s7 =	simm.s32 $0x22F;
	v17 =	vadd.s32 s25, v1;
	v20 =	vadd.f32 v22, v20;
	v21 =	vadd.f32 v23, v16;
	v16 =	vld.idx.msk [tilespmem:v28+s28+$0x0], $0xffff  }
.LBB2_23:
0x3de: {  	s0 =	sadd.s32 $0xFFFFFFF1, s7  }
0x3df: {  	s8 =	sadd.s32 $0xFFFFFFF7, s7;
	s9 =	sadd.s32 $0xFFFFFFFD, s7;
	v22 =	vadd.s32 s7, v1;
	v23 =	vld.idx.msk [tilespmem:v9+s28+$0x0], $0xffff;
	v20 =	vadd.f32 v21, v20;
	v21 =	vmov v15;
	s10 =	smov.u32 s7  }
0x3e0: {  	s11 =	sadd.s32 $0xFFFFFFF8, s7;
	v15 =	vadd.s32 s0, v1;
	s0 =	sadd.s32 $0xFFFFFFF2, s7;
	v24 =	vadd.s32 s9, v1;
	s9 =	sadd.s32 $0xFFFFFFFF, s7;
	v25 =	vld.idx.msk [tilespmem:v10+s28+$0x0], $0xffff;
	v10 =	vadd.f32 v19, v14  }
0x3e1: {  	s13 =	sadd.s32 $0xFFFFFFFE, s7;
	v26 =	vadd.s32 s11, v1;
	s11 =	sadd.s32 $0xFFFFFFFC, s7;
	v19 =	vadd.s32 s0, v1;
	s0 =	sadd.s32 $0xFFFFFFF3, s7;
	v27 =	vadd.s32 s9, v1;
	v14 =	vld.idx.msk [tilespmem:v18+s28+$0x0], $0xffff  }
0x3e2: {  	s16 =	sadd.s32 $0xFFFFFFFB, s7;
	v28 =	vadd.s32 s13, v1;
	s9 =	sadd.s32 $0xFFFFFFF9, s7;
	v9 =	vadd.s32 s0, v1;
	s0 =	sadd.s32 $0xFFFFFFF4, s7;
	v29 =	vld.idx.msk [tilespmem:v7+s28+$0x0], $0xffff;
	v18 =	vadd.f32 v20, v10  }
0x3e3: {  	v30 =	vadd.s32 s11, v1;
	s11 =	sadd.s32 $0x110, s7;
	v20 =	vadd.s32 s9, v1;
	s9 =	sadd.s32 $0xFFFFFFFA, s10;
	v10 =	vadd.s32 s0, v1;
	s0 =	sadd.s32 $0xFFFFFFF5, s10;
	v17 =	vld.idx.msk [tilespmem:v17+s28+$0x0], $0xffff  }
0x3e4: {  	p0 =	sne.s32 s7, $0x33F;
	v31 =	vadd.s32 s8, v1;
	v32 =	vadd.f32 v13, v12;
	v7 =	vadd.s32 s0, v1;
	s0 =	sadd.s32 $0xFFFFFFF6, s10;
	v22 =	vld.idx.msk [tilespmem:v22+s28+$0x0], $0xffff;
	[tilespmem:s5+$0x0] =	vst v18;
	s5 =	smov.u32 s6  }
0x3e5: {  	v13 =	vadd.f32 v16, v4;
	v12 =	vadd.s32 s0, v1;
	v18 =	vld.idx.msk [tilespmem:v3+s28+$0x0], $0xffff;
	v3 =	vmov v24  }
0x3e6: {  	v23 =	vadd.f32 v25, v23;
	v16 =	vld.idx.msk [tilespmem:v6+s28+$0x0], $0xffff;
	v6 =	vmov v12  }
0x3e7: {  	v24 =	vadd.f32 v14, v11;
	v4 =	vld.idx.msk [tilespmem:v15+s28+$0x0], $0xffff  }
0x3e8: {  	v14 =	vadd.f32 v23, v13;
	v25 =	vld.idx.msk [tilespmem:v30+s28+$0x0], $0xffff  }
0x3e9: {  	v5 =	vadd.f32 v5, v17;
	v15 =	vld.idx.msk [tilespmem:v27+s28+$0x0], $0xffff  }
.Ltmp10:
0x3ea: {  	v12 =	vld.idx.msk [tilespmem:v31+s28+$0x0], $0xffff;
	(pc) =	sbr.rel @p0 .LBB2_23-.Ltmp10, $4  }
0x3eb: {  	v21 =	vadd.f32 v2, v21;
	v2 =	vmov v22;
	v17 =	vadd.f32 v8, v18;
	v13 =	vld.idx.msk [tilespmem:v26+s28+$0x0], $0xffff  }
0x3ec: {  	v18 =	vadd.s32 s9, v1;
	v22 =	vadd.f32 v16, v29;
	v11 =	vld.idx.msk [tilespmem:v20+s28+$0x0], $0xffff  }
0x3ed: {  	v20 =	vadd.f32 v5, v24;
	v21 =	vadd.f32 v21, v17;
	v8 =	vld.idx.msk [tilespmem:v28+s28+$0x0], $0xffff  }
0x3ee: {  	s7 =	smov.u32 s11;
	s6 =	sadd.s32 $0x10, s6;
	v17 =	vadd.s32 s16, v1;
	v5 =	vmov v25;
	v16 =	vld.idx.msk [tilespmem:v19+s28+$0x0], $0xffff;
	v19 =	vadd.f32 v32, v22  }
0x3ef: {  	_ =	sdelay $0x3  }
0x3f0: {  	v9 =	vld.idx.msk [tilespmem:v9+s28+$0x0], $0xffff  }
0x3f1: {  	v10 =	vld.idx.msk [tilespmem:v10+s28+$0x0], $0xffff  }
0x3f2: {  	v18 =	vld.idx.msk [tilespmem:v18+s28+$0x0], $0xffff  }
0x3f3: {  	v7 =	vld.idx.msk [tilespmem:v7+s28+$0x0], $0xffff  }
0x3f4: {  	v17 =	vld.idx.msk [tilespmem:v17+s28+$0x0], $0xffff  }
0x3f5: {  	v3 =	vld.idx.msk [tilespmem:v3+s28+$0x0], $0xffff  }
0x3f6: {  	v6 =	vld.idx.msk [tilespmem:v6+s28+$0x0], $0xffff;
	_ =	sdelay $0x1  }
0x3f7: {  	v2 =	vadd.f32 v2, v15;
	v12 =	vadd.f32 v13, v12  }
0x3f8: {  	v4 =	vadd.f32 v16, v4;
	v9 =	vadd.f32 v10, v9  }
0x3f9: {  	v10 =	vadd.f32 v18, v11;
	v5 =	vadd.f32 v5, v17  }
0x3fa: {  	v3 =	vadd.f32 v8, v3;
	v6 =	vadd.f32 v6, v7  }
0x3fb: {  	v4 =	vadd.f32 v9, v4;
	v5 =	vadd.f32 v5, v10  }
0x3fc: {  	v2 =	vadd.f32 v2, v3;
	v3 =	vadd.f32 v12, v6  }
0x3fd: {  	v7 =	vadd.f32 v19, v14;
	v6 =	vadd.f32 v21, v20  }
0x3fe: {  	v2 =	vadd.f32 v2, v5;
	v3 =	vadd.f32 v3, v4  }
0x3ff: {  	v4 =	vadd.f32 v6, v7  }
0x400: {  	v2 =	vadd.f32 v2, v3  }
0x401: {  	[tilespmem:s5+$0x0] =	vst v4  }
0x402: {  	s7 =	simm.s32 $0x11640;
	[tilespmem:s6+$0x0] =	vst v2  }
0x403: {  	v4 =	vld [tilespmem:s7+$0xC0]  }
0x404: {  	v5 =	vld [tilespmem:s7+$0xD0]  }
0x405: {  	v7 =	vld [tilespmem:s7+$0xE0]  }
0x406: {  	v8 =	vld [tilespmem:s7+$0xF0]  }
0x407: {  	v9 =	vld [tilespmem:s7+$0x100]  }
0x408: {  	s5 =	simm.s32 $0x17582;
	v10 =	vld [tilespmem:s7+$0x110]  }
0x409: {  	v2 =	vld.msk [tilespmem:s5+$0x2 ss:$0x0], $0xffff  }
0x40a: {  	v11 =	vld [tilespmem:s7+$0x40]  }
0x40b: {  	v12 =	vld [tilespmem:s7+$0x50]  }
0x40c: {  	v13 =	vld [tilespmem:s7+$0x60]  }
0x40d: {  	v14 =	vld [tilespmem:s7+$0x70]  }
0x40e: {  	v15 =	vld [tilespmem:s7+$0x80]  }
0x40f: {  	v16 =	vld [tilespmem:s7+$0x90]  }
0x410: {  	v3 =	vld.msk [tilespmem:s5+$0x1 ss:$0x0], $0xffff  }
0x411: {  	v17 =	vld [tilespmem:s7+$0xFFFFFFC0]  }
0x412: {  	v18 =	vld [tilespmem:s7+$0xFFFFFFD0]  }
0x413: {  	v19 =	vld [tilespmem:s7+$0xFFFFFFE0]  }
0x414: {  	v20 =	vld [tilespmem:s7+$0xFFFFFFF0]  }
0x415: {  	v6 =	vld.msk [tilespmem:s5+$0x0 ss:$0x0], $0xffff  }
0x416: {  	v21 =	vld [tilespmem:s7+$0xFFFFFF40]  }
0x417: {  	v22 =	vld [tilespmem:s7+$0xFFFFFF50]  }
0x418: {  	v24 =	vld.msk [tilespmem:s5+$0xFFFFFFFF ss:$0x0], $0xffff;
	v23 =	vmul.f32 v4, v2  }
0x419: {  	v26 =	vld [tilespmem:s7+$0xFFFFFEC0];
	v25 =	vmul.f32 v5, v2;
	v27 =	vmul.f32 v7, v2  }
0x41a: {  	v29 =	vld [tilespmem:s7+$0xFFFFFED0];
	v28 =	vmul.f32 v8, v2;
	v5 =	vmul.f32 v9, v2  }
0x41b: {  	v4 =	vmul.f32 v10, v2;
	v9 =	vld.msk [tilespmem:s5+$0xFFFFFFFE ss:$0x0], $0xffff;
	v10 =	vmul.f32 v11, v3  }
0x41c: {  	v11 =	vmul.f32 v12, v3;
	v12 =	vld [tilespmem:s7+$0xFFFFFEE0];
	v13 =	vmul.f32 v13, v3  }
0x41d: {  	v30 =	vld [tilespmem:s7+$0xFFFFFEF0];
	v14 =	vmul.f32 v14, v3;
	v8 =	vmul.f32 v15, v3  }
0x41e: {  	v7 =	vmul.f32 v16, v3;
	v15 =	vld [tilespmem:s7+$0xFFFFFF60];
	v16 =	vmul.f32 v17, v6  }
0x41f: {  	v31 =	vmul.f32 v18, v6;
	v17 =	vld [tilespmem:s7+$0xFFFFFF70];
	v18 =	vmul.f32 v21, v24  }
0x420: {  	v32 =	vld [tilespmem:s7+$0x10];
	v21 =	vmul.f32 v22, v24;
	v26 =	vmul.f32 v26, v9  }
0x421: {  	v33 =	vimm.f32 $0.0e+00;
	v22 =	vld [tilespmem:s7+$0x0];
	v29 =	vmul.f32 v29, v9;
	v12 =	vmul.f32 v12, v9  }
0x422: {  	v34 =	vld [tilespmem:s7+$0xFFFFFF80];
	v19 =	vmul.f32 v19, v6;
	v30 =	vmul.f32 v30, v9;
	v26 =	vadd.f32 v26, v33  }
0x423: {  	v35 =	vld [tilespmem:s7+$0xFFFFFF90];
	v15 =	vmul.f32 v15, v24;
	v29 =	vadd.f32 v29, v33;
	v12 =	vadd.f32 v12, v33  }
0x424: {  	v36 =	vld [tilespmem:s7+$0xFFFFFF00];
	v37 =	vmul.f32 v17, v24;
	v30 =	vadd.f32 v30, v33;
	v26 =	vadd.f32 v18, v26  }
0x425: {  	v38 =	vld [tilespmem:s7+$0xFFFFFF10];
	v20 =	vmul.f32 v20, v6;
	v21 =	vadd.f32 v21, v29;
	v12 =	vadd.f32 v15, v12  }
0x426: {  	v17 =	vmul.f32 v22, v6;
	v22 =	vld [tilespmem:s7+$0xFFFFFF20];
	v15 =	vadd.f32 v37, v30;
	v16 =	vadd.f32 v16, v26  }
0x427: {  	v58 =	vld [tilespmem:s7+$0xFFFFFF30];
	v59 =	vmul.f32 v34, v24;
	v21 =	vadd.f32 v31, v21;
	v12 =	vadd.f32 v19, v12  }
0x428: {  	v62 =	vld [tilespmem:s7+$0xFFFFFFB0];
	v60 =	vmul.f32 v35, v24;
	v15 =	vadd.f32 v20, v15;
	v10 =	vadd.f32 v10, v16  }
0x429: {  	v61 =	vmul.f32 v36, v9;
	v26 =	vld [tilespmem:s7+$0xFFFFFFA0];
	v11 =	vadd.f32 v11, v21;
	v13 =	vadd.f32 v13, v12  }
0x42a: {  	v63 =	vld [tilespmem:s7+$0x20];
	v16 =	vmul.f32 v38, v9;
	v14 =	vadd.f32 v14, v15;
	v12 =	vadd.f32 v23, v10  }
0x42b: {  	v19 =	vld [tilespmem:s7+$0x30];
	v15 =	vmul.f32 v22, v9;
	v11 =	vadd.f32 v25, v11;
	v10 =	vadd.f32 v27, v13  }
0x42c: {  	v20 =	vld [tilespmem:s7+$0xA0];
	v22 =	vmul.f32 v58, v9;
	v9 =	vadd.f32 v28, v14;
	v25 =	vadd.f32 v61, v33  }
0x42d: {  	v18 =	vmul.f32 v32, v6;
	v16 =	vadd.f32 v16, v33;
	v13 =	vld [tilespmem:s7+$0xB0];
	v23 =	vadd.f32 v15, v33  }
0x42e: {  	v22 =	vadd.f32 v22, v33;
	v14 =	vld [tilespmem:s7+$0x120];
	v21 =	vmul.f32 v26, v24;
	v24 =	vmul.f32 v62, v24  }
0x42f: {  	s6 =	simm.s32 $0x0;
	v15 =	vld [tilespmem:s7+$0x130];
	s7 =	simm.s32 $0x118C0;
	v26 =	vadd.f32 v59, v25;
	v25 =	vadd.f32 v60, v16;
	v16 =	vmul.f32 v63, v6  }
.LBB2_25:
0x430: {  	v27 =	vld [tilespmem:s7+$0xC0];
	v21 =	vadd.f32 v21, v23;
	v22 =	vadd.f32 v24, v22;
	v6 =	vmul.f32 v19, v6  }
0x431: {  	v19 =	vld [tilespmem:s7+$0xD0];
	v17 =	vadd.f32 v17, v26;
	v18 =	vadd.f32 v18, v25;
	v20 =	vmul.f32 v20, v3  }
0x432: {  	v23 =	vld [tilespmem:s7+$0xE0];
	v16 =	vadd.f32 v16, v21;
	v6 =	vadd.f32 v6, v22;
	v3 =	vmul.f32 v13, v3  }
0x433: {  	v21 =	vld [tilespmem:s7+$0xF0];
	v8 =	vadd.f32 v8, v17;
	v7 =	vadd.f32 v7, v18;
	v17 =	vmul.f32 v14, v2  }
0x434: {  	v18 =	vld [tilespmem:s7+$0x100];
	v16 =	vadd.f32 v20, v16;
	v3 =	vadd.f32 v3, v6;
	v6 =	vmul.f32 v15, v2  }
0x435: {  	s5 =	sadd.s32 $0x5, s5;
	v20 =	vld [tilespmem:s7+$0x110];
	v13 =	vadd.f32 v5, v8;
	v14 =	vadd.f32 v4, v7  }
0x436: {  	v2 =	vld.msk [tilespmem:s5+$0x2 ss:$0x0], $0xffff;
	v15 =	vadd.f32 v17, v16;
	v16 =	vadd.f32 v6, v3  }
0x437: {  	v7 =	vld [tilespmem:s7+$0x40]  }
0x438: {  	v8 =	vld [tilespmem:s7+$0x50]  }
0x439: {  	v17 =	vld [tilespmem:s7+$0x60]  }
0x43a: {  	v22 =	vld [tilespmem:s7+$0x70]  }
0x43b: {  	v24 =	vld [tilespmem:s7+$0x80]  }
0x43c: {  	v25 =	vld [tilespmem:s7+$0x90]  }
0x43d: {  	v3 =	vld.msk [tilespmem:s5+$0x1 ss:$0x0], $0xffff  }
0x43e: {  	v26 =	vld [tilespmem:s7+$0xFFFFFFC0]  }
0x43f: {  	v28 =	vld [tilespmem:s7+$0xFFFFFFD0]  }
0x440: {  	v29 =	vld [tilespmem:s7+$0xFFFFFFE0]  }
0x441: {  	v30 =	vld [tilespmem:s7+$0xFFFFFFF0]  }
0x442: {  	v6 =	vld.msk [tilespmem:s5+$0x0 ss:$0x0], $0xffff  }
0x443: {  	v31 =	vld [tilespmem:s7+$0xFFFFFF40]  }
0x444: {  	v32 =	vld [tilespmem:s7+$0xFFFFFF50]  }
0x445: {  	v27 =	vmul.f32 v27, v2;
	v34 =	vmul.f32 v19, v2;
	v33 =	vld.msk [tilespmem:s5+$0xFFFFFFFF ss:$0x0], $0xffff  }
0x446: {  	v23 =	vmul.f32 v23, v2;
	v21 =	vmul.f32 v21, v2;
	v19 =	vld [tilespmem:s7+$0xFFFFFEC0]  }
0x447: {  	v5 =	vmul.f32 v18, v2;
	v4 =	vmul.f32 v20, v2;
	v35 =	vld [tilespmem:s7+$0xFFFFFED0]  }
0x448: {  	v36 =	vmul.f32 v7, v3;
	v37 =	vmul.f32 v8, v3;
	v20 =	vld.msk [tilespmem:s5+$0xFFFFFFFE ss:$0x0], $0xffff  }
0x449: {  	v38 =	vmul.f32 v17, v3;
	v22 =	vmul.f32 v22, v3;
	v18 =	vld [tilespmem:s7+$0xFFFFFEE0]  }
0x44a: {  	v8 =	vmul.f32 v24, v3;
	v7 =	vmul.f32 v25, v3;
	v17 =	vld [tilespmem:s7+$0xFFFFFEF0]  }
0x44b: {  	v25 =	vmul.f32 v26, v6;
	v26 =	vmul.f32 v28, v6;
	v24 =	vld [tilespmem:s7+$0xFFFFFF60]  }
0x44c: {  	v29 =	vmul.f32 v29, v6;
	v30 =	vmul.f32 v30, v6;
	v28 =	vld [tilespmem:s7+$0xFFFFFF70]  }
0x44d: {  	v31 =	vmul.f32 v31, v33;
	v32 =	vmul.f32 v32, v33;
	v39 =	vld [tilespmem:s7+$0x0]  }
0x44e: {  	v19 =	vmul.f32 v19, v20;
	v35 =	vmul.f32 v35, v20;
	v40 =	vld [tilespmem:s7+$0x10]  }
0x44f: {  	v18 =	vmul.f32 v18, v20;
	v17 =	vmul.f32 v17, v20;
	v41 =	vld [tilespmem:s7+$0xFFFFFF80]  }
0x450: {  	v12 =	vadd.f32 v19, v12;
	v11 =	vadd.f32 v35, v11;
	v19 =	vld [tilespmem:s7+$0xFFFFFF90];
	v24 =	vmul.f32 v24, v33  }
0x451: {  	v10 =	vadd.f32 v18, v10;
	v35 =	vld [tilespmem:s7+$0xFFFFFF00];
	v9 =	vadd.f32 v17, v9;
	v18 =	vmul.f32 v28, v33  }
0x452: {  	v12 =	vadd.f32 v31, v12;
	v11 =	vadd.f32 v32, v11;
	v28 =	vld [tilespmem:s7+$0xFFFFFF10];
	v17 =	vmul.f32 v39, v6  }
0x453: {  	s6 =	sadd.s32 $0x5, s6;
	v10 =	vadd.f32 v24, v10;
	v31 =	vld [tilespmem:s7+$0xFFFFFF20];
	v9 =	vadd.f32 v18, v9;
	v18 =	vmul.f32 v40, v6  }
0x454: {  	p0 =	slt.u32 s6, $0x2D;
	v12 =	vadd.f32 v25, v12;
	v11 =	vadd.f32 v26, v11;
	v24 =	vld [tilespmem:s7+$0xFFFFFF30];
	v32 =	vmul.f32 v41, v33  }
0x455: {  	v10 =	vadd.f32 v29, v10;
	v25 =	vld [tilespmem:s7+$0xFFFFFFA0];
	v39 =	vmul.f32 v19, v33;
	v9 =	vadd.f32 v30, v9  }
0x456: {  	v12 =	vadd.f32 v36, v12;
	v11 =	vadd.f32 v37, v11;
	v26 =	vmul.f32 v35, v20;
	v29 =	vld [tilespmem:s7+$0xFFFFFFB0]  }
0x457: {  	v10 =	vadd.f32 v38, v10;
	v28 =	vmul.f32 v28, v20;
	v30 =	vld [tilespmem:s7+$0x20];
	v9 =	vadd.f32 v22, v9  }
.Ltmp11:
0x458: {  	v12 =	vadd.f32 v27, v12;
	v11 =	vadd.f32 v34, v11;
	v22 =	vmul.f32 v31, v20;
	v19 =	vld [tilespmem:s7+$0x30];
	(pc) =	sbr.rel @p0 .LBB2_25-.Ltmp11, $4  }
0x459: {  	v10 =	vadd.f32 v23, v10;
	v24 =	vmul.f32 v24, v20;
	v20 =	vld [tilespmem:s7+$0xA0];
	v9 =	vadd.f32 v21, v9  }
0x45a: {  	v26 =	vadd.f32 v26, v13;
	v27 =	vadd.f32 v28, v14;
	v21 =	vmul.f32 v25, v33;
	v13 =	vld [tilespmem:s7+$0xB0]  }
0x45b: {  	v23 =	vadd.f32 v22, v15;
	v22 =	vadd.f32 v24, v16;
	v24 =	vmul.f32 v29, v33;
	v14 =	vld [tilespmem:s7+$0x120]  }
0x45c: {  	v26 =	vadd.f32 v32, v26;
	v25 =	vadd.f32 v39, v27;
	v16 =	vmul.f32 v30, v6;
	v15 =	vld [tilespmem:s7+$0x130];
	s7 =	sadd.s32 $0x280, s7  }
0x45d: {  	_ = 	snop  }
0x45e: {  	v21 =	vadd.f32 v21, v23;
	v17 =	vadd.f32 v17, v26  }
0x45f: {  	v22 =	vadd.f32 v24, v22;
	v6 =	vmul.f32 v19, v6;
	v18 =	vadd.f32 v18, v25  }
0x460: {  	[tilespmem:s15+$0x13100] =	vst v12;
	v60 =	vmul.f32 v20, v3;
	v16 =	vadd.f32 v16, v21;
	v8 =	vadd.f32 v8, v17  }
0x461: {  	s19 =	sadd.s32 $0x1, s19;
	[tilespmem:s1+$0x13100] =	vst v11;
	v6 =	vadd.f32 v6, v22;
	v3 =	vmul.f32 v13, v3;
	v7 =	vadd.f32 v7, v18  }
0x462: {  	p0 =	sne.s32 s19, $0x20;
	[tilespmem:s23+$0x13100] =	vst v10;
	v61 =	vmul.f32 v14, v2;
	v62 =	vadd.f32 v60, v16;
	v5 =	vadd.f32 v5, v8  }
.Ltmp12:
0x463: {  	[tilespmem:s21+$0x13100] =	vst v9;
	v3 =	vadd.f32 v3, v6;
	v2 =	vmul.f32 v15, v2;
	v4 =	vadd.f32 v4, v7;
	(pc) =	sbr.rel @p0 .LBB2_2-.Ltmp12, $4  }
0x464: {  	v63 =	vadd.f32 v61, v62;
	[tilespmem:s14+$0x13100] =	vst v5  }
0x465: {  	v2 =	vadd.f32 v2, v3;
	[tilespmem:s24+$0x13100] =	vst v4  }
0x466: {  	[tilespmem:s22+$0x13100] =	vst v63  }
0x467: {  	[tilespmem:s20+$0x13100] =	vst v2  }
0x468: {  	s0 =	simm.s32 $0x1  }
0x469: {  	_ =	swait.ge [sflag:s0], $0x4000  }
0x46a: {  	[sflag:s0] =	ssyncset.done $0x0  }
0x46b: {  	s6 =	simm.s32 $0x4100;
	s22 =	rddreg [dreg:$0x9];
	[sflag:s0] =	ssyncadd.s32 $0xFFFFC000  }
0x46c: {  	[hbm4b:s22+s4] =	stream.linear.scatter [tilespmem:s6], [sflag:$0x7], $0x4000, $0x38;
	[tilespmem:$0x17600] =	vst v63  }
0x46d: {  	_ =	swait.ge [sflag:s12], $0x4000  }
0x46e: {  	[sflag:s12] =	ssyncset.done $0x0  }
0x46f: {  	s7 =	simm.s32 $0x8100;
	s23 =	rddreg [dreg:$0xa];
	[sflag:s12] =	ssyncadd.s32 $0xFFFFC000  }
0x470: {  	[hbm4b:s23+s4] =	stream.linear.scatter [tilespmem:s7], [sflag:$0x7], $0x4000, $0x38;
	[tilespmem:$0x17600] =	vst v63  }
0x471: {  	_ =	swait.ge [sflag:s12], $0x4000  }
0x472: {  	[sflag:s12] =	ssyncset.done $0x0  }
0x473: {  	s1 =	simm.s32 $0x13100;
	s24 =	rddreg [dreg:$0xb];
	[sflag:s12] =	ssyncadd.s32 $0xFFFFC000  }
0x474: {  	[hbm4b:s24+s4] =	stream.linear.scatter [tilespmem:s1], [sflag:$0x7], $0x4000, $0x38;
	[tilespmem:$0x17600] =	vst v63  }
0x475: {  	_ =	swait.ge [sflag:s12], $0x4000  }
0x476: {  	s2 =	sadd.s32 $0x1, s2;
	s25 =	rddreg [dreg:$0xc]  }
0x477: {  	p0 =	sne.s32 s2, s25  }
.Ltmp13:
0x478: {  	_ = 	snop;
	(pc) =	sbr.rel @p0 .LBB2_1-.Ltmp13, $3  }
0x479: {  	_ =	sdelay $0x1  }
0x47a: {  	[sflag:s12] =	ssyncset.done $0x0  }
0x47b: {  	[sflag:s12] =	ssyncadd.s32 $0xFFFFC000  }
0x47c: {  	_ =	sfence.sel $0x180000  }
0x47d: {  	[bflag:$0x0] =	sbarrier.arrive $0xFFFF  }
0x47e: {  	_ =	strace $0x90000047  }
0x47f: {  	s0 =	stileid.u32;
	[bflag:$0x2] =	sbarrier.arrive $0xFFFF  }
0x480: {  	p0 =	sne.s32 s0, $0x0;
	s0 =	rddreg [dreg:$0x5]  }
0x481: {  	s0 =	sadd.s32 @!p0 $0x100000, s0  }
0x482: {  	[sflag:s0] =	ssyncadd.tile.s32 @!p0 $0x1;
	_ =	shalt  }
.Lfunc_end2:
_tile_overlayer_lowered:
.L_overlay_start_2:
0x483: {  	(tag) =	ssettag $0x2  }
0x484: {  	s0 =	rddreg [dreg:$0x0];
	s2 =	stileid.u32  }
0x485: {  	s1 =	rddreg [dreg:$0x1];
	p0 =	sne.s32 s2, $0x0  }
0x486: {  	s3 =	rddreg [dreg:$0x2];
	[bflag:$0x3] =	sbarrier.arrive $0xFFFF;
	s2 =	simm.s32 @!p0 $0x1C07  }
0x487: {  	[timem:s3], [sflag:s2] =	dma.local @!p0 [hbm:s0], s1  }
0x488: {  	s0 =	simm.s32 @!p0 $0x7  }
0x489: {  	_ =	swait.ge @!p0 [sflag:s0], s1  }
0x48a: {  	s1 =	ssub.s32 @!p0 $0x0, s1;
	[sflag:s0] =	ssyncset.done @!p0 $0x0  }
0x48b: {  	[sflag:s0] =	ssyncadd.s32 @!p0 s1  }
0x48c: {  	[bflag:$0x3] =	sbarrier.arrive $0xFFFF  }
0x48d: {  	_ =	shalt  }

</sc_bundles>
